<compile_context>
chip_gen: v7x
topology: tpu7x:2x2x1
jax: 0.10.2.dev20260603
libtpu: 0.0.44.dev20260713+nightly
codegen_flags: <defaults>
</compile_context>

<pallas_src>
import functools

import jax
import jax.numpy as jnp
from jax import lax
from jax.experimental import pallas as pl
from jax.experimental.pallas import tpu as pltpu
from jax.experimental.pallas import tpu_sc as plsc

N = 10000
D = 128
H1 = 32
H2 = 16
F = 32
NC = 2
NS = 16
NT = NC * NS
CHUNK = 128
NCH = 80
ZR = 640
ZSTRIDE = 624
_IL = [v for k in range(16) for v in (k, 16 + k)]


def _take16(vec, idx):
    return lax.gather(
        vec, idx[:, None],
        dimension_numbers=lax.GatherDimensionNumbers(
            offset_dims=(), collapsed_slice_dims=(0,), start_index_map=(0,)),
        slice_sizes=(1,),
        mode=lax.GatherScatterMode.PROMISE_IN_BOUNDS)


def _spmm_body(table, src3, dst3, w3, zeros, out,
               acc, table_sp, zbuf, src2d, dst2d, w2d, gb, sb,
               gsem0, gsem1, ssem0, ssem1):
    c = lax.axis_index("c")
    s = lax.axis_index("s")
    gsem = (gsem0, gsem1)
    ssem = (ssem0, ssem1)

    row0 = pl.multiple_of(s * ZSTRIDE, 8)
    wid = c * NS + s
    pltpu.async_copy(zeros, acc.at[pl.ds(row0, ZR)], gsem0)
    pltpu.async_copy(table.at[pl.ds(row0, ZR)],
                     table_sp.at[pl.ds(row0, ZR)], gsem1)
    pltpu.async_copy(src3.at[wid], src2d, ssem0)
    pltpu.async_copy(dst3.at[wid], dst2d, ssem1)
    pltpu.sync_copy(w3.at[wid], w2d)
    pltpu.make_async_copy(zeros, acc.at[pl.ds(row0, ZR)], gsem0).wait()
    pltpu.make_async_copy(table.at[pl.ds(row0, ZR)],
                          table_sp.at[pl.ds(row0, ZR)], gsem1).wait()
    pltpu.make_async_copy(src3.at[wid], src2d, ssem0).wait()
    pltpu.make_async_copy(dst3.at[wid], dst2d, ssem1).wait()
    plsc.subcore_barrier()

    def scale(b, ch):
        gbr = gb.at[b]
        sbr = sb.at[b]
        himask = jnp.full((16,), -65536, jnp.int32)

        def scale_body(g, _):
            w16 = w2d[ch, pl.ds(g * 16, 16)]
            e0 = g * 16
            for j in range(16):
                splat = _take16(w16, jnp.full((16,), j, jnp.int32))
                u = gbr[e0 + j, :]
                lo = lax.bitcast_convert_type(
                    lax.shift_left(u, 16), jnp.float32)
                hi = lax.bitcast_convert_type(
                    lax.bitwise_and(u, himask), jnp.float32)
                sbr[e0 + j, pl.ds(0, 16)] = lo * splat
                sbr[e0 + j, pl.ds(16, 16)] = hi * splat
            return 0

        lax.fori_loop(0, CHUNK // 16, scale_body, 0, unroll=False)

    pltpu.async_copy(table_sp.at[src2d.at[0]], gb.at[0], gsem[0])
    pltpu.async_copy(table_sp.at[src2d.at[1]], gb.at[1], gsem[1])

    def pipe_body(k2, _):
        for b in range(2):
            ch = 2 * k2 + b

            @pl.when(k2 >= 1)
            def _():
                pltpu.make_async_copy(
                    sb.at[b], acc.at[dst2d.at[ch - 2]], ssem[b]).wait()

            pltpu.make_async_copy(
                table_sp.at[src2d.at[ch]], gb.at[b], gsem[b]).wait()
            scale(b, ch)
            pltpu.async_copy(sb.at[b], acc.at[dst2d.at[ch]], ssem[b],
                             add=True)

            @pl.when(k2 <= (NCH - 4) // 2)
            def _():
                pltpu.async_copy(
                    table_sp.at[src2d.at[ch + 2]], gb.at[b], gsem[b])
        return 0

    lax.fori_loop(0, NCH // 2, pipe_body, 0, unroll=False)
    for b in range(2):
        pltpu.make_async_copy(
            sb.at[b], acc.at[dst2d.at[NCH - 2 + b]], ssem[b]).wait()
    plsc.subcore_barrier()

    pltpu.sync_copy(acc.at[pl.ds(row0, ZR)], zbuf)
    pltpu.sync_copy(zbuf, out.at[c, pl.ds(row0, ZR)])


@functools.partial(jax.jit, static_argnames=())
def _spmm(table, src_p, dst_p, w_p, zeros):
    kern = pl.kernel(
        _spmm_body,
        out_type=jax.ShapeDtypeStruct((NC, N, F), jnp.float32),
        mesh=plsc.VectorSubcoreMesh(core_axis_name="c", subcore_axis_name="s"),
        compiler_params=pltpu.CompilerParams(use_tc_tiling_on_sc=False),
        scratch_types=[
            pltpu.VMEM_SHARED((N, F), jnp.float32),
            pltpu.VMEM_SHARED((N, F // 2), jnp.int32),
            pltpu.VMEM((ZR, F), jnp.float32),
            pltpu.VMEM((NCH, CHUNK), jnp.int32),
            pltpu.VMEM((NCH, CHUNK), jnp.int32),
            pltpu.VMEM((NCH, CHUNK), jnp.float32),
            pltpu.VMEM((2, CHUNK, F // 2), jnp.int32),
            pltpu.VMEM((2, CHUNK, F), jnp.float32),
            pltpu.SemaphoreType.DMA,
            pltpu.SemaphoreType.DMA,
            pltpu.SemaphoreType.DMA,
            pltpu.SemaphoreType.DMA,
        ],
    )
    return kern(table, src_p, dst_p, w_p, zeros)


def _mm1_kernel(x_ref, w_ref, o_ref):
    o_ref[...] = jnp.dot(x_ref[...], w_ref[...],
                         preferred_element_type=jnp.float32)


def _mm2_kernel(p0_ref, p1_ref, w_ref, o_ref):
    h = jnp.maximum(p0_ref[...] + p1_ref[...], 0.0)
    o_ref[...] = jnp.dot(h, w_ref[...], preferred_element_type=jnp.float32)


def _gram_kernel(q0i_ref, q1i_ref, q0j_ref, q1j_ref, adj_ref, mlv_ref):
    mi = q0i_ref[...] + q1i_ref[...]
    mj = q0j_ref[...] + q1j_ref[...]
    mlv_ref[...] = mi
    a = mi[:, :H2].astype(jnp.bfloat16)
    b = mj[:, :H2].astype(jnp.bfloat16)
    adj_ref[...] = lax.dot_general(a, b, (((1,), (1,)), ((), ())),
                                   preferred_element_type=jnp.float32)


def kernel(x, edge_index, edge_weight, W1, W2, W3):
    dst = edge_index[0]
    src = edge_index[1]
    e = src.shape[0]
    e_pad = NT * NCH * CHUNK
    pad = e_pad - e
    src_p = jnp.concatenate([src, jnp.zeros((pad,), jnp.int32)]
                            ).reshape(NT, NCH, CHUNK)
    dst_p = jnp.concatenate([dst, jnp.zeros((pad,), jnp.int32)]
                            ).reshape(NT, NCH, CHUNK)
    w_p = jnp.concatenate([edge_weight, jnp.zeros((pad,), jnp.float32)]
                          ).reshape(NT, NCH, CHUNK)
    zeros = jnp.zeros((ZR, F), jnp.float32)
    W23 = jnp.concatenate([W2, W3], axis=1)

    BM = 1000
    support = pl.pallas_call(
        _mm1_kernel,
        grid=(N // BM,),
        in_specs=[pl.BlockSpec((BM, D), lambda i: (i, 0)),
                  pl.BlockSpec((D, H1), lambda i: (0, 0))],
        out_specs=pl.BlockSpec((BM, H1), lambda i: (i, 0)),
        out_shape=jax.ShapeDtypeStruct((N, H1), jnp.float32),
    )(x, W1)

    il = jnp.array(_IL, jnp.int32)

    def _pack_table(tbl):
        b = tbl[:, il].astype(jnp.bfloat16).reshape(N, F // 2, 2)
        return lax.bitcast_convert_type(b, jnp.int32)

    p = _spmm(_pack_table(support), src_p, dst_p, w_p, zeros)

    t = pl.pallas_call(
        _mm2_kernel,
        grid=(N // BM,),
        in_specs=[pl.BlockSpec((BM, F), lambda i: (i, 0)),
                  pl.BlockSpec((BM, F), lambda i: (i, 0)),
                  pl.BlockSpec((H1, F), lambda i: (0, 0))],
        out_specs=pl.BlockSpec((BM, F), lambda i: (i, 0)),
        out_shape=jax.ShapeDtypeStruct((N, F), jnp.float32),
    )(p[0], p[1], W23)

    q = _spmm(_pack_table(t), src_p, dst_p, w_p, zeros)

    BG = 512
    ng = (N + BG - 1) // BG
    adj, mlv = pl.pallas_call(
        _gram_kernel,
        grid=(ng,),
        in_specs=[pl.BlockSpec((BG, F), lambda i: (i, 0)),
                  pl.BlockSpec((BG, F), lambda i: (i, 0)),
                  pl.BlockSpec((N, F), lambda i: (0, 0)),
                  pl.BlockSpec((N, F), lambda i: (0, 0))],
        out_specs=[pl.BlockSpec((BG, N), lambda i: (i, 0)),
                   pl.BlockSpec((BG, F), lambda i: (i, 0))],
        out_shape=[jax.ShapeDtypeStruct((N, N), jnp.float32),
                   jax.ShapeDtypeStruct((N, F), jnp.float32)],
    )(q[0], q[1], q[0], q[1])

    mu = mlv[:, :H2]
    logvar = mlv[:, H2:]
    return (adj, mu, mu, logvar)

# --- scband reference (transcript-rebuilt; emitter-appended) ---
"""Pipeline reference for scband-gcnmodel-vae-31121333027041 (READ-ONLY COPY).

The authoritative reference and input builder live on the scoring server;
editing this copy changes nothing except your own understanding.
"""

import jax, jax.numpy as jnp
import numpy as np

N = 10000
E = 320000
D = 128
H1 = 32
H2 = 16


def _xavier_uniform(key, fan_in, fan_out):
    s = float(np.sqrt(6.0 / (fan_in + fan_out)))
    return jax.random.uniform(key, (fan_in, fan_out), minval=-s, maxval=s, dtype=jnp.float32)


def setup_inputs(seed: int = 0) -> dict:
    key = jax.random.key(seed)
    k1, k2, k3, k4, k5, k6 = jax.random.split(key, 6)
    x = jax.random.normal(k1, (N, D), dtype=jnp.float32)
    edge_index = jax.random.randint(k2, (2, E), 0, N, dtype=jnp.int32)
    edge_weight = jax.random.uniform(k3, (E,), dtype=jnp.float32)
    W1 = _xavier_uniform(k4, D, H1)
    W2 = _xavier_uniform(k5, H1, H2)
    W3 = _xavier_uniform(k6, H1, H2)
    return {"x": x, "edge_index": edge_index, "edge_weight": edge_weight, "W1": W1, "W2": W2, "W3": W3}


def reference(x, edge_index, edge_weight, W1, W2, W3):
    # adj (sparse, COO) multiply: out[row] += w * support[col]
    dst = edge_index[0]
    src = edge_index[1]

    def spmm(support):
        gathered = edge_weight[:, None] * jnp.take(support, src, axis=0)
        return jnp.zeros((N, support.shape[1]), dtype=support.dtype).at[dst].add(gathered)

    # gc1: relu(adj @ (x @ W1)); dropout p=0.0 is identity
    hidden1 = jax.nn.relu(spmm(x @ W1))
    # gc2 / gc3: identity activation
    mu = spmm(hidden1 @ W2)
    logvar = spmm(hidden1 @ W3)
    # eval-mode reparameterize: z = mu (deterministic)
    z = mu
    # InnerProductDecoder with act = identity
    adj_recon = z @ z.T
    return (adj_recon, z, mu, logvar)

if __name__ == "__main__":
    import jax
    _d = setup_inputs()
    print(jax.jit(kernel)(*tuple(_d.values())))

</pallas_src>

<mosaic_0001>
#map = affine_map<(d0, d1) -> (0, 0)>
#map1 = affine_map<(d0, d1) -> (0, 0, 0)>
module attributes {stable_mosaic.version = 14 : i64} {
  func.func @_spmm_body(%arg0: i32, %arg1: i32, %arg2: memref<10000x16xi32, #tpu.memory_space<hbm>>, %arg3: memref<32x80x128xi32, #tpu.memory_space<hbm>>, %arg4: memref<32x80x128xi32, #tpu.memory_space<hbm>>, %arg5: memref<32x80x128xf32, #tpu.memory_space<hbm>>, %arg6: memref<640x32xf32, #tpu.memory_space<hbm>>, %arg7: memref<2x10000x32xf32, #tpu.memory_space<hbm>>, %arg8: memref<10000x32xf32, #tpu.memory_space<vmem_shared>>, %arg9: memref<10000x16xi32, #tpu.memory_space<vmem_shared>>, %arg10: memref<640x32xf32, #tpu.memory_space<vmem>>, %arg11: memref<80x128xi32, #tpu.memory_space<vmem>>, %arg12: memref<80x128xi32, #tpu.memory_space<vmem>>, %arg13: memref<80x128xf32, #tpu.memory_space<vmem>>, %arg14: memref<2x128x16xi32, #tpu.memory_space<vmem>>, %arg15: memref<2x128x32xf32, #tpu.memory_space<vmem>>, %arg16: memref<!tpu.dma_semaphore, #tpu.memory_space<semaphore_mem>>, %arg17: memref<!tpu.dma_semaphore, #tpu.memory_space<semaphore_mem>>, %arg18: memref<!tpu.dma_semaphore, #tpu.memory_space<semaphore_mem>>, %arg19: memref<!tpu.dma_semaphore, #tpu.memory_space<semaphore_mem>>) attributes {dimension_semantics = [#tpu.dimension_semantics<core_parallel>, #tpu.dimension_semantics<subcore_parallel>], iteration_bounds = array<i64: 2, 16>, scalar_prefetch = 0 : i64, scratch_operands = 12 : i64, tpu.core_type = #tpu.core_type<sc_vector_subcore>, window_params = [{transform_indices = #map}, {transform_indices = #map1}, {transform_indices = #map1}, {transform_indices = #map1}, {transform_indices = #map}, {transform_indices = #map1}]} {
    %mul3A = arith.constant 624 : i32
    %mul3A_0 = arith.muli %arg1, %mul3A : i32
    %multiple_of3A = tpu.assume_multiple %mul3A_0, 8 : i32
    %mul3A_1 = arith.constant 16 : i32
    %mul3A_2 = arith.muli %arg0, %mul3A_1 : i32
    %add3A = arith.addi %mul3A_2, %arg1 : i32
    %dma_start3A = arith.constant 0 : i32
    %dma_start3A_3 = tpu.memref_slice %arg8[%multiple_of3A, %dma_start3A] : memref<10000x32xf32, #tpu.memory_space<vmem_shared>> -> memref<640x32xf32, #tpu.memory_space<vmem_shared>>
    tpu.enqueue_dma source(%arg6 : memref<640x32xf32, #tpu.memory_space<hbm>>) target(%dma_start3A_3 : memref<640x32xf32, #tpu.memory_space<vmem_shared>>) target_semaphore(%arg16 : memref<!tpu.dma_semaphore, #tpu.memory_space<semaphore_mem>>)
    %dma_start3A_4 = arith.constant 0 : i32
    %dma_start3A_5 = tpu.memref_slice %arg9[%multiple_of3A, %dma_start3A_4] : memref<10000x16xi32, #tpu.memory_space<vmem_shared>> -> memref<640x16xi32, #tpu.memory_space<vmem_shared>>
    %dma_start3A_6 = arith.constant 0 : i32
    %dma_start3A_7 = tpu.memref_slice %arg2[%multiple_of3A, %dma_start3A_6] : memref<10000x16xi32, #tpu.memory_space<hbm>> -> memref<640x16xi32, #tpu.memory_space<hbm>>
    tpu.enqueue_dma source(%dma_start3A_7 : memref<640x16xi32, #tpu.memory_space<hbm>>) target(%dma_start3A_5 : memref<640x16xi32, #tpu.memory_space<vmem_shared>>) target_semaphore(%arg17 : memref<!tpu.dma_semaphore, #tpu.memory_space<semaphore_mem>>)
    %dma_start3A_8 = arith.constant 0 : i32
    %dma_start3A_9 = arith.constant 0 : i32
    %dma_start3A_10 = tpu.memref_slice %arg3[%add3A, %dma_start3A_8, %dma_start3A_9] : memref<32x80x128xi32, #tpu.memory_space<hbm>> -> memref<1x80x128xi32, #tpu.memory_space<hbm>>
    %dma_start3A_11 = tpu.memref_squeeze %dma_start3A_10 : memref<1x80x128xi32, #tpu.memory_space<hbm>> -> memref<80x128xi32, #tpu.memory_space<hbm>>
    %dma_start3A_12 = arith.constant 0 : i32
    %dma_start3A_13 = arith.constant 0 : i32
    %dma_start3A_14 = tpu.memref_slice %arg3[%add3A, %dma_start3A_12, %dma_start3A_13] : memref<32x80x128xi32, #tpu.memory_space<hbm>> -> memref<1x80x128xi32, #tpu.memory_space<hbm>>
    %dma_start3A_15 = tpu.memref_squeeze %dma_start3A_14 : memref<1x80x128xi32, #tpu.memory_space<hbm>> -> memref<80x128xi32, #tpu.memory_space<hbm>>
    tpu.enqueue_dma source(%dma_start3A_15 : memref<80x128xi32, #tpu.memory_space<hbm>>) target(%arg11 : memref<80x128xi32, #tpu.memory_space<vmem>>) target_semaphore(%arg18 : memref<!tpu.dma_semaphore, #tpu.memory_space<semaphore_mem>>)
    %dma_start3A_16 = arith.constant 0 : i32
    %dma_start3A_17 = arith.constant 0 : i32
    %dma_start3A_18 = tpu.memref_slice %arg4[%add3A, %dma_start3A_16, %dma_start3A_17] : memref<32x80x128xi32, #tpu.memory_space<hbm>> -> memref<1x80x128xi32, #tpu.memory_space<hbm>>
    %dma_start3A_19 = tpu.memref_squeeze %dma_start3A_18 : memref<1x80x128xi32, #tpu.memory_space<hbm>> -> memref<80x128xi32, #tpu.memory_space<hbm>>
    %dma_start3A_20 = arith.constant 0 : i32
    %dma_start3A_21 = arith.constant 0 : i32
    %dma_start3A_22 = tpu.memref_slice %arg4[%add3A, %dma_start3A_20, %dma_start3A_21] : memref<32x80x128xi32, #tpu.memory_space<hbm>> -> memref<1x80x128xi32, #tpu.memory_space<hbm>>
    %dma_start3A_23 = tpu.memref_squeeze %dma_start3A_22 : memref<1x80x128xi32, #tpu.memory_space<hbm>> -> memref<80x128xi32, #tpu.memory_space<hbm>>
    tpu.enqueue_dma source(%dma_start3A_23 : memref<80x128xi32, #tpu.memory_space<hbm>>) target(%arg12 : memref<80x128xi32, #tpu.memory_space<vmem>>) target_semaphore(%arg19 : memref<!tpu.dma_semaphore, #tpu.memory_space<semaphore_mem>>)
    "tpu.region"() ({
      %run_scoped3A = tpu.sem_alloc : memref<!tpu.dma_semaphore, #tpu.memory_space<semaphore_mem>>
      %dma_start3A_100 = arith.constant 0 : i32
      %dma_start3A_101 = arith.constant 0 : i32
      %dma_start3A_102 = tpu.memref_slice %arg5[%add3A, %dma_start3A_100, %dma_start3A_101] : memref<32x80x128xf32, #tpu.memory_space<hbm>> -> memref<1x80x128xf32, #tpu.memory_space<hbm>>
      %dma_start3A_103 = tpu.memref_squeeze %dma_start3A_102 : memref<1x80x128xf32, #tpu.memory_space<hbm>> -> memref<80x128xf32, #tpu.memory_space<hbm>>
      %dma_start3A_104 = arith.constant 0 : i32
      %dma_start3A_105 = arith.constant 0 : i32
      %dma_start3A_106 = tpu.memref_slice %arg5[%add3A, %dma_start3A_104, %dma_start3A_105] : memref<32x80x128xf32, #tpu.memory_space<hbm>> -> memref<1x80x128xf32, #tpu.memory_space<hbm>>
      %dma_start3A_107 = tpu.memref_squeeze %dma_start3A_106 : memref<1x80x128xf32, #tpu.memory_space<hbm>> -> memref<80x128xf32, #tpu.memory_space<hbm>>
      tpu.enqueue_dma source(%dma_start3A_107 : memref<80x128xf32, #tpu.memory_space<hbm>>) target(%arg13 : memref<80x128xf32, #tpu.memory_space<vmem>>) target_semaphore(%run_scoped3A : memref<!tpu.dma_semaphore, #tpu.memory_space<semaphore_mem>>)
      %dma_wait3A_108 = arith.constant 0 : i32
      %dma_wait3A_109 = arith.constant 0 : i32
      %dma_wait3A_110 = tpu.memref_slice %arg5[%add3A, %dma_wait3A_108, %dma_wait3A_109] : memref<32x80x128xf32, #tpu.memory_space<hbm>> -> memref<1x80x128xf32, #tpu.memory_space<hbm>>
      %dma_wait3A_111 = tpu.memref_squeeze %dma_wait3A_110 : memref<1x80x128xf32, #tpu.memory_space<hbm>> -> memref<80x128xf32, #tpu.memory_space<hbm>>
      %dma_wait3A_112 = arith.constant 0 : i32
      %dma_wait3A_113 = arith.constant 0 : i32
      %dma_wait3A_114 = tpu.memref_slice %arg5[%add3A, %dma_wait3A_112, %dma_wait3A_113] : memref<32x80x128xf32, #tpu.memory_space<hbm>> -> memref<1x80x128xf32, #tpu.memory_space<hbm>>
      %dma_wait3A_115 = tpu.memref_squeeze %dma_wait3A_114 : memref<1x80x128xf32, #tpu.memory_space<hbm>> -> memref<80x128xf32, #tpu.memory_space<hbm>>
      tpu.wait_dma2 semaphore(%run_scoped3A : memref<!tpu.dma_semaphore, #tpu.memory_space<semaphore_mem>>) src(%dma_wait3A_115 : memref<80x128xf32, #tpu.memory_space<hbm>>) dst(%arg13 : memref<80x128xf32, #tpu.memory_space<vmem>>)
      tpu.yield
    }) : () -> ()
    %dma_wait3A = arith.constant 0 : i32
    %dma_wait3A_24 = tpu.memref_slice %arg8[%multiple_of3A, %dma_wait3A] : memref<10000x32xf32, #tpu.memory_space<vmem_shared>> -> memref<640x32xf32, #tpu.memory_space<vmem_shared>>
    tpu.wait_dma2 semaphore(%arg16 : memref<!tpu.dma_semaphore, #tpu.memory_space<semaphore_mem>>) src(%arg6 : memref<640x32xf32, #tpu.memory_space<hbm>>) dst(%dma_wait3A_24 : memref<640x32xf32, #tpu.memory_space<vmem_shared>>)
    %dma_wait3A_25 = arith.constant 0 : i32
    %dma_wait3A_26 = tpu.memref_slice %arg9[%multiple_of3A, %dma_wait3A_25] : memref<10000x16xi32, #tpu.memory_space<vmem_shared>> -> memref<640x16xi32, #tpu.memory_space<vmem_shared>>
    %dma_wait3A_27 = arith.constant 0 : i32
    %dma_wait3A_28 = tpu.memref_slice %arg2[%multiple_of3A, %dma_wait3A_27] : memref<10000x16xi32, #tpu.memory_space<hbm>> -> memref<640x16xi32, #tpu.memory_space<hbm>>
    tpu.wait_dma2 semaphore(%arg17 : memref<!tpu.dma_semaphore, #tpu.memory_space<semaphore_mem>>) src(%dma_wait3A_28 : memref<640x16xi32, #tpu.memory_space<hbm>>) dst(%dma_wait3A_26 : memref<640x16xi32, #tpu.memory_space<vmem_shared>>)
    %dma_wait3A_29 = arith.constant 0 : i32
    %dma_wait3A_30 = arith.constant 0 : i32
    %dma_wait3A_31 = tpu.memref_slice %arg3[%add3A, %dma_wait3A_29, %dma_wait3A_30] : memref<32x80x128xi32, #tpu.memory_space<hbm>> -> memref<1x80x128xi32, #tpu.memory_space<hbm>>
    %dma_wait3A_32 = tpu.memref_squeeze %dma_wait3A_31 : memref<1x80x128xi32, #tpu.memory_space<hbm>> -> memref<80x128xi32, #tpu.memory_space<hbm>>
    %dma_wait3A_33 = arith.constant 0 : i32
    %dma_wait3A_34 = arith.constant 0 : i32
    %dma_wait3A_35 = tpu.memref_slice %arg3[%add3A, %dma_wait3A_33, %dma_wait3A_34] : memref<32x80x128xi32, #tpu.memory_space<hbm>> -> memref<1x80x128xi32, #tpu.memory_space<hbm>>
    %dma_wait3A_36 = tpu.memref_squeeze %dma_wait3A_35 : memref<1x80x128xi32, #tpu.memory_space<hbm>> -> memref<80x128xi32, #tpu.memory_space<hbm>>
    tpu.wait_dma2 semaphore(%arg18 : memref<!tpu.dma_semaphore, #tpu.memory_space<semaphore_mem>>) src(%dma_wait3A_36 : memref<80x128xi32, #tpu.memory_space<hbm>>) dst(%arg11 : memref<80x128xi32, #tpu.memory_space<vmem>>)
    %dma_wait3A_37 = arith.constant 0 : i32
    %dma_wait3A_38 = arith.constant 0 : i32
    %dma_wait3A_39 = tpu.memref_slice %arg4[%add3A, %dma_wait3A_37, %dma_wait3A_38] : memref<32x80x128xi32, #tpu.memory_space<hbm>> -> memref<1x80x128xi32, #tpu.memory_space<hbm>>
    %dma_wait3A_40 = tpu.memref_squeeze %dma_wait3A_39 : memref<1x80x128xi32, #tpu.memory_space<hbm>> -> memref<80x128xi32, #tpu.memory_space<hbm>>
    %dma_wait3A_41 = arith.constant 0 : i32
    %dma_wait3A_42 = arith.constant 0 : i32
    %dma_wait3A_43 = tpu.memref_slice %arg4[%add3A, %dma_wait3A_41, %dma_wait3A_42] : memref<32x80x128xi32, #tpu.memory_space<hbm>> -> memref<1x80x128xi32, #tpu.memory_space<hbm>>
    %dma_wait3A_44 = tpu.memref_squeeze %dma_wait3A_43 : memref<1x80x128xi32, #tpu.memory_space<hbm>> -> memref<80x128xi32, #tpu.memory_space<hbm>>
    tpu.wait_dma2 semaphore(%arg19 : memref<!tpu.dma_semaphore, #tpu.memory_space<semaphore_mem>>) src(%dma_wait3A_44 : memref<80x128xi32, #tpu.memory_space<hbm>>) dst(%arg12 : memref<80x128xi32, #tpu.memory_space<vmem>>)
    %barrier3A = arith.constant 0 : index
    tpu.barrier barrier_id(%barrier3A)
    %dma_start3A_45 = arith.constant 0 : i32
    %dma_start3A_46 = arith.constant 0 : i32
    %dma_start3A_47 = arith.constant 0 : i32
    %dma_start3A_48 = arith.constant 0 : i32
    %dma_start3A_49 = tpu.memref_slice %arg14[%dma_start3A_46, %dma_start3A_47, %dma_start3A_48] : memref<2x128x16xi32, #tpu.memory_space<vmem>> -> memref<1x128x16xi32, #tpu.memory_space<vmem>>
    %dma_start3A_50 = tpu.memref_squeeze %dma_start3A_49 : memref<1x128x16xi32, #tpu.memory_space<vmem>> -> memref<128x16xi32, #tpu.memory_space<vmem>>
    %dma_start3A_51 = arith.constant 0 : i32
    %dma_start3A_52 = tpu.memref_slice %arg11[%dma_start3A_45, %dma_start3A_51] : memref<80x128xi32, #tpu.memory_space<vmem>> -> memref<1x128xi32, #tpu.memory_space<vmem>>
    %dma_start3A_53 = tpu.memref_squeeze %dma_start3A_52 : memref<1x128xi32, #tpu.memory_space<vmem>> -> memref<128xi32, #tpu.memory_space<vmem>>
    %dma_start3A_54 = arith.constant 0 : i32
    %dma_start3A_55 = arith.constant 0 : i32
    %dma_start3A_56 = tpu.memref_slice %arg9[%dma_start3A_54, %dma_start3A_55] : memref<10000x16xi32, #tpu.memory_space<vmem_shared>> -> memref<10000x16xi32, #tpu.memory_space<vmem_shared>>
    tpu.enqueue_indirect_dma source(%dma_start3A_56 : memref<10000x16xi32, #tpu.memory_space<vmem_shared>>) target(%dma_start3A_50 : memref<128x16xi32, #tpu.memory_space<vmem>>) offsets(%dma_start3A_53 : memref<128xi32, #tpu.memory_space<vmem>>) semaphore(%arg16 : memref<!tpu.dma_semaphore, #tpu.memory_space<semaphore_mem>>)
    %dma_start3A_57 = arith.constant 1 : i32
    %dma_start3A_58 = arith.constant 1 : i32
    %dma_start3A_59 = arith.constant 0 : i32
    %dma_start3A_60 = arith.constant 0 : i32
    %dma_start3A_61 = tpu.memref_slice %arg14[%dma_start3A_58, %dma_start3A_59, %dma_start3A_60] : memref<2x128x16xi32, #tpu.memory_space<vmem>> -> memref<1x128x16xi32, #tpu.memory_space<vmem>>
    %dma_start3A_62 = tpu.memref_squeeze %dma_start3A_61 : memref<1x128x16xi32, #tpu.memory_space<vmem>> -> memref<128x16xi32, #tpu.memory_space<vmem>>
    %dma_start3A_63 = arith.constant 0 : i32
    %dma_start3A_64 = tpu.memref_slice %arg11[%dma_start3A_57, %dma_start3A_63] : memref<80x128xi32, #tpu.memory_space<vmem>> -> memref<1x128xi32, #tpu.memory_space<vmem>>
    %dma_start3A_65 = tpu.memref_squeeze %dma_start3A_64 : memref<1x128xi32, #tpu.memory_space<vmem>> -> memref<128xi32, #tpu.memory_space<vmem>>
    %dma_start3A_66 = arith.constant 0 : i32
    %dma_start3A_67 = arith.constant 0 : i32
    %dma_start3A_68 = tpu.memref_slice %arg9[%dma_start3A_66, %dma_start3A_67] : memref<10000x16xi32, #tpu.memory_space<vmem_shared>> -> memref<10000x16xi32, #tpu.memory_space<vmem_shared>>
    tpu.enqueue_indirect_dma source(%dma_start3A_68 : memref<10000x16xi32, #tpu.memory_space<vmem_shared>>) target(%dma_start3A_62 : memref<128x16xi32, #tpu.memory_space<vmem>>) offsets(%dma_start3A_65 : memref<128xi32, #tpu.memory_space<vmem>>) semaphore(%arg17 : memref<!tpu.dma_semaphore, #tpu.memory_space<semaphore_mem>>)
    %scan3A = arith.constant 0 : i32
    %scan3A_69 = arith.constant 0 : i32
    %scan3A_70 = arith.constant 40 : i32
    %scan3A_71 = arith.addi %scan3A_69, %scan3A_70 : i32
    %scan3A_72 = arith.constant 1 : i32
    %scan3A_73 = scf.for %scan3A_100 = %scan3A_69 to %scan3A_71 step %scan3A_72 iter_args(%scan3A_101 = %scan3A) -> (i32)  : i32 {
      %mul3A_102 = arith.constant 2 : i32
      %mul3A_103 = arith.muli %mul3A_102, %scan3A_100 : i32
      %add3A_104 = arith.constant 0 : i32
      %add3A_105 = arith.addi %mul3A_103, %add3A_104 : i32
      %ge3A = arith.constant 1 : i32
      %ge3A_106 = arith.cmpi sge, %scan3A_100, %ge3A : i32
      %convert_element_type3A = arith.extui %ge3A_106 : i1 to i32
      %cond3A = arith.constant 0 : i32
      %cond3A_107 = arith.cmpi ne, %convert_element_type3A, %cond3A : i32
      scf.if %cond3A_107 {
        %sub3A = arith.constant 2 : i32
        %sub3A_192 = arith.subi %add3A_105, %sub3A : i32
        %dma_wait3A_193 = arith.constant 0 : i32
        %dma_wait3A_194 = arith.constant 0 : i32
        %dma_wait3A_195 = arith.constant 0 : i32
        %dma_wait3A_196 = tpu.memref_slice %arg15[%dma_wait3A_193, %dma_wait3A_194, %dma_wait3A_195] : memref<2x128x32xf32, #tpu.memory_space<vmem>> -> memref<1x128x32xf32, #tpu.memory_space<vmem>>
        %dma_wait3A_197 = tpu.memref_squeeze %dma_wait3A_196 : memref<1x128x32xf32, #tpu.memory_space<vmem>> -> memref<128x32xf32, #tpu.memory_space<vmem>>
        %dma_wait3A_198 = arith.constant 0 : i32
        %dma_wait3A_199 = tpu.memref_slice %arg12[%sub3A_192, %dma_wait3A_198] : memref<80x128xi32, #tpu.memory_space<vmem>> -> memref<1x128xi32, #tpu.memory_space<vmem>>
        %dma_wait3A_200 = tpu.memref_squeeze %dma_wait3A_199 : memref<1x128xi32, #tpu.memory_space<vmem>> -> memref<128xi32, #tpu.memory_space<vmem>>
        %dma_wait3A_201 = arith.constant 0 : i32
        %dma_wait3A_202 = arith.constant 0 : i32
        %dma_wait3A_203 = tpu.memref_slice %arg8[%dma_wait3A_201, %dma_wait3A_202] : memref<10000x32xf32, #tpu.memory_space<vmem_shared>> -> memref<10000x32xf32, #tpu.memory_space<vmem_shared>>
        tpu.wait_indirect_dma semaphore(%arg18 : memref<!tpu.dma_semaphore, #tpu.memory_space<semaphore_mem>>) src(%dma_wait3A_197 : memref<128x32xf32, #tpu.memory_space<vmem>>) dst(%dma_wait3A_203 : memref<10000x32xf32, #tpu.memory_space<vmem_shared>>)
      } else {
      }
      %dma_wait3A_108 = arith.constant 0 : i32
      %dma_wait3A_109 = arith.constant 0 : i32
      %dma_wait3A_110 = arith.constant 0 : i32
      %dma_wait3A_111 = tpu.memref_slice %arg14[%dma_wait3A_108, %dma_wait3A_109, %dma_wait3A_110] : memref<2x128x16xi32, #tpu.memory_space<vmem>> -> memref<1x128x16xi32, #tpu.memory_space<vmem>>
      %dma_wait3A_112 = tpu.memref_squeeze %dma_wait3A_111 : memref<1x128x16xi32, #tpu.memory_space<vmem>> -> memref<128x16xi32, #tpu.memory_space<vmem>>
      %dma_wait3A_113 = arith.constant 0 : i32
      %dma_wait3A_114 = tpu.memref_slice %arg11[%add3A_105, %dma_wait3A_113] : memref<80x128xi32, #tpu.memory_space<vmem>> -> memref<1x128xi32, #tpu.memory_space<vmem>>
      %dma_wait3A_115 = tpu.memref_squeeze %dma_wait3A_114 : memref<1x128xi32, #tpu.memory_space<vmem>> -> memref<128xi32, #tpu.memory_space<vmem>>
      %dma_wait3A_116 = arith.constant 0 : i32
      %dma_wait3A_117 = arith.constant 0 : i32
      %dma_wait3A_118 = tpu.memref_slice %arg9[%dma_wait3A_116, %dma_wait3A_117] : memref<10000x16xi32, #tpu.memory_space<vmem_shared>> -> memref<10000x16xi32, #tpu.memory_space<vmem_shared>>
      tpu.wait_indirect_dma semaphore(%arg16 : memref<!tpu.dma_semaphore, #tpu.memory_space<semaphore_mem>>) src(%dma_wait3A_118 : memref<10000x16xi32, #tpu.memory_space<vmem_shared>>) dst(%dma_wait3A_112 : memref<128x16xi32, #tpu.memory_space<vmem>>)
      %broadcast_in_dim3A = arith.constant -65536 : i32
      %broadcast_in_dim3A_119 = vector.broadcast %broadcast_in_dim3A : i32 to vector<16xi32>
      %scan3A_120 = arith.constant 0 : i32
      %scan3A_121 = arith.constant 0 : i32
      %scan3A_122 = arith.constant 0 : i32
      %scan3A_123 = arith.constant 0 : i32
      %scan3A_124 = arith.constant 8 : i32
      %scan3A_125 = arith.addi %scan3A_123, %scan3A_124 : i32
      %scan3A_126 = arith.constant 1 : i32
      %scan3A_127 = scf.for %scan3A_192 = %scan3A_123 to %scan3A_125 step %scan3A_126 iter_args(%scan3A_193 = %scan3A_122) -> (i32)  : i32 {
        %mul3A_194 = arith.constant 16 : i32
        %mul3A_195 = arith.muli %scan3A_192, %mul3A_194 : i32
        %get3A = arith.index_cast %add3A_105 : i32 to index
        %get3A_196 = arith.index_cast %mul3A_195 : i32 to index
        %get3A_197 = tpu.vector_load %arg13[%get3A, %get3A_196] {strides = array<i32>} : memref<80x128xf32, #tpu.memory_space<vmem>>, vector<1x16xf32>,
        %get3A_198 = vector.shape_cast %get3A_197 : vector<1x16xf32> to vector<16xf32>
        %mul3A_199 = arith.constant 16 : i32
        %mul3A_200 = arith.muli %scan3A_192, %mul3A_199 : i32
        %broadcast_in_dim3A_201 = arith.constant 0 : i32
        %broadcast_in_dim3A_202 = vector.broadcast %broadcast_in_dim3A_201 : i32 to vector<16xi32>
        %broadcast_in_dim3A_203 = vector.shape_cast %broadcast_in_dim3A_202 : vector<16xi32> to vector<16x1xi32>
        %gather3A = vector.shape_cast %broadcast_in_dim3A_203 : vector<16x1xi32> to vector<16xi32>
        %gather3A_204 = tpu.dynamic_gather %get3A_198[%gather3A] in [0] : vector<16xf32>, vector<16xi32> -> vector<16xf32>
        %add3A_205 = arith.constant 0 : i32
        %add3A_206 = arith.addi %mul3A_200, %add3A_205 : i32
        %get3A_207 = arith.constant 0 : i32
        %get3A_208 = arith.constant 0 : i32
        %get3A_209 = tpu.memref_slice %arg14[%scan3A_120, %get3A_207, %get3A_208] : memref<2x128x16xi32, #tpu.memory_space<vmem>> -> memref<1x128x16xi32, #tpu.memory_space<vmem>>
        %get3A_210 = tpu.memref_squeeze %get3A_209 : memref<1x128x16xi32, #tpu.memory_space<vmem>> -> memref<128x16xi32, #tpu.memory_space<vmem>>
        %get3A_211 = arith.index_cast %add3A_206 : i32 to index
        %get3A_212 = arith.constant 0 : index
        %get3A_213 = tpu.vector_load %get3A_210[%get3A_211, %get3A_212] {strides = array<i32>} : memref<128x16xi32, #tpu.memory_space<vmem>>, vector<1x16xi32>,
        %get3A_214 = vector.shape_cast %get3A_213 : vector<1x16xi32> to vector<16xi32>
        %shift_left3A = arith.constant 16 : i32
        %shift_left3A_215 = vector.broadcast %shift_left3A : i32 to vector<16xi32>
        %shift_left3A_216 = arith.shli %get3A_214, %shift_left3A_215 : vector<16xi32>
        %bitcast_convert_type3A = tpu.bitcast %shift_left3A_216 : vector<16xi32> -> vector<16xf32>
        %and3A = arith.andi %get3A_214, %broadcast_in_dim3A_119 : vector<16xi32>
        %bitcast_convert_type3A_217 = tpu.bitcast %and3A : vector<16xi32> -> vector<16xf32>
        %mul3A_218 = arith.mulf %bitcast_convert_type3A, %gather3A_204 : vector<16xf32>
        %add3A_219 = arith.constant 0 : i32
        %add3A_220 = arith.addi %mul3A_200, %add3A_219 : i32
        %swap3A = arith.constant 0 : i32
        %swap3A_221 = arith.constant 0 : i32
        %swap3A_222 = tpu.memref_slice %arg15[%scan3A_121, %swap3A, %swap3A_221] : memref<2x128x32xf32, #tpu.memory_space<vmem>> -> memref<1x128x32xf32, #tpu.memory_space<vmem>>
        %swap3A_223 = tpu.memref_squeeze %swap3A_222 : memref<1x128x32xf32, #tpu.memory_space<vmem>> -> memref<128x32xf32, #tpu.memory_space<vmem>>
        %swap3A_224 = arith.index_cast %add3A_220 : i32 to index
        %swap3A_225 = arith.constant 0 : index
        %swap3A_226 = tpu.vector_load %swap3A_223[%swap3A_224, %swap3A_225] {strides = array<i32>} : memref<128x32xf32, #tpu.memory_space<vmem>>, vector<1x16xf32>,
        %swap3A_227 = vector.shape_cast %swap3A_226 : vector<1x16xf32> to vector<16xf32>
        %swap3A_228 = vector.shape_cast %mul3A_218 : vector<16xf32> to vector<1x16xf32>
        tpu.vector_store %swap3A_223[%swap3A_224, %swap3A_225], %swap3A_228 {strides = array<i32>} : memref<128x32xf32, #tpu.memory_space<vmem>>, vector<1x16xf32>,
        %mul3A_229 = arith.mulf %bitcast_convert_type3A_217, %gather3A_204 : vector<16xf32>
        %add3A_230 = arith.constant 0 : i32
        %add3A_231 = arith.addi %mul3A_200, %add3A_230 : i32
        %swap3A_232 = arith.constant 0 : i32
        %swap3A_233 = arith.constant 0 : i32
        %swap3A_234 = tpu.memref_slice %arg15[%scan3A_121, %swap3A_232, %swap3A_233] : memref<2x128x32xf32, #tpu.memory_space<vmem>> -> memref<1x128x32xf32, #tpu.memory_space<vmem>>
        %swap3A_235 = tpu.memref_squeeze %swap3A_234 : memref<1x128x32xf32, #tpu.memory_space<vmem>> -> memref<128x32xf32, #tpu.memory_space<vmem>>
        %swap3A_236 = arith.index_cast %add3A_231 : i32 to index
        %swap3A_237 = arith.constant 16 : index
        %swap3A_238 = tpu.vector_load %swap3A_235[%swap3A_236, %swap3A_237] {strides = array<i32>} : memref<128x32xf32, #tpu.memory_space<vmem>>, vector<1x16xf32>,
        %swap3A_239 = vector.shape_cast %swap3A_238 : vector<1x16xf32> to vector<16xf32>
        %swap3A_240 = vector.shape_cast %mul3A_229 : vector<16xf32> to vector<1x16xf32>
        tpu.vector_store %swap3A_235[%swap3A_236, %swap3A_237], %swap3A_240 {strides = array<i32>} : memref<128x32xf32, #tpu.memory_space<vmem>>, vector<1x16xf32>,
        %broadcast_in_dim3A_241 = arith.constant 1 : i32
        %broadcast_in_dim3A_242 = vector.broadcast %broadcast_in_dim3A_241 : i32 to vector<16xi32>
        %broadcast_in_dim3A_243 = vector.shape_cast %broadcast_in_dim3A_242 : vector<16xi32> to vector<16x1xi32>
        %gather3A_244 = vector.shape_cast %broadcast_in_dim3A_243 : vector<16x1xi32> to vector<16xi32>
        %gather3A_245 = tpu.dynamic_gather %get3A_198[%gather3A_244] in [0] : vector<16xf32>, vector<16xi32> -> vector<16xf32>
        %add3A_246 = arith.constant 1 : i32
        %add3A_247 = arith.addi %mul3A_200, %add3A_246 : i32
        %get3A_248 = arith.constant 0 : i32
        %get3A_249 = arith.constant 0 : i32
        %get3A_250 = tpu.memref_slice %arg14[%scan3A_120, %get3A_248, %get3A_249] : memref<2x128x16xi32, #tpu.memory_space<vmem>> -> memref<1x128x16xi32, #tpu.memory_space<vmem>>
        %get3A_251 = tpu.memref_squeeze %get3A_250 : memref<1x128x16xi32, #tpu.memory_space<vmem>> -> memref<128x16xi32, #tpu.memory_space<vmem>>
        %get3A_252 = arith.index_cast %add3A_247 : i32 to index
        %get3A_253 = arith.constant 0 : index
        %get3A_254 = tpu.vector_load %get3A_251[%get3A_252, %get3A_253] {strides = array<i32>} : memref<128x16xi32, #tpu.memory_space<vmem>>, vector<1x16xi32>,
        %get3A_255 = vector.shape_cast %get3A_254 : vector<1x16xi32> to vector<16xi32>
        %shift_left3A_256 = arith.constant 16 : i32
        %shift_left3A_257 = vector.broadcast %shift_left3A_256 : i32 to vector<16xi32>
        %shift_left3A_258 = arith.shli %get3A_255, %shift_left3A_257 : vector<16xi32>
        %bitcast_convert_type3A_259 = tpu.bitcast %shift_left3A_258 : vector<16xi32> -> vector<16xf32>
        %and3A_260 = arith.andi %get3A_255, %broadcast_in_dim3A_119 : vector<16xi32>
        %bitcast_convert_type3A_261 = tpu.bitcast %and3A_260 : vector<16xi32> -> vector<16xf32>
        %mul3A_262 = arith.mulf %bitcast_convert_type3A_259, %gather3A_245 : vector<16xf32>
        %add3A_263 = arith.constant 1 : i32
        %add3A_264 = arith.addi %mul3A_200, %add3A_263 : i32
        %swap3A_265 = arith.constant 0 : i32
        %swap3A_266 = arith.constant 0 : i32
        %swap3A_267 = tpu.memref_slice %arg15[%scan3A_121, %swap3A_265, %swap3A_266] : memref<2x128x32xf32, #tpu.memory_space<vmem>> -> memref<1x128x32xf32, #tpu.memory_space<vmem>>
        %swap3A_268 = tpu.memref_squeeze %swap3A_267 : memref<1x128x32xf32, #tpu.memory_space<vmem>> -> memref<128x32xf32, #tpu.memory_space<vmem>>
        %swap3A_269 = arith.index_cast %add3A_264 : i32 to index
        %swap3A_270 = arith.constant 0 : index
        %swap3A_271 = tpu.vector_load %swap3A_268[%swap3A_269, %swap3A_270] {strides = array<i32>} : memref<128x32xf32, #tpu.memory_space<vmem>>, vector<1x16xf32>,
        %swap3A_272 = vector.shape_cast %swap3A_271 : vector<1x16xf32> to vector<16xf32>
        %swap3A_273 = vector.shape_cast %mul3A_262 : vector<16xf32> to vector<1x16xf32>
        tpu.vector_store %swap3A_268[%swap3A_269, %swap3A_270], %swap3A_273 {strides = array<i32>} : memref<128x32xf32, #tpu.memory_space<vmem>>, vector<1x16xf32>,
        %mul3A_274 = arith.mulf %bitcast_convert_type3A_261, %gather3A_245 : vector<16xf32>
        %add3A_275 = arith.constant 1 : i32
        %add3A_276 = arith.addi %mul3A_200, %add3A_275 : i32
        %swap3A_277 = arith.constant 0 : i32
        %swap3A_278 = arith.constant 0 : i32
        %swap3A_279 = tpu.memref_slice %arg15[%scan3A_121, %swap3A_277, %swap3A_278] : memref<2x128x32xf32, #tpu.memory_space<vmem>> -> memref<1x128x32xf32, #tpu.memory_space<vmem>>
        %swap3A_280 = tpu.memref_squeeze %swap3A_279 : memref<1x128x32xf32, #tpu.memory_space<vmem>> -> memref<128x32xf32, #tpu.memory_space<vmem>>
        %swap3A_281 = arith.index_cast %add3A_276 : i32 to index
        %swap3A_282 = arith.constant 16 : index
        %swap3A_283 = tpu.vector_load %swap3A_280[%swap3A_281, %swap3A_282] {strides = array<i32>} : memref<128x32xf32, #tpu.memory_space<vmem>>, vector<1x16xf32>,
        %swap3A_284 = vector.shape_cast %swap3A_283 : vector<1x16xf32> to vector<16xf32>
        %swap3A_285 = vector.shape_cast %mul3A_274 : vector<16xf32> to vector<1x16xf32>
        tpu.vector_store %swap3A_280[%swap3A_281, %swap3A_282], %swap3A_285 {strides = array<i32>} : memref<128x32xf32, #tpu.memory_space<vmem>>, vector<1x16xf32>,
        %broadcast_in_dim3A_286 = arith.constant 2 : i32
        %broadcast_in_dim3A_287 = vector.broadcast %broadcast_in_dim3A_286 : i32 to vector<16xi32>
        %broadcast_in_dim3A_288 = vector.shape_cast %broadcast_in_dim3A_287 : vector<16xi32> to vector<16x1xi32>
        %gather3A_289 = vector.shape_cast %broadcast_in_dim3A_288 : vector<16x1xi32> to vector<16xi32>
        %gather3A_290 = tpu.dynamic_gather %get3A_198[%gather3A_289] in [0] : vector<16xf32>, vector<16xi32> -> vector<16xf32>
        %add3A_291 = arith.constant 2 : i32
        %add3A_292 = arith.addi %mul3A_200, %add3A_291 : i32
        %get3A_293 = arith.constant 0 : i32
        %get3A_294 = arith.constant 0 : i32
        %get3A_295 = tpu.memref_slice %arg14[%scan3A_120, %get3A_293, %get3A_294] : memref<2x128x16xi32, #tpu.memory_space<vmem>> -> memref<1x128x16xi32, #tpu.memory_space<vmem>>
        %get3A_296 = tpu.memref_squeeze %get3A_295 : memref<1x128x16xi32, #tpu.memory_space<vmem>> -> memref<128x16xi32, #tpu.memory_space<vmem>>
        %get3A_297 = arith.index_cast %add3A_292 : i32 to index
        %get3A_298 = arith.constant 0 : index
        %get3A_299 = tpu.vector_load %get3A_296[%get3A_297, %get3A_298] {strides = array<i32>} : memref<128x16xi32, #tpu.memory_space<vmem>>, vector<1x16xi32>,
        %get3A_300 = vector.shape_cast %get3A_299 : vector<1x16xi32> to vector<16xi32>
        %shift_left3A_301 = arith.constant 16 : i32
        %shift_left3A_302 = vector.broadcast %shift_left3A_301 : i32 to vector<16xi32>
        %shift_left3A_303 = arith.shli %get3A_300, %shift_left3A_302 : vector<16xi32>
        %bitcast_convert_type3A_304 = tpu.bitcast %shift_left3A_303 : vector<16xi32> -> vector<16xf32>
        %and3A_305 = arith.andi %get3A_300, %broadcast_in_dim3A_119 : vector<16xi32>
        %bitcast_convert_type3A_306 = tpu.bitcast %and3A_305 : vector<16xi32> -> vector<16xf32>
        %mul3A_307 = arith.mulf %bitcast_convert_type3A_304, %gather3A_290 : vector<16xf32>
        %add3A_308 = arith.constant 2 : i32
        %add3A_309 = arith.addi %mul3A_200, %add3A_308 : i32
        %swap3A_310 = arith.constant 0 : i32
        %swap3A_311 = arith.constant 0 : i32
        %swap3A_312 = tpu.memref_slice %arg15[%scan3A_121, %swap3A_310, %swap3A_311] : memref<2x128x32xf32, #tpu.memory_space<vmem>> -> memref<1x128x32xf32, #tpu.memory_space<vmem>>
        %swap3A_313 = tpu.memref_squeeze %swap3A_312 : memref<1x128x32xf32, #tpu.memory_space<vmem>> -> memref<128x32xf32, #tpu.memory_space<vmem>>
        %swap3A_314 = arith.index_cast %add3A_309 : i32 to index
        %swap3A_315 = arith.constant 0 : index
        %swap3A_316 = tpu.vector_load %swap3A_313[%swap3A_314, %swap3A_315] {strides = array<i32>} : memref<128x32xf32, #tpu.memory_space<vmem>>, vector<1x16xf32>,
        %swap3A_317 = vector.shape_cast %swap3A_316 : vector<1x16xf32> to vector<16xf32>
        %swap3A_318 = vector.shape_cast %mul3A_307 : vector<16xf32> to vector<1x16xf32>
        tpu.vector_store %swap3A_313[%swap3A_314, %swap3A_315], %swap3A_318 {strides = array<i32>} : memref<128x32xf32, #tpu.memory_space<vmem>>, vector<1x16xf32>,
        %mul3A_319 = arith.mulf %bitcast_convert_type3A_306, %gather3A_290 : vector<16xf32>
        %add3A_320 = arith.constant 2 : i32
        %add3A_321 = arith.addi %mul3A_200, %add3A_320 : i32
        %swap3A_322 = arith.constant 0 : i32
        %swap3A_323 = arith.constant 0 : i32
        %swap3A_324 = tpu.memref_slice %arg15[%scan3A_121, %swap3A_322, %swap3A_323] : memref<2x128x32xf32, #tpu.memory_space<vmem>> -> memref<1x128x32xf32, #tpu.memory_space<vmem>>
        %swap3A_325 = tpu.memref_squeeze %swap3A_324 : memref<1x128x32xf32, #tpu.memory_space<vmem>> -> memref<128x32xf32, #tpu.memory_space<vmem>>
        %swap3A_326 = arith.index_cast %add3A_321 : i32 to index
        %swap3A_327 = arith.constant 16 : index
        %swap3A_328 = tpu.vector_load %swap3A_325[%swap3A_326, %swap3A_327] {strides = array<i32>} : memref<128x32xf32, #tpu.memory_space<vmem>>, vector<1x16xf32>,
        %swap3A_329 = vector.shape_cast %swap3A_328 : vector<1x16xf32> to vector<16xf32>
        %swap3A_330 = vector.shape_cast %mul3A_319 : vector<16xf32> to vector<1x16xf32>
        tpu.vector_store %swap3A_325[%swap3A_326, %swap3A_327], %swap3A_330 {strides = array<i32>} : memref<128x32xf32, #tpu.memory_space<vmem>>, vector<1x16xf32>,
        %broadcast_in_dim3A_331 = arith.constant 3 : i32
        %broadcast_in_dim3A_332 = vector.broadcast %broadcast_in_dim3A_331 : i32 to vector<16xi32>
        %broadcast_in_dim3A_333 = vector.shape_cast %broadcast_in_dim3A_332 : vector<16xi32> to vector<16x1xi32>
        %gather3A_334 = vector.shape_cast %broadcast_in_dim3A_333 : vector<16x1xi32> to vector<16xi32>
        %gather3A_335 = tpu.dynamic_gather %get3A_198[%gather3A_334] in [0] : vector<16xf32>, vector<16xi32> -> vector<16xf32>
        %add3A_336 = arith.constant 3 : i32
        %add3A_337 = arith.addi %mul3A_200, %add3A_336 : i32
        %get3A_338 = arith.constant 0 : i32
        %get3A_339 = arith.constant 0 : i32
        %get3A_340 = tpu.memref_slice %arg14[%scan3A_120, %get3A_338, %get3A_339] : memref<2x128x16xi32, #tpu.memory_space<vmem>> -> memref<1x128x16xi32, #tpu.memory_space<vmem>>
        %get3A_341 = tpu.memref_squeeze %get3A_340 : memref<1x128x16xi32, #tpu.memory_space<vmem>> -> memref<128x16xi32, #tpu.memory_space<vmem>>
        %get3A_342 = arith.index_cast %add3A_337 : i32 to index
        %get3A_343 = arith.constant 0 : index
        %get3A_344 = tpu.vector_load %get3A_341[%get3A_342, %get3A_343] {strides = array<i32>} : memref<128x16xi32, #tpu.memory_space<vmem>>, vector<1x16xi32>,
        %get3A_345 = vector.shape_cast %get3A_344 : vector<1x16xi32> to vector<16xi32>
        %shift_left3A_346 = arith.constant 16 : i32
        %shift_left3A_347 = vector.broadcast %shift_left3A_346 : i32 to vector<16xi32>
        %shift_left3A_348 = arith.shli %get3A_345, %shift_left3A_347 : vector<16xi32>
        %bitcast_convert_type3A_349 = tpu.bitcast %shift_left3A_348 : vector<16xi32> -> vector<16xf32>
        %and3A_350 = arith.andi %get3A_345, %broadcast_in_dim3A_119 : vector<16xi32>
        %bitcast_convert_type3A_351 = tpu.bitcast %and3A_350 : vector<16xi32> -> vector<16xf32>
        %mul3A_352 = arith.mulf %bitcast_convert_type3A_349, %gather3A_335 : vector<16xf32>
        %add3A_353 = arith.constant 3 : i32
        %add3A_354 = arith.addi %mul3A_200, %add3A_353 : i32
        %swap3A_355 = arith.constant 0 : i32
        %swap3A_356 = arith.constant 0 : i32
        %swap3A_357 = tpu.memref_slice %arg15[%scan3A_121, %swap3A_355, %swap3A_356] : memref<2x128x32xf32, #tpu.memory_space<vmem>> -> memref<1x128x32xf32, #tpu.memory_space<vmem>>
        %swap3A_358 = tpu.memref_squeeze %swap3A_357 : memref<1x128x32xf32, #tpu.memory_space<vmem>> -> memref<128x32xf32, #tpu.memory_space<vmem>>
        %swap3A_359 = arith.index_cast %add3A_354 : i32 to index
        %swap3A_360 = arith.constant 0 : index
        %swap3A_361 = tpu.vector_load %swap3A_358[%swap3A_359, %swap3A_360] {strides = array<i32>} : memref<128x32xf32, #tpu.memory_space<vmem>>, vector<1x16xf32>,
        %swap3A_362 = vector.shape_cast %swap3A_361 : vector<1x16xf32> to vector<16xf32>
        %swap3A_363 = vector.shape_cast %mul3A_352 : vector<16xf32> to vector<1x16xf32>
        tpu.vector_store %swap3A_358[%swap3A_359, %swap3A_360], %swap3A_363 {strides = array<i32>} : memref<128x32xf32, #tpu.memory_space<vmem>>, vector<1x16xf32>,
        %mul3A_364 = arith.mulf %bitcast_convert_type3A_351, %gather3A_335 : vector<16xf32>
        %add3A_365 = arith.constant 3 : i32
        %add3A_366 = arith.addi %mul3A_200, %add3A_365 : i32
        %swap3A_367 = arith.constant 0 : i32
        %swap3A_368 = arith.constant 0 : i32
        %swap3A_369 = tpu.memref_slice %arg15[%scan3A_121, %swap3A_367, %swap3A_368] : memref<2x128x32xf32, #tpu.memory_space<vmem>> -> memref<1x128x32xf32, #tpu.memory_space<vmem>>
        %swap3A_370 = tpu.memref_squeeze %swap3A_369 : memref<1x128x32xf32, #tpu.memory_space<vmem>> -> memref<128x32xf32, #tpu.memory_space<vmem>>
        %swap3A_371 = arith.index_cast %add3A_366 : i32 to index
        %swap3A_372 = arith.constant 16 : index
        %swap3A_373 = tpu.vector_load %swap3A_370[%swap3A_371, %swap3A_372] {strides = array<i32>} : memref<128x32xf32, #tpu.memory_space<vmem>>, vector<1x16xf32>,
        %swap3A_374 = vector.shape_cast %swap3A_373 : vector<1x16xf32> to vector<16xf32>
        %swap3A_375 = vector.shape_cast %mul3A_364 : vector<16xf32> to vector<1x16xf32>
        tpu.vector_store %swap3A_370[%swap3A_371, %swap3A_372], %swap3A_375 {strides = array<i32>} : memref<128x32xf32, #tpu.memory_space<vmem>>, vector<1x16xf32>,
        %broadcast_in_dim3A_376 = arith.constant 4 : i32
        %broadcast_in_dim3A_377 = vector.broadcast %broadcast_in_dim3A_376 : i32 to vector<16xi32>
        %broadcast_in_dim3A_378 = vector.shape_cast %broadcast_in_dim3A_377 : vector<16xi32> to vector<16x1xi32>
        %gather3A_379 = vector.shape_cast %broadcast_in_dim3A_378 : vector<16x1xi32> to vector<16xi32>
        %gather3A_380 = tpu.dynamic_gather %get3A_198[%gather3A_379] in [0] : vector<16xf32>, vector<16xi32> -> vector<16xf32>
        %add3A_381 = arith.constant 4 : i32
        %add3A_382 = arith.addi %mul3A_200, %add3A_381 : i32
        %get3A_383 = arith.constant 0 : i32
        %get3A_384 = arith.constant 0 : i32
        %get3A_385 = tpu.memref_slice %arg14[%scan3A_120, %get3A_383, %get3A_384] : memref<2x128x16xi32, #tpu.memory_space<vmem>> -> memref<1x128x16xi32, #tpu.memory_space<vmem>>
        %get3A_386 = tpu.memref_squeeze %get3A_385 : memref<1x128x16xi32, #tpu.memory_space<vmem>> -> memref<128x16xi32, #tpu.memory_space<vmem>>
        %get3A_387 = arith.index_cast %add3A_382 : i32 to index
        %get3A_388 = arith.constant 0 : index
        %get3A_389 = tpu.vector_load %get3A_386[%get3A_387, %get3A_388] {strides = array<i32>} : memref<128x16xi32, #tpu.memory_space<vmem>>, vector<1x16xi32>,
        %get3A_390 = vector.shape_cast %get3A_389 : vector<1x16xi32> to vector<16xi32>
        %shift_left3A_391 = arith.constant 16 : i32
        %shift_left3A_392 = vector.broadcast %shift_left3A_391 : i32 to vector<16xi32>
        %shift_left3A_393 = arith.shli %get3A_390, %shift_left3A_392 : vector<16xi32>
        %bitcast_convert_type3A_394 = tpu.bitcast %shift_left3A_393 : vector<16xi32> -> vector<16xf32>
        %and3A_395 = arith.andi %get3A_390, %broadcast_in_dim3A_119 : vector<16xi32>
        %bitcast_convert_type3A_396 = tpu.bitcast %and3A_395 : vector<16xi32> -> vector<16xf32>
        %mul3A_397 = arith.mulf %bitcast_convert_type3A_394, %gather3A_380 : vector<16xf32>
        %add3A_398 = arith.constant 4 : i32
        %add3A_399 = arith.addi %mul3A_200, %add3A_398 : i32
        %swap3A_400 = arith.constant 0 : i32
        %swap3A_401 = arith.constant 0 : i32
        %swap3A_402 = tpu.memref_slice %arg15[%scan3A_121, %swap3A_400, %swap3A_401] : memref<2x128x32xf32, #tpu.memory_space<vmem>> -> memref<1x128x32xf32, #tpu.memory_space<vmem>>
        %swap3A_403 = tpu.memref_squeeze %swap3A_402 : memref<1x128x32xf32, #tpu.memory_space<vmem>> -> memref<128x32xf32, #tpu.memory_space<vmem>>
        %swap3A_404 = arith.index_cast %add3A_399 : i32 to index
        %swap3A_405 = arith.constant 0 : index
        %swap3A_406 = tpu.vector_load %swap3A_403[%swap3A_404, %swap3A_405] {strides = array<i32>} : memref<128x32xf32, #tpu.memory_space<vmem>>, vector<1x16xf32>,
        %swap3A_407 = vector.shape_cast %swap3A_406 : vector<1x16xf32> to vector<16xf32>
        %swap3A_408 = vector.shape_cast %mul3A_397 : vector<16xf32> to vector<1x16xf32>
        tpu.vector_store %swap3A_403[%swap3A_404, %swap3A_405], %swap3A_408 {strides = array<i32>} : memref<128x32xf32, #tpu.memory_space<vmem>>, vector<1x16xf32>,
        %mul3A_409 = arith.mulf %bitcast_convert_type3A_396, %gather3A_380 : vector<16xf32>
        %add3A_410 = arith.constant 4 : i32
        %add3A_411 = arith.addi %mul3A_200, %add3A_410 : i32
        %swap3A_412 = arith.constant 0 : i32
        %swap3A_413 = arith.constant 0 : i32
        %swap3A_414 = tpu.memref_slice %arg15[%scan3A_121, %swap3A_412, %swap3A_413] : memref<2x128x32xf32, #tpu.memory_space<vmem>> -> memref<1x128x32xf32, #tpu.memory_space<vmem>>
        %swap3A_415 = tpu.memref_squeeze %swap3A_414 : memref<1x128x32xf32, #tpu.memory_space<vmem>> -> memref<128x32xf32, #tpu.memory_space<vmem>>
        %swap3A_416 = arith.index_cast %add3A_411 : i32 to index
        %swap3A_417 = arith.constant 16 : index
        %swap3A_418 = tpu.vector_load %swap3A_415[%swap3A_416, %swap3A_417] {strides = array<i32>} : memref<128x32xf32, #tpu.memory_space<vmem>>, vector<1x16xf32>,
        %swap3A_419 = vector.shape_cast %swap3A_418 : vector<1x16xf32> to vector<16xf32>
        %swap3A_420 = vector.shape_cast %mul3A_409 : vector<16xf32> to vector<1x16xf32>
        tpu.vector_store %swap3A_415[%swap3A_416, %swap3A_417], %swap3A_420 {strides = array<i32>} : memref<128x32xf32, #tpu.memory_space<vmem>>, vector<1x16xf32>,
        %broadcast_in_dim3A_421 = arith.constant 5 : i32
        %broadcast_in_dim3A_422 = vector.broadcast %broadcast_in_dim3A_421 : i32 to vector<16xi32>
        %broadcast_in_dim3A_423 = vector.shape_cast %broadcast_in_dim3A_422 : vector<16xi32> to vector<16x1xi32>
        %gather3A_424 = vector.shape_cast %broadcast_in_dim3A_423 : vector<16x1xi32> to vector<16xi32>
        %gather3A_425 = tpu.dynamic_gather %get3A_198[%gather3A_424] in [0] : vector<16xf32>, vector<16xi32> -> vector<16xf32>
        %add3A_426 = arith.constant 5 : i32
        %add3A_427 = arith.addi %mul3A_200, %add3A_426 : i32
        %get3A_428 = arith.constant 0 : i32
        %get3A_429 = arith.constant 0 : i32
        %get3A_430 = tpu.memref_slice %arg14[%scan3A_120, %get3A_428, %get3A_429] : memref<2x128x16xi32, #tpu.memory_space<vmem>> -> memref<1x128x16xi32, #tpu.memory_space<vmem>>
        %get3A_431 = tpu.memref_squeeze %get3A_430 : memref<1x128x16xi32, #tpu.memory_space<vmem>> -> memref<128x16xi32, #tpu.memory_space<vmem>>
        %get3A_432 = arith.index_cast %add3A_427 : i32 to index
        %get3A_433 = arith.constant 0 : index
        %get3A_434 = tpu.vector_load %get3A_431[%get3A_432, %get3A_433] {strides = array<i32>} : memref<128x16xi32, #tpu.memory_space<vmem>>, vector<1x16xi32>,
        %get3A_435 = vector.shape_cast %get3A_434 : vector<1x16xi32> to vector<16xi32>
        %shift_left3A_436 = arith.constant 16 : i32
        %shift_left3A_437 = vector.broadcast %shift_left3A_436 : i32 to vector<16xi32>
        %shift_left3A_438 = arith.shli %get3A_435, %shift_left3A_437 : vector<16xi32>
        %bitcast_convert_type3A_439 = tpu.bitcast %shift_left3A_438 : vector<16xi32> -> vector<16xf32>
        %and3A_440 = arith.andi %get3A_435, %broadcast_in_dim3A_119 : vector<16xi32>
        %bitcast_convert_type3A_441 = tpu.bitcast %and3A_440 : vector<16xi32> -> vector<16xf32>
        %mul3A_442 = arith.mulf %bitcast_convert_type3A_439, %gather3A_425 : vector<16xf32>
        %add3A_443 = arith.constant 5 : i32
        %add3A_444 = arith.addi %mul3A_200, %add3A_443 : i32
        %swap3A_445 = arith.constant 0 : i32
        %swap3A_446 = arith.constant 0 : i32
        %swap3A_447 = tpu.memref_slice %arg15[%scan3A_121, %swap3A_445, %swap3A_446] : memref<2x128x32xf32, #tpu.memory_space<vmem>> -> memref<1x128x32xf32, #tpu.memory_space<vmem>>
        %swap3A_448 = tpu.memref_squeeze %swap3A_447 : memref<1x128x32xf32, #tpu.memory_space<vmem>> -> memref<128x32xf32, #tpu.memory_space<vmem>>
        %swap3A_449 = arith.index_cast %add3A_444 : i32 to index
        %swap3A_450 = arith.constant 0 : index
        %swap3A_451 = tpu.vector_load %swap3A_448[%swap3A_449, %swap3A_450] {strides = array<i32>} : memref<128x32xf32, #tpu.memory_space<vmem>>, vector<1x16xf32>,
        %swap3A_452 = vector.shape_cast %swap3A_451 : vector<1x16xf32> to vector<16xf32>
        %swap3A_453 = vector.shape_cast %mul3A_442 : vector<16xf32> to vector<1x16xf32>
        tpu.vector_store %swap3A_448[%swap3A_449, %swap3A_450], %swap3A_453 {strides = array<i32>} : memref<128x32xf32, #tpu.memory_space<vmem>>, vector<1x16xf32>,
        %mul3A_454 = arith.mulf %bitcast_convert_type3A_441, %gather3A_425 : vector<16xf32>
        %add3A_455 = arith.constant 5 : i32
        %add3A_456 = arith.addi %mul3A_200, %add3A_455 : i32
        %swap3A_457 = arith.constant 0 : i32
        %swap3A_458 = arith.constant 0 : i32
        %swap3A_459 = tpu.memref_slice %arg15[%scan3A_121, %swap3A_457, %swap3A_458] : memref<2x128x32xf32, #tpu.memory_space<vmem>> -> memref<1x128x32xf32, #tpu.memory_space<vmem>>
        %swap3A_460 = tpu.memref_squeeze %swap3A_459 : memref<1x128x32xf32, #tpu.memory_space<vmem>> -> memref<128x32xf32, #tpu.memory_space<vmem>>
        %swap3A_461 = arith.index_cast %add3A_456 : i32 to index
        %swap3A_462 = arith.constant 16 : index
        %swap3A_463 = tpu.vector_load %swap3A_460[%swap3A_461, %swap3A_462] {strides = array<i32>} : memref<128x32xf32, #tpu.memory_space<vmem>>, vector<1x16xf32>,
        %swap3A_464 = vector.shape_cast %swap3A_463 : vector<1x16xf32> to vector<16xf32>
        %swap3A_465 = vector.shape_cast %mul3A_454 : vector<16xf32> to vector<1x16xf32>
        tpu.vector_store %swap3A_460[%swap3A_461, %swap3A_462], %swap3A_465 {strides = array<i32>} : memref<128x32xf32, #tpu.memory_space<vmem>>, vector<1x16xf32>,
        %broadcast_in_dim3A_466 = arith.constant 6 : i32
        %broadcast_in_dim3A_467 = vector.broadcast %broadcast_in_dim3A_466 : i32 to vector<16xi32>
        %broadcast_in_dim3A_468 = vector.shape_cast %broadcast_in_dim3A_467 : vector<16xi32> to vector<16x1xi32>
        %gather3A_469 = vector.shape_cast %broadcast_in_dim3A_468 : vector<16x1xi32> to vector<16xi32>
        %gather3A_470 = tpu.dynamic_gather %get3A_198[%gather3A_469] in [0] : vector<16xf32>, vector<16xi32> -> vector<16xf32>
        %add3A_471 = arith.constant 6 : i32
        %add3A_472 = arith.addi %mul3A_200, %add3A_471 : i32
        %get3A_473 = arith.constant 0 : i32
        %get3A_474 = arith.constant 0 : i32
        %get3A_475 = tpu.memref_slice %arg14[%scan3A_120, %get3A_473, %get3A_474] : memref<2x128x16xi32, #tpu.memory_space<vmem>> -> memref<1x128x16xi32, #tpu.memory_space<vmem>>
        %get3A_476 = tpu.memref_squeeze %get3A_475 : memref<1x128x16xi32, #tpu.memory_space<vmem>> -> memref<128x16xi32, #tpu.memory_space<vmem>>
        %get3A_477 = arith.index_cast %add3A_472 : i32 to index
        %get3A_478 = arith.constant 0 : index
        %get3A_479 = tpu.vector_load %get3A_476[%get3A_477, %get3A_478] {strides = array<i32>} : memref<128x16xi32, #tpu.memory_space<vmem>>, vector<1x16xi32>,
        %get3A_480 = vector.shape_cast %get3A_479 : vector<1x16xi32> to vector<16xi32>
        %shift_left3A_481 = arith.constant 16 : i32
        %shift_left3A_482 = vector.broadcast %shift_left3A_481 : i32 to vector<16xi32>
        %shift_left3A_483 = arith.shli %get3A_480, %shift_left3A_482 : vector<16xi32>
        %bitcast_convert_type3A_484 = tpu.bitcast %shift_left3A_483 : vector<16xi32> -> vector<16xf32>
        %and3A_485 = arith.andi %get3A_480, %broadcast_in_dim3A_119 : vector<16xi32>
        %bitcast_convert_type3A_486 = tpu.bitcast %and3A_485 : vector<16xi32> -> vector<16xf32>
        %mul3A_487 = arith.mulf %bitcast_convert_type3A_484, %gather3A_470 : vector<16xf32>
        %add3A_488 = arith.constant 6 : i32
        %add3A_489 = arith.addi %mul3A_200, %add3A_488 : i32
        %swap3A_490 = arith.constant 0 : i32
        %swap3A_491 = arith.constant 0 : i32
        %swap3A_492 = tpu.memref_slice %arg15[%scan3A_121, %swap3A_490, %swap3A_491] : memref<2x128x32xf32, #tpu.memory_space<vmem>> -> memref<1x128x32xf32, #tpu.memory_space<vmem>>
        %swap3A_493 = tpu.memref_squeeze %swap3A_492 : memref<1x128x32xf32, #tpu.memory_space<vmem>> -> memref<128x32xf32, #tpu.memory_space<vmem>>
        %swap3A_494 = arith.index_cast %add3A_489 : i32 to index
        %swap3A_495 = arith.constant 0 : index
        %swap3A_496 = tpu.vector_load %swap3A_493[%swap3A_494, %swap3A_495] {strides = array<i32>} : memref<128x32xf32, #tpu.memory_space<vmem>>, vector<1x16xf32>,
        %swap3A_497 = vector.shape_cast %swap3A_496 : vector<1x16xf32> to vector<16xf32>
        %swap3A_498 = vector.shape_cast %mul3A_487 : vector<16xf32> to vector<1x16xf32>
        tpu.vector_store %swap3A_493[%swap3A_494, %swap3A_495], %swap3A_498 {strides = array<i32>} : memref<128x32xf32, #tpu.memory_space<vmem>>, vector<1x16xf32>,
        %mul3A_499 = arith.mulf %bitcast_convert_type3A_486, %gather3A_470 : vector<16xf32>
        %add3A_500 = arith.constant 6 : i32
        %add3A_501 = arith.addi %mul3A_200, %add3A_500 : i32
        %swap3A_502 = arith.constant 0 : i32
        %swap3A_503 = arith.constant 0 : i32
        %swap3A_504 = tpu.memref_slice %arg15[%scan3A_121, %swap3A_502, %swap3A_503] : memref<2x128x32xf32, #tpu.memory_space<vmem>> -> memref<1x128x32xf32, #tpu.memory_space<vmem>>
        %swap3A_505 = tpu.memref_squeeze %swap3A_504 : memref<1x128x32xf32, #tpu.memory_space<vmem>> -> memref<128x32xf32, #tpu.memory_space<vmem>>
        %swap3A_506 = arith.index_cast %add3A_501 : i32 to index
        %swap3A_507 = arith.constant 16 : index
        %swap3A_508 = tpu.vector_load %swap3A_505[%swap3A_506, %swap3A_507] {strides = array<i32>} : memref<128x32xf32, #tpu.memory_space<vmem>>, vector<1x16xf32>,
        %swap3A_509 = vector.shape_cast %swap3A_508 : vector<1x16xf32> to vector<16xf32>
        %swap3A_510 = vector.shape_cast %mul3A_499 : vector<16xf32> to vector<1x16xf32>
        tpu.vector_store %swap3A_505[%swap3A_506, %swap3A_507], %swap3A_510 {strides = array<i32>} : memref<128x32xf32, #tpu.memory_space<vmem>>, vector<1x16xf32>,
        %broadcast_in_dim3A_511 = arith.constant 7 : i32
        %broadcast_in_dim3A_512 = vector.broadcast %broadcast_in_dim3A_511 : i32 to vector<16xi32>
        %broadcast_in_dim3A_513 = vector.shape_cast %broadcast_in_dim3A_512 : vector<16xi32> to vector<16x1xi32>
        %gather3A_514 = vector.shape_cast %broadcast_in_dim3A_513 : vector<16x1xi32> to vector<16xi32>
        %gather3A_515 = tpu.dynamic_gather %get3A_198[%gather3A_514] in [0] : vector<16xf32>, vector<16xi32> -> vector<16xf32>
        %add3A_516 = arith.constant 7 : i32
        %add3A_517 = arith.addi %mul3A_200, %add3A_516 : i32
        %get3A_518 = arith.constant 0 : i32
        %get3A_519 = arith.constant 0 : i32
        %get3A_520 = tpu.memref_slice %arg14[%scan3A_120, %get3A_518, %get3A_519] : memref<2x128x16xi32, #tpu.memory_space<vmem>> -> memref<1x128x16xi32, #tpu.memory_space<vmem>>
        %get3A_521 = tpu.memref_squeeze %get3A_520 : memref<1x128x16xi32, #tpu.memory_space<vmem>> -> memref<128x16xi32, #tpu.memory_space<vmem>>
        %get3A_522 = arith.index_cast %add3A_517 : i32 to index
        %get3A_523 = arith.constant 0 : index
        %get3A_524 = tpu.vector_load %get3A_521[%get3A_522, %get3A_523] {strides = array<i32>} : memref<128x16xi32, #tpu.memory_space<vmem>>, vector<1x16xi32>,
        %get3A_525 = vector.shape_cast %get3A_524 : vector<1x16xi32> to vector<16xi32>
        %shift_left3A_526 = arith.constant 16 : i32
        %shift_left3A_527 = vector.broadcast %shift_left3A_526 : i32 to vector<16xi32>
        %shift_left3A_528 = arith.shli %get3A_525, %shift_left3A_527 : vector<16xi32>
        %bitcast_convert_type3A_529 = tpu.bitcast %shift_left3A_528 : vector<16xi32> -> vector<16xf32>
        %and3A_530 = arith.andi %get3A_525, %broadcast_in_dim3A_119 : vector<16xi32>
        %bitcast_convert_type3A_531 = tpu.bitcast %and3A_530 : vector<16xi32> -> vector<16xf32>
        %mul3A_532 = arith.mulf %bitcast_convert_type3A_529, %gather3A_515 : vector<16xf32>
        %add3A_533 = arith.constant 7 : i32
        %add3A_534 = arith.addi %mul3A_200, %add3A_533 : i32
        %swap3A_535 = arith.constant 0 : i32
        %swap3A_536 = arith.constant 0 : i32
        %swap3A_537 = tpu.memref_slice %arg15[%scan3A_121, %swap3A_535, %swap3A_536] : memref<2x128x32xf32, #tpu.memory_space<vmem>> -> memref<1x128x32xf32, #tpu.memory_space<vmem>>
        %swap3A_538 = tpu.memref_squeeze %swap3A_537 : memref<1x128x32xf32, #tpu.memory_space<vmem>> -> memref<128x32xf32, #tpu.memory_space<vmem>>
        %swap3A_539 = arith.index_cast %add3A_534 : i32 to index
        %swap3A_540 = arith.constant 0 : index
        %swap3A_541 = tpu.vector_load %swap3A_538[%swap3A_539, %swap3A_540] {strides = array<i32>} : memref<128x32xf32, #tpu.memory_space<vmem>>, vector<1x16xf32>,
        %swap3A_542 = vector.shape_cast %swap3A_541 : vector<1x16xf32> to vector<16xf32>
        %swap3A_543 = vector.shape_cast %mul3A_532 : vector<16xf32> to vector<1x16xf32>
        tpu.vector_store %swap3A_538[%swap3A_539, %swap3A_540], %swap3A_543 {strides = array<i32>} : memref<128x32xf32, #tpu.memory_space<vmem>>, vector<1x16xf32>,
        %mul3A_544 = arith.mulf %bitcast_convert_type3A_531, %gather3A_515 : vector<16xf32>
        %add3A_545 = arith.constant 7 : i32
        %add3A_546 = arith.addi %mul3A_200, %add3A_545 : i32
        %swap3A_547 = arith.constant 0 : i32
        %swap3A_548 = arith.constant 0 : i32
        %swap3A_549 = tpu.memref_slice %arg15[%scan3A_121, %swap3A_547, %swap3A_548] : memref<2x128x32xf32, #tpu.memory_space<vmem>> -> memref<1x128x32xf32, #tpu.memory_space<vmem>>
        %swap3A_550 = tpu.memref_squeeze %swap3A_549 : memref<1x128x32xf32, #tpu.memory_space<vmem>> -> memref<128x32xf32, #tpu.memory_space<vmem>>
        %swap3A_551 = arith.index_cast %add3A_546 : i32 to index
        %swap3A_552 = arith.constant 16 : index
        %swap3A_553 = tpu.vector_load %swap3A_550[%swap3A_551, %swap3A_552] {strides = array<i32>} : memref<128x32xf32, #tpu.memory_space<vmem>>, vector<1x16xf32>,
        %swap3A_554 = vector.shape_cast %swap3A_553 : vector<1x16xf32> to vector<16xf32>
        %swap3A_555 = vector.shape_cast %mul3A_544 : vector<16xf32> to vector<1x16xf32>
        tpu.vector_store %swap3A_550[%swap3A_551, %swap3A_552], %swap3A_555 {strides = array<i32>} : memref<128x32xf32, #tpu.memory_space<vmem>>, vector<1x16xf32>,
        %broadcast_in_dim3A_556 = arith.constant 8 : i32
        %broadcast_in_dim3A_557 = vector.broadcast %broadcast_in_dim3A_556 : i32 to vector<16xi32>
        %broadcast_in_dim3A_558 = vector.shape_cast %broadcast_in_dim3A_557 : vector<16xi32> to vector<16x1xi32>
        %gather3A_559 = vector.shape_cast %broadcast_in_dim3A_558 : vector<16x1xi32> to vector<16xi32>
        %gather3A_560 = tpu.dynamic_gather %get3A_198[%gather3A_559] in [0] : vector<16xf32>, vector<16xi32> -> vector<16xf32>
        %add3A_561 = arith.constant 8 : i32
        %add3A_562 = arith.addi %mul3A_200, %add3A_561 : i32
        %get3A_563 = arith.constant 0 : i32
        %get3A_564 = arith.constant 0 : i32
        %get3A_565 = tpu.memref_slice %arg14[%scan3A_120, %get3A_563, %get3A_564] : memref<2x128x16xi32, #tpu.memory_space<vmem>> -> memref<1x128x16xi32, #tpu.memory_space<vmem>>
        %get3A_566 = tpu.memref_squeeze %get3A_565 : memref<1x128x16xi32, #tpu.memory_space<vmem>> -> memref<128x16xi32, #tpu.memory_space<vmem>>
        %get3A_567 = arith.index_cast %add3A_562 : i32 to index
        %get3A_568 = arith.constant 0 : index
        %get3A_569 = tpu.vector_load %get3A_566[%get3A_567, %get3A_568] {strides = array<i32>} : memref<128x16xi32, #tpu.memory_space<vmem>>, vector<1x16xi32>,
        %get3A_570 = vector.shape_cast %get3A_569 : vector<1x16xi32> to vector<16xi32>
        %shift_left3A_571 = arith.constant 16 : i32
        %shift_left3A_572 = vector.broadcast %shift_left3A_571 : i32 to vector<16xi32>
        %shift_left3A_573 = arith.shli %get3A_570, %shift_left3A_572 : vector<16xi32>
        %bitcast_convert_type3A_574 = tpu.bitcast %shift_left3A_573 : vector<16xi32> -> vector<16xf32>
        %and3A_575 = arith.andi %get3A_570, %broadcast_in_dim3A_119 : vector<16xi32>
        %bitcast_convert_type3A_576 = tpu.bitcast %and3A_575 : vector<16xi32> -> vector<16xf32>
        %mul3A_577 = arith.mulf %bitcast_convert_type3A_574, %gather3A_560 : vector<16xf32>
        %add3A_578 = arith.constant 8 : i32
        %add3A_579 = arith.addi %mul3A_200, %add3A_578 : i32
        %swap3A_580 = arith.constant 0 : i32
        %swap3A_581 = arith.constant 0 : i32
        %swap3A_582 = tpu.memref_slice %arg15[%scan3A_121, %swap3A_580, %swap3A_581] : memref<2x128x32xf32, #tpu.memory_space<vmem>> -> memref<1x128x32xf32, #tpu.memory_space<vmem>>
        %swap3A_583 = tpu.memref_squeeze %swap3A_582 : memref<1x128x32xf32, #tpu.memory_space<vmem>> -> memref<128x32xf32, #tpu.memory_space<vmem>>
        %swap3A_584 = arith.index_cast %add3A_579 : i32 to index
        %swap3A_585 = arith.constant 0 : index
        %swap3A_586 = tpu.vector_load %swap3A_583[%swap3A_584, %swap3A_585] {strides = array<i32>} : memref<128x32xf32, #tpu.memory_space<vmem>>, vector<1x16xf32>,
        %swap3A_587 = vector.shape_cast %swap3A_586 : vector<1x16xf32> to vector<16xf32>
        %swap3A_588 = vector.shape_cast %mul3A_577 : vector<16xf32> to vector<1x16xf32>
        tpu.vector_store %swap3A_583[%swap3A_584, %swap3A_585], %swap3A_588 {strides = array<i32>} : memref<128x32xf32, #tpu.memory_space<vmem>>, vector<1x16xf32>,
        %mul3A_589 = arith.mulf %bitcast_convert_type3A_576, %gather3A_560 : vector<16xf32>
        %add3A_590 = arith.constant 8 : i32
        %add3A_591 = arith.addi %mul3A_200, %add3A_590 : i32
        %swap3A_592 = arith.constant 0 : i32
        %swap3A_593 = arith.constant 0 : i32
        %swap3A_594 = tpu.memref_slice %arg15[%scan3A_121, %swap3A_592, %swap3A_593] : memref<2x128x32xf32, #tpu.memory_space<vmem>> -> memref<1x128x32xf32, #tpu.memory_space<vmem>>
        %swap3A_595 = tpu.memref_squeeze %swap3A_594 : memref<1x128x32xf32, #tpu.memory_space<vmem>> -> memref<128x32xf32, #tpu.memory_space<vmem>>
        %swap3A_596 = arith.index_cast %add3A_591 : i32 to index
        %swap3A_597 = arith.constant 16 : index
        %swap3A_598 = tpu.vector_load %swap3A_595[%swap3A_596, %swap3A_597] {strides = array<i32>} : memref<128x32xf32, #tpu.memory_space<vmem>>, vector<1x16xf32>,
        %swap3A_599 = vector.shape_cast %swap3A_598 : vector<1x16xf32> to vector<16xf32>
        %swap3A_600 = vector.shape_cast %mul3A_589 : vector<16xf32> to vector<1x16xf32>
        tpu.vector_store %swap3A_595[%swap3A_596, %swap3A_597], %swap3A_600 {strides = array<i32>} : memref<128x32xf32, #tpu.memory_space<vmem>>, vector<1x16xf32>,
        %broadcast_in_dim3A_601 = arith.constant 9 : i32
        %broadcast_in_dim3A_602 = vector.broadcast %broadcast_in_dim3A_601 : i32 to vector<16xi32>
        %broadcast_in_dim3A_603 = vector.shape_cast %broadcast_in_dim3A_602 : vector<16xi32> to vector<16x1xi32>
        %gather3A_604 = vector.shape_cast %broadcast_in_dim3A_603 : vector<16x1xi32> to vector<16xi32>
        %gather3A_605 = tpu.dynamic_gather %get3A_198[%gather3A_604] in [0] : vector<16xf32>, vector<16xi32> -> vector<16xf32>
        %add3A_606 = arith.constant 9 : i32
        %add3A_607 = arith.addi %mul3A_200, %add3A_606 : i32
        %get3A_608 = arith.constant 0 : i32
        %get3A_609 = arith.constant 0 : i32
        %get3A_610 = tpu.memref_slice %arg14[%scan3A_120, %get3A_608, %get3A_609] : memref<2x128x16xi32, #tpu.memory_space<vmem>> -> memref<1x128x16xi32, #tpu.memory_space<vmem>>
        %get3A_611 = tpu.memref_squeeze %get3A_610 : memref<1x128x16xi32, #tpu.memory_space<vmem>> -> memref<128x16xi32, #tpu.memory_space<vmem>>
        %get3A_612 = arith.index_cast %add3A_607 : i32 to index
        %get3A_613 = arith.constant 0 : index
        %get3A_614 = tpu.vector_load %get3A_611[%get3A_612, %get3A_613] {strides = array<i32>} : memref<128x16xi32, #tpu.memory_space<vmem>>, vector<1x16xi32>,
        %get3A_615 = vector.shape_cast %get3A_614 : vector<1x16xi32> to vector<16xi32>
        %shift_left3A_616 = arith.constant 16 : i32
        %shift_left3A_617 = vector.broadcast %shift_left3A_616 : i32 to vector<16xi32>
        %shift_left3A_618 = arith.shli %get3A_615, %shift_left3A_617 : vector<16xi32>
        %bitcast_convert_type3A_619 = tpu.bitcast %shift_left3A_618 : vector<16xi32> -> vector<16xf32>
        %and3A_620 = arith.andi %get3A_615, %broadcast_in_dim3A_119 : vector<16xi32>
        %bitcast_convert_type3A_621 = tpu.bitcast %and3A_620 : vector<16xi32> -> vector<16xf32>
        %mul3A_622 = arith.mulf %bitcast_convert_type3A_619, %gather3A_605 : vector<16xf32>
        %add3A_623 = arith.constant 9 : i32
        %add3A_624 = arith.addi %mul3A_200, %add3A_623 : i32
        %swap3A_625 = arith.constant 0 : i32
        %swap3A_626 = arith.constant 0 : i32
        %swap3A_627 = tpu.memref_slice %arg15[%scan3A_121, %swap3A_625, %swap3A_626] : memref<2x128x32xf32, #tpu.memory_space<vmem>> -> memref<1x128x32xf32, #tpu.memory_space<vmem>>
        %swap3A_628 = tpu.memref_squeeze %swap3A_627 : memref<1x128x32xf32, #tpu.memory_space<vmem>> -> memref<128x32xf32, #tpu.memory_space<vmem>>
        %swap3A_629 = arith.index_cast %add3A_624 : i32 to index
        %swap3A_630 = arith.constant 0 : index
        %swap3A_631 = tpu.vector_load %swap3A_628[%swap3A_629, %swap3A_630] {strides = array<i32>} : memref<128x32xf32, #tpu.memory_space<vmem>>, vector<1x16xf32>,
        %swap3A_632 = vector.shape_cast %swap3A_631 : vector<1x16xf32> to vector<16xf32>
        %swap3A_633 = vector.shape_cast %mul3A_622 : vector<16xf32> to vector<1x16xf32>
        tpu.vector_store %swap3A_628[%swap3A_629, %swap3A_630], %swap3A_633 {strides = array<i32>} : memref<128x32xf32, #tpu.memory_space<vmem>>, vector<1x16xf32>,
        %mul3A_634 = arith.mulf %bitcast_convert_type3A_621, %gather3A_605 : vector<16xf32>
        %add3A_635 = arith.constant 9 : i32
        %add3A_636 = arith.addi %mul3A_200, %add3A_635 : i32
        %swap3A_637 = arith.constant 0 : i32
        %swap3A_638 = arith.constant 0 : i32
        %swap3A_639 = tpu.memref_slice %arg15[%scan3A_121, %swap3A_637, %swap3A_638] : memref<2x128x32xf32, #tpu.memory_space<vmem>> -> memref<1x128x32xf32, #tpu.memory_space<vmem>>
        %swap3A_640 = tpu.memref_squeeze %swap3A_639 : memref<1x128x32xf32, #tpu.memory_space<vmem>> -> memref<128x32xf32, #tpu.memory_space<vmem>>
        %swap3A_641 = arith.index_cast %add3A_636 : i32 to index
        %swap3A_642 = arith.constant 16 : index
        %swap3A_643 = tpu.vector_load %swap3A_640[%swap3A_641, %swap3A_642] {strides = array<i32>} : memref<128x32xf32, #tpu.memory_space<vmem>>, vector<1x16xf32>,
        %swap3A_644 = vector.shape_cast %swap3A_643 : vector<1x16xf32> to vector<16xf32>
        %swap3A_645 = vector.shape_cast %mul3A_634 : vector<16xf32> to vector<1x16xf32>
        tpu.vector_store %swap3A_640[%swap3A_641, %swap3A_642], %swap3A_645 {strides = array<i32>} : memref<128x32xf32, #tpu.memory_space<vmem>>, vector<1x16xf32>,
        %broadcast_in_dim3A_646 = arith.constant 10 : i32
        %broadcast_in_dim3A_647 = vector.broadcast %broadcast_in_dim3A_646 : i32 to vector<16xi32>
        %broadcast_in_dim3A_648 = vector.shape_cast %broadcast_in_dim3A_647 : vector<16xi32> to vector<16x1xi32>
        %gather3A_649 = vector.shape_cast %broadcast_in_dim3A_648 : vector<16x1xi32> to vector<16xi32>
        %gather3A_650 = tpu.dynamic_gather %get3A_198[%gather3A_649] in [0] : vector<16xf32>, vector<16xi32> -> vector<16xf32>
        %add3A_651 = arith.constant 10 : i32
        %add3A_652 = arith.addi %mul3A_200, %add3A_651 : i32
        %get3A_653 = arith.constant 0 : i32
        %get3A_654 = arith.constant 0 : i32
        %get3A_655 = tpu.memref_slice %arg14[%scan3A_120, %get3A_653, %get3A_654] : memref<2x128x16xi32, #tpu.memory_space<vmem>> -> memref<1x128x16xi32, #tpu.memory_space<vmem>>
        %get3A_656 = tpu.memref_squeeze %get3A_655 : memref<1x128x16xi32, #tpu.memory_space<vmem>> -> memref<128x16xi32, #tpu.memory_space<vmem>>
        %get3A_657 = arith.index_cast %add3A_652 : i32 to index
        %get3A_658 = arith.constant 0 : index
        %get3A_659 = tpu.vector_load %get3A_656[%get3A_657, %get3A_658] {strides = array<i32>} : memref<128x16xi32, #tpu.memory_space<vmem>>, vector<1x16xi32>,
        %get3A_660 = vector.shape_cast %get3A_659 : vector<1x16xi32> to vector<16xi32>
        %shift_left3A_661 = arith.constant 16 : i32
        %shift_left3A_662 = vector.broadcast %shift_left3A_661 : i32 to vector<16xi32>
        %shift_left3A_663 = arith.shli %get3A_660, %shift_left3A_662 : vector<16xi32>
        %bitcast_convert_type3A_664 = tpu.bitcast %shift_left3A_663 : vector<16xi32> -> vector<16xf32>
        %and3A_665 = arith.andi %get3A_660, %broadcast_in_dim3A_119 : vector<16xi32>
        %bitcast_convert_type3A_666 = tpu.bitcast %and3A_665 : vector<16xi32> -> vector<16xf32>
        %mul3A_667 = arith.mulf %bitcast_convert_type3A_664, %gather3A_650 : vector<16xf32>
        %add3A_668 = arith.constant 10 : i32
        %add3A_669 = arith.addi %mul3A_200, %add3A_668 : i32
        %swap3A_670 = arith.constant 0 : i32
        %swap3A_671 = arith.constant 0 : i32
        %swap3A_672 = tpu.memref_slice %arg15[%scan3A_121, %swap3A_670, %swap3A_671] : memref<2x128x32xf32, #tpu.memory_space<vmem>> -> memref<1x128x32xf32, #tpu.memory_space<vmem>>
        %swap3A_673 = tpu.memref_squeeze %swap3A_672 : memref<1x128x32xf32, #tpu.memory_space<vmem>> -> memref<128x32xf32, #tpu.memory_space<vmem>>
        %swap3A_674 = arith.index_cast %add3A_669 : i32 to index
        %swap3A_675 = arith.constant 0 : index
        %swap3A_676 = tpu.vector_load %swap3A_673[%swap3A_674, %swap3A_675] {strides = array<i32>} : memref<128x32xf32, #tpu.memory_space<vmem>>, vector<1x16xf32>,
        %swap3A_677 = vector.shape_cast %swap3A_676 : vector<1x16xf32> to vector<16xf32>
        %swap3A_678 = vector.shape_cast %mul3A_667 : vector<16xf32> to vector<1x16xf32>
        tpu.vector_store %swap3A_673[%swap3A_674, %swap3A_675], %swap3A_678 {strides = array<i32>} : memref<128x32xf32, #tpu.memory_space<vmem>>, vector<1x16xf32>,
        %mul3A_679 = arith.mulf %bitcast_convert_type3A_666, %gather3A_650 : vector<16xf32>
        %add3A_680 = arith.constant 10 : i32
        %add3A_681 = arith.addi %mul3A_200, %add3A_680 : i32
        %swap3A_682 = arith.constant 0 : i32
        %swap3A_683 = arith.constant 0 : i32
        %swap3A_684 = tpu.memref_slice %arg15[%scan3A_121, %swap3A_682, %swap3A_683] : memref<2x128x32xf32, #tpu.memory_space<vmem>> -> memref<1x128x32xf32, #tpu.memory_space<vmem>>
        %swap3A_685 = tpu.memref_squeeze %swap3A_684 : memref<1x128x32xf32, #tpu.memory_space<vmem>> -> memref<128x32xf32, #tpu.memory_space<vmem>>
        %swap3A_686 = arith.index_cast %add3A_681 : i32 to index
        %swap3A_687 = arith.constant 16 : index
        %swap3A_688 = tpu.vector_load %swap3A_685[%swap3A_686, %swap3A_687] {strides = array<i32>} : memref<128x32xf32, #tpu.memory_space<vmem>>, vector<1x16xf32>,
        %swap3A_689 = vector.shape_cast %swap3A_688 : vector<1x16xf32> to vector<16xf32>
        %swap3A_690 = vector.shape_cast %mul3A_679 : vector<16xf32> to vector<1x16xf32>
        tpu.vector_store %swap3A_685[%swap3A_686, %swap3A_687], %swap3A_690 {strides = array<i32>} : memref<128x32xf32, #tpu.memory_space<vmem>>, vector<1x16xf32>,
        %broadcast_in_dim3A_691 = arith.constant 11 : i32
        %broadcast_in_dim3A_692 = vector.broadcast %broadcast_in_dim3A_691 : i32 to vector<16xi32>
        %broadcast_in_dim3A_693 = vector.shape_cast %broadcast_in_dim3A_692 : vector<16xi32> to vector<16x1xi32>
        %gather3A_694 = vector.shape_cast %broadcast_in_dim3A_693 : vector<16x1xi32> to vector<16xi32>
        %gather3A_695 = tpu.dynamic_gather %get3A_198[%gather3A_694] in [0] : vector<16xf32>, vector<16xi32> -> vector<16xf32>
        %add3A_696 = arith.constant 11 : i32
        %add3A_697 = arith.addi %mul3A_200, %add3A_696 : i32
        %get3A_698 = arith.constant 0 : i32
        %get3A_699 = arith.constant 0 : i32
        %get3A_700 = tpu.memref_slice %arg14[%scan3A_120, %get3A_698, %get3A_699] : memref<2x128x16xi32, #tpu.memory_space<vmem>> -> memref<1x128x16xi32, #tpu.memory_space<vmem>>
        %get3A_701 = tpu.memref_squeeze %get3A_700 : memref<1x128x16xi32, #tpu.memory_space<vmem>> -> memref<128x16xi32, #tpu.memory_space<vmem>>
        %get3A_702 = arith.index_cast %add3A_697 : i32 to index
        %get3A_703 = arith.constant 0 : index
        %get3A_704 = tpu.vector_load %get3A_701[%get3A_702, %get3A_703] {strides = array<i32>} : memref<128x16xi32, #tpu.memory_space<vmem>>, vector<1x16xi32>,
        %get3A_705 = vector.shape_cast %get3A_704 : vector<1x16xi32> to vector<16xi32>
        %shift_left3A_706 = arith.constant 16 : i32
        %shift_left3A_707 = vector.broadcast %shift_left3A_706 : i32 to vector<16xi32>
        %shift_left3A_708 = arith.shli %get3A_705, %shift_left3A_707 : vector<16xi32>
        %bitcast_convert_type3A_709 = tpu.bitcast %shift_left3A_708 : vector<16xi32> -> vector<16xf32>
        %and3A_710 = arith.andi %get3A_705, %broadcast_in_dim3A_119 : vector<16xi32>
        %bitcast_convert_type3A_711 = tpu.bitcast %and3A_710 : vector<16xi32> -> vector<16xf32>
        %mul3A_712 = arith.mulf %bitcast_convert_type3A_709, %gather3A_695 : vector<16xf32>
        %add3A_713 = arith.constant 11 : i32
        %add3A_714 = arith.addi %mul3A_200, %add3A_713 : i32
        %swap3A_715 = arith.constant 0 : i32
        %swap3A_716 = arith.constant 0 : i32
        %swap3A_717 = tpu.memref_slice %arg15[%scan3A_121, %swap3A_715, %swap3A_716] : memref<2x128x32xf32, #tpu.memory_space<vmem>> -> memref<1x128x32xf32, #tpu.memory_space<vmem>>
        %swap3A_718 = tpu.memref_squeeze %swap3A_717 : memref<1x128x32xf32, #tpu.memory_space<vmem>> -> memref<128x32xf32, #tpu.memory_space<vmem>>
        %swap3A_719 = arith.index_cast %add3A_714 : i32 to index
        %swap3A_720 = arith.constant 0 : index
        %swap3A_721 = tpu.vector_load %swap3A_718[%swap3A_719, %swap3A_720] {strides = array<i32>} : memref<128x32xf32, #tpu.memory_space<vmem>>, vector<1x16xf32>,
        %swap3A_722 = vector.shape_cast %swap3A_721 : vector<1x16xf32> to vector<16xf32>
        %swap3A_723 = vector.shape_cast %mul3A_712 : vector<16xf32> to vector<1x16xf32>
        tpu.vector_store %swap3A_718[%swap3A_719, %swap3A_720], %swap3A_723 {strides = array<i32>} : memref<128x32xf32, #tpu.memory_space<vmem>>, vector<1x16xf32>,
        %mul3A_724 = arith.mulf %bitcast_convert_type3A_711, %gather3A_695 : vector<16xf32>
        %add3A_725 = arith.constant 11 : i32
        %add3A_726 = arith.addi %mul3A_200, %add3A_725 : i32
        %swap3A_727 = arith.constant 0 : i32
        %swap3A_728 = arith.constant 0 : i32
        %swap3A_729 = tpu.memref_slice %arg15[%scan3A_121, %swap3A_727, %swap3A_728] : memref<2x128x32xf32, #tpu.memory_space<vmem>> -> memref<1x128x32xf32, #tpu.memory_space<vmem>>
        %swap3A_730 = tpu.memref_squeeze %swap3A_729 : memref<1x128x32xf32, #tpu.memory_space<vmem>> -> memref<128x32xf32, #tpu.memory_space<vmem>>
        %swap3A_731 = arith.index_cast %add3A_726 : i32 to index
        %swap3A_732 = arith.constant 16 : index
        %swap3A_733 = tpu.vector_load %swap3A_730[%swap3A_731, %swap3A_732] {strides = array<i32>} : memref<128x32xf32, #tpu.memory_space<vmem>>, vector<1x16xf32>,
        %swap3A_734 = vector.shape_cast %swap3A_733 : vector<1x16xf32> to vector<16xf32>
        %swap3A_735 = vector.shape_cast %mul3A_724 : vector<16xf32> to vector<1x16xf32>
        tpu.vector_store %swap3A_730[%swap3A_731, %swap3A_732], %swap3A_735 {strides = array<i32>} : memref<128x32xf32, #tpu.memory_space<vmem>>, vector<1x16xf32>,
        %broadcast_in_dim3A_736 = arith.constant 12 : i32
        %broadcast_in_dim3A_737 = vector.broadcast %broadcast_in_dim3A_736 : i32 to vector<16xi32>
        %broadcast_in_dim3A_738 = vector.shape_cast %broadcast_in_dim3A_737 : vector<16xi32> to vector<16x1xi32>
        %gather3A_739 = vector.shape_cast %broadcast_in_dim3A_738 : vector<16x1xi32> to vector<16xi32>
        %gather3A_740 = tpu.dynamic_gather %get3A_198[%gather3A_739] in [0] : vector<16xf32>, vector<16xi32> -> vector<16xf32>
        %add3A_741 = arith.constant 12 : i32
        %add3A_742 = arith.addi %mul3A_200, %add3A_741 : i32
        %get3A_743 = arith.constant 0 : i32
        %get3A_744 = arith.constant 0 : i32
        %get3A_745 = tpu.memref_slice %arg14[%scan3A_120, %get3A_743, %get3A_744] : memref<2x128x16xi32, #tpu.memory_space<vmem>> -> memref<1x128x16xi32, #tpu.memory_space<vmem>>
        %get3A_746 = tpu.memref_squeeze %get3A_745 : memref<1x128x16xi32, #tpu.memory_space<vmem>> -> memref<128x16xi32, #tpu.memory_space<vmem>>
        %get3A_747 = arith.index_cast %add3A_742 : i32 to index
        %get3A_748 = arith.constant 0 : index
        %get3A_749 = tpu.vector_load %get3A_746[%get3A_747, %get3A_748] {strides = array<i32>} : memref<128x16xi32, #tpu.memory_space<vmem>>, vector<1x16xi32>,
        %get3A_750 = vector.shape_cast %get3A_749 : vector<1x16xi32> to vector<16xi32>
        %shift_left3A_751 = arith.constant 16 : i32
        %shift_left3A_752 = vector.broadcast %shift_left3A_751 : i32 to vector<16xi32>
        %shift_left3A_753 = arith.shli %get3A_750, %shift_left3A_752 : vector<16xi32>
        %bitcast_convert_type3A_754 = tpu.bitcast %shift_left3A_753 : vector<16xi32> -> vector<16xf32>
        %and3A_755 = arith.andi %get3A_750, %broadcast_in_dim3A_119 : vector<16xi32>
        %bitcast_convert_type3A_756 = tpu.bitcast %and3A_755 : vector<16xi32> -> vector<16xf32>
        %mul3A_757 = arith.mulf %bitcast_convert_type3A_754, %gather3A_740 : vector<16xf32>
        %add3A_758 = arith.constant 12 : i32
        %add3A_759 = arith.addi %mul3A_200, %add3A_758 : i32
        %swap3A_760 = arith.constant 0 : i32
        %swap3A_761 = arith.constant 0 : i32
        %swap3A_762 = tpu.memref_slice %arg15[%scan3A_121, %swap3A_760, %swap3A_761] : memref<2x128x32xf32, #tpu.memory_space<vmem>> -> memref<1x128x32xf32, #tpu.memory_space<vmem>>
        %swap3A_763 = tpu.memref_squeeze %swap3A_762 : memref<1x128x32xf32, #tpu.memory_space<vmem>> -> memref<128x32xf32, #tpu.memory_space<vmem>>
        %swap3A_764 = arith.index_cast %add3A_759 : i32 to index
        %swap3A_765 = arith.constant 0 : index
        %swap3A_766 = tpu.vector_load %swap3A_763[%swap3A_764, %swap3A_765] {strides = array<i32>} : memref<128x32xf32, #tpu.memory_space<vmem>>, vector<1x16xf32>,
        %swap3A_767 = vector.shape_cast %swap3A_766 : vector<1x16xf32> to vector<16xf32>
        %swap3A_768 = vector.shape_cast %mul3A_757 : vector<16xf32> to vector<1x16xf32>
        tpu.vector_store %swap3A_763[%swap3A_764, %swap3A_765], %swap3A_768 {strides = array<i32>} : memref<128x32xf32, #tpu.memory_space<vmem>>, vector<1x16xf32>,
        %mul3A_769 = arith.mulf %bitcast_convert_type3A_756, %gather3A_740 : vector<16xf32>
        %add3A_770 = arith.constant 12 : i32
        %add3A_771 = arith.addi %mul3A_200, %add3A_770 : i32
        %swap3A_772 = arith.constant 0 : i32
        %swap3A_773 = arith.constant 0 : i32
        %swap3A_774 = tpu.memref_slice %arg15[%scan3A_121, %swap3A_772, %swap3A_773] : memref<2x128x32xf32, #tpu.memory_space<vmem>> -> memref<1x128x32xf32, #tpu.memory_space<vmem>>
        %swap3A_775 = tpu.memref_squeeze %swap3A_774 : memref<1x128x32xf32, #tpu.memory_space<vmem>> -> memref<128x32xf32, #tpu.memory_space<vmem>>
        %swap3A_776 = arith.index_cast %add3A_771 : i32 to index
        %swap3A_777 = arith.constant 16 : index
        %swap3A_778 = tpu.vector_load %swap3A_775[%swap3A_776, %swap3A_777] {strides = array<i32>} : memref<128x32xf32, #tpu.memory_space<vmem>>, vector<1x16xf32>,
        %swap3A_779 = vector.shape_cast %swap3A_778 : vector<1x16xf32> to vector<16xf32>
        %swap3A_780 = vector.shape_cast %mul3A_769 : vector<16xf32> to vector<1x16xf32>
        tpu.vector_store %swap3A_775[%swap3A_776, %swap3A_777], %swap3A_780 {strides = array<i32>} : memref<128x32xf32, #tpu.memory_space<vmem>>, vector<1x16xf32>,
        %broadcast_in_dim3A_781 = arith.constant 13 : i32
        %broadcast_in_dim3A_782 = vector.broadcast %broadcast_in_dim3A_781 : i32 to vector<16xi32>
        %broadcast_in_dim3A_783 = vector.shape_cast %broadcast_in_dim3A_782 : vector<16xi32> to vector<16x1xi32>
        %gather3A_784 = vector.shape_cast %broadcast_in_dim3A_783 : vector<16x1xi32> to vector<16xi32>
        %gather3A_785 = tpu.dynamic_gather %get3A_198[%gather3A_784] in [0] : vector<16xf32>, vector<16xi32> -> vector<16xf32>
        %add3A_786 = arith.constant 13 : i32
        %add3A_787 = arith.addi %mul3A_200, %add3A_786 : i32
        %get3A_788 = arith.constant 0 : i32
        %get3A_789 = arith.constant 0 : i32
        %get3A_790 = tpu.memref_slice %arg14[%scan3A_120, %get3A_788, %get3A_789] : memref<2x128x16xi32, #tpu.memory_space<vmem>> -> memref<1x128x16xi32, #tpu.memory_space<vmem>>
        %get3A_791 = tpu.memref_squeeze %get3A_790 : memref<1x128x16xi32, #tpu.memory_space<vmem>> -> memref<128x16xi32, #tpu.memory_space<vmem>>
        %get3A_792 = arith.index_cast %add3A_787 : i32 to index
        %get3A_793 = arith.constant 0 : index
        %get3A_794 = tpu.vector_load %get3A_791[%get3A_792, %get3A_793] {strides = array<i32>} : memref<128x16xi32, #tpu.memory_space<vmem>>, vector<1x16xi32>,
        %get3A_795 = vector.shape_cast %get3A_794 : vector<1x16xi32> to vector<16xi32>
        %shift_left3A_796 = arith.constant 16 : i32
        %shift_left3A_797 = vector.broadcast %shift_left3A_796 : i32 to vector<16xi32>
        %shift_left3A_798 = arith.shli %get3A_795, %shift_left3A_797 : vector<16xi32>
        %bitcast_convert_type3A_799 = tpu.bitcast %shift_left3A_798 : vector<16xi32> -> vector<16xf32>
        %and3A_800 = arith.andi %get3A_795, %broadcast_in_dim3A_119 : vector<16xi32>
        %bitcast_convert_type3A_801 = tpu.bitcast %and3A_800 : vector<16xi32> -> vector<16xf32>
        %mul3A_802 = arith.mulf %bitcast_convert_type3A_799, %gather3A_785 : vector<16xf32>
        %add3A_803 = arith.constant 13 : i32
        %add3A_804 = arith.addi %mul3A_200, %add3A_803 : i32
        %swap3A_805 = arith.constant 0 : i32
        %swap3A_806 = arith.constant 0 : i32
        %swap3A_807 = tpu.memref_slice %arg15[%scan3A_121, %swap3A_805, %swap3A_806] : memref<2x128x32xf32, #tpu.memory_space<vmem>> -> memref<1x128x32xf32, #tpu.memory_space<vmem>>
        %swap3A_808 = tpu.memref_squeeze %swap3A_807 : memref<1x128x32xf32, #tpu.memory_space<vmem>> -> memref<128x32xf32, #tpu.memory_space<vmem>>
        %swap3A_809 = arith.index_cast %add3A_804 : i32 to index
        %swap3A_810 = arith.constant 0 : index
        %swap3A_811 = tpu.vector_load %swap3A_808[%swap3A_809, %swap3A_810] {strides = array<i32>} : memref<128x32xf32, #tpu.memory_space<vmem>>, vector<1x16xf32>,
        %swap3A_812 = vector.shape_cast %swap3A_811 : vector<1x16xf32> to vector<16xf32>
        %swap3A_813 = vector.shape_cast %mul3A_802 : vector<16xf32> to vector<1x16xf32>
        tpu.vector_store %swap3A_808[%swap3A_809, %swap3A_810], %swap3A_813 {strides = array<i32>} : memref<128x32xf32, #tpu.memory_space<vmem>>, vector<1x16xf32>,
        %mul3A_814 = arith.mulf %bitcast_convert_type3A_801, %gather3A_785 : vector<16xf32>
        %add3A_815 = arith.constant 13 : i32
        %add3A_816 = arith.addi %mul3A_200, %add3A_815 : i32
        %swap3A_817 = arith.constant 0 : i32
        %swap3A_818 = arith.constant 0 : i32
        %swap3A_819 = tpu.memref_slice %arg15[%scan3A_121, %swap3A_817, %swap3A_818] : memref<2x128x32xf32, #tpu.memory_space<vmem>> -> memref<1x128x32xf32, #tpu.memory_space<vmem>>
        %swap3A_820 = tpu.memref_squeeze %swap3A_819 : memref<1x128x32xf32, #tpu.memory_space<vmem>> -> memref<128x32xf32, #tpu.memory_space<vmem>>
        %swap3A_821 = arith.index_cast %add3A_816 : i32 to index
        %swap3A_822 = arith.constant 16 : index
        %swap3A_823 = tpu.vector_load %swap3A_820[%swap3A_821, %swap3A_822] {strides = array<i32>} : memref<128x32xf32, #tpu.memory_space<vmem>>, vector<1x16xf32>,
        %swap3A_824 = vector.shape_cast %swap3A_823 : vector<1x16xf32> to vector<16xf32>
        %swap3A_825 = vector.shape_cast %mul3A_814 : vector<16xf32> to vector<1x16xf32>
        tpu.vector_store %swap3A_820[%swap3A_821, %swap3A_822], %swap3A_825 {strides = array<i32>} : memref<128x32xf32, #tpu.memory_space<vmem>>, vector<1x16xf32>,
        %broadcast_in_dim3A_826 = arith.constant 14 : i32
        %broadcast_in_dim3A_827 = vector.broadcast %broadcast_in_dim3A_826 : i32 to vector<16xi32>
        %broadcast_in_dim3A_828 = vector.shape_cast %broadcast_in_dim3A_827 : vector<16xi32> to vector<16x1xi32>
        %gather3A_829 = vector.shape_cast %broadcast_in_dim3A_828 : vector<16x1xi32> to vector<16xi32>
        %gather3A_830 = tpu.dynamic_gather %get3A_198[%gather3A_829] in [0] : vector<16xf32>, vector<16xi32> -> vector<16xf32>
        %add3A_831 = arith.constant 14 : i32
        %add3A_832 = arith.addi %mul3A_200, %add3A_831 : i32
        %get3A_833 = arith.constant 0 : i32
        %get3A_834 = arith.constant 0 : i32
        %get3A_835 = tpu.memref_slice %arg14[%scan3A_120, %get3A_833, %get3A_834] : memref<2x128x16xi32, #tpu.memory_space<vmem>> -> memref<1x128x16xi32, #tpu.memory_space<vmem>>
        %get3A_836 = tpu.memref_squeeze %get3A_835 : memref<1x128x16xi32, #tpu.memory_space<vmem>> -> memref<128x16xi32, #tpu.memory_space<vmem>>
        %get3A_837 = arith.index_cast %add3A_832 : i32 to index
        %get3A_838 = arith.constant 0 : index
        %get3A_839 = tpu.vector_load %get3A_836[%get3A_837, %get3A_838] {strides = array<i32>} : memref<128x16xi32, #tpu.memory_space<vmem>>, vector<1x16xi32>,
        %get3A_840 = vector.shape_cast %get3A_839 : vector<1x16xi32> to vector<16xi32>
        %shift_left3A_841 = arith.constant 16 : i32
        %shift_left3A_842 = vector.broadcast %shift_left3A_841 : i32 to vector<16xi32>
        %shift_left3A_843 = arith.shli %get3A_840, %shift_left3A_842 : vector<16xi32>
        %bitcast_convert_type3A_844 = tpu.bitcast %shift_left3A_843 : vector<16xi32> -> vector<16xf32>
        %and3A_845 = arith.andi %get3A_840, %broadcast_in_dim3A_119 : vector<16xi32>
        %bitcast_convert_type3A_846 = tpu.bitcast %and3A_845 : vector<16xi32> -> vector<16xf32>
        %mul3A_847 = arith.mulf %bitcast_convert_type3A_844, %gather3A_830 : vector<16xf32>
        %add3A_848 = arith.constant 14 : i32
        %add3A_849 = arith.addi %mul3A_200, %add3A_848 : i32
        %swap3A_850 = arith.constant 0 : i32
        %swap3A_851 = arith.constant 0 : i32
        %swap3A_852 = tpu.memref_slice %arg15[%scan3A_121, %swap3A_850, %swap3A_851] : memref<2x128x32xf32, #tpu.memory_space<vmem>> -> memref<1x128x32xf32, #tpu.memory_space<vmem>>
        %swap3A_853 = tpu.memref_squeeze %swap3A_852 : memref<1x128x32xf32, #tpu.memory_space<vmem>> -> memref<128x32xf32, #tpu.memory_space<vmem>>
        %swap3A_854 = arith.index_cast %add3A_849 : i32 to index
        %swap3A_855 = arith.constant 0 : index
        %swap3A_856 = tpu.vector_load %swap3A_853[%swap3A_854, %swap3A_855] {strides = array<i32>} : memref<128x32xf32, #tpu.memory_space<vmem>>, vector<1x16xf32>,
        %swap3A_857 = vector.shape_cast %swap3A_856 : vector<1x16xf32> to vector<16xf32>
        %swap3A_858 = vector.shape_cast %mul3A_847 : vector<16xf32> to vector<1x16xf32>
        tpu.vector_store %swap3A_853[%swap3A_854, %swap3A_855], %swap3A_858 {strides = array<i32>} : memref<128x32xf32, #tpu.memory_space<vmem>>, vector<1x16xf32>,
        %mul3A_859 = arith.mulf %bitcast_convert_type3A_846, %gather3A_830 : vector<16xf32>
        %add3A_860 = arith.constant 14 : i32
        %add3A_861 = arith.addi %mul3A_200, %add3A_860 : i32
        %swap3A_862 = arith.constant 0 : i32
        %swap3A_863 = arith.constant 0 : i32
        %swap3A_864 = tpu.memref_slice %arg15[%scan3A_121, %swap3A_862, %swap3A_863] : memref<2x128x32xf32, #tpu.memory_space<vmem>> -> memref<1x128x32xf32, #tpu.memory_space<vmem>>
        %swap3A_865 = tpu.memref_squeeze %swap3A_864 : memref<1x128x32xf32, #tpu.memory_space<vmem>> -> memref<128x32xf32, #tpu.memory_space<vmem>>
        %swap3A_866 = arith.index_cast %add3A_861 : i32 to index
        %swap3A_867 = arith.constant 16 : index
        %swap3A_868 = tpu.vector_load %swap3A_865[%swap3A_866, %swap3A_867] {strides = array<i32>} : memref<128x32xf32, #tpu.memory_space<vmem>>, vector<1x16xf32>,
        %swap3A_869 = vector.shape_cast %swap3A_868 : vector<1x16xf32> to vector<16xf32>
        %swap3A_870 = vector.shape_cast %mul3A_859 : vector<16xf32> to vector<1x16xf32>
        tpu.vector_store %swap3A_865[%swap3A_866, %swap3A_867], %swap3A_870 {strides = array<i32>} : memref<128x32xf32, #tpu.memory_space<vmem>>, vector<1x16xf32>,
        %broadcast_in_dim3A_871 = arith.constant 15 : i32
        %broadcast_in_dim3A_872 = vector.broadcast %broadcast_in_dim3A_871 : i32 to vector<16xi32>
        %broadcast_in_dim3A_873 = vector.shape_cast %broadcast_in_dim3A_872 : vector<16xi32> to vector<16x1xi32>
        %gather3A_874 = vector.shape_cast %broadcast_in_dim3A_873 : vector<16x1xi32> to vector<16xi32>
        %gather3A_875 = tpu.dynamic_gather %get3A_198[%gather3A_874] in [0] : vector<16xf32>, vector<16xi32> -> vector<16xf32>
        %add3A_876 = arith.constant 15 : i32
        %add3A_877 = arith.addi %mul3A_200, %add3A_876 : i32
        %get3A_878 = arith.constant 0 : i32
        %get3A_879 = arith.constant 0 : i32
        %get3A_880 = tpu.memref_slice %arg14[%scan3A_120, %get3A_878, %get3A_879] : memref<2x128x16xi32, #tpu.memory_space<vmem>> -> memref<1x128x16xi32, #tpu.memory_space<vmem>>
        %get3A_881 = tpu.memref_squeeze %get3A_880 : memref<1x128x16xi32, #tpu.memory_space<vmem>> -> memref<128x16xi32, #tpu.memory_space<vmem>>
        %get3A_882 = arith.index_cast %add3A_877 : i32 to index
        %get3A_883 = arith.constant 0 : index
        %get3A_884 = tpu.vector_load %get3A_881[%get3A_882, %get3A_883] {strides = array<i32>} : memref<128x16xi32, #tpu.memory_space<vmem>>, vector<1x16xi32>,
        %get3A_885 = vector.shape_cast %get3A_884 : vector<1x16xi32> to vector<16xi32>
        %shift_left3A_886 = arith.constant 16 : i32
        %shift_left3A_887 = vector.broadcast %shift_left3A_886 : i32 to vector<16xi32>
        %shift_left3A_888 = arith.shli %get3A_885, %shift_left3A_887 : vector<16xi32>
        %bitcast_convert_type3A_889 = tpu.bitcast %shift_left3A_888 : vector<16xi32> -> vector<16xf32>
        %and3A_890 = arith.andi %get3A_885, %broadcast_in_dim3A_119 : vector<16xi32>
        %bitcast_convert_type3A_891 = tpu.bitcast %and3A_890 : vector<16xi32> -> vector<16xf32>
        %mul3A_892 = arith.mulf %bitcast_convert_type3A_889, %gather3A_875 : vector<16xf32>
        %add3A_893 = arith.constant 15 : i32
        %add3A_894 = arith.addi %mul3A_200, %add3A_893 : i32
        %swap3A_895 = arith.constant 0 : i32
        %swap3A_896 = arith.constant 0 : i32
        %swap3A_897 = tpu.memref_slice %arg15[%scan3A_121, %swap3A_895, %swap3A_896] : memref<2x128x32xf32, #tpu.memory_space<vmem>> -> memref<1x128x32xf32, #tpu.memory_space<vmem>>
        %swap3A_898 = tpu.memref_squeeze %swap3A_897 : memref<1x128x32xf32, #tpu.memory_space<vmem>> -> memref<128x32xf32, #tpu.memory_space<vmem>>
        %swap3A_899 = arith.index_cast %add3A_894 : i32 to index
        %swap3A_900 = arith.constant 0 : index
        %swap3A_901 = tpu.vector_load %swap3A_898[%swap3A_899, %swap3A_900] {strides = array<i32>} : memref<128x32xf32, #tpu.memory_space<vmem>>, vector<1x16xf32>,
        %swap3A_902 = vector.shape_cast %swap3A_901 : vector<1x16xf32> to vector<16xf32>
        %swap3A_903 = vector.shape_cast %mul3A_892 : vector<16xf32> to vector<1x16xf32>
        tpu.vector_store %swap3A_898[%swap3A_899, %swap3A_900], %swap3A_903 {strides = array<i32>} : memref<128x32xf32, #tpu.memory_space<vmem>>, vector<1x16xf32>,
        %mul3A_904 = arith.mulf %bitcast_convert_type3A_891, %gather3A_875 : vector<16xf32>
        %add3A_905 = arith.constant 15 : i32
        %add3A_906 = arith.addi %mul3A_200, %add3A_905 : i32
        %swap3A_907 = arith.constant 0 : i32
        %swap3A_908 = arith.constant 0 : i32
        %swap3A_909 = tpu.memref_slice %arg15[%scan3A_121, %swap3A_907, %swap3A_908] : memref<2x128x32xf32, #tpu.memory_space<vmem>> -> memref<1x128x32xf32, #tpu.memory_space<vmem>>
        %swap3A_910 = tpu.memref_squeeze %swap3A_909 : memref<1x128x32xf32, #tpu.memory_space<vmem>> -> memref<128x32xf32, #tpu.memory_space<vmem>>
        %swap3A_911 = arith.index_cast %add3A_906 : i32 to index
        %swap3A_912 = arith.constant 16 : index
        %swap3A_913 = tpu.vector_load %swap3A_910[%swap3A_911, %swap3A_912] {strides = array<i32>} : memref<128x32xf32, #tpu.memory_space<vmem>>, vector<1x16xf32>,
        %swap3A_914 = vector.shape_cast %swap3A_913 : vector<1x16xf32> to vector<16xf32>
        %swap3A_915 = vector.shape_cast %mul3A_904 : vector<16xf32> to vector<1x16xf32>
        tpu.vector_store %swap3A_910[%swap3A_911, %swap3A_912], %swap3A_915 {strides = array<i32>} : memref<128x32xf32, #tpu.memory_space<vmem>>, vector<1x16xf32>,
        %scan3A_916 = arith.constant 0 : i32
        scf.yield %scan3A_916 : i32
      }
      %scan3A_128 = arith.constant 8 : i32
      %dma_start3A_129 = arith.constant 0 : i32
      %dma_start3A_130 = arith.constant 0 : i32
      %dma_start3A_131 = arith.constant 0 : i32
      %dma_start3A_132 = tpu.memref_slice %arg15[%dma_start3A_129, %dma_start3A_130, %dma_start3A_131] : memref<2x128x32xf32, #tpu.memory_space<vmem>> -> memref<1x128x32xf32, #tpu.memory_space<vmem>>
      %dma_start3A_133 = tpu.memref_squeeze %dma_start3A_132 : memref<1x128x32xf32, #tpu.memory_space<vmem>> -> memref<128x32xf32, #tpu.memory_space<vmem>>
      %dma_start3A_134 = arith.constant 0 : i32
      %dma_start3A_135 = tpu.memref_slice %arg12[%add3A_105, %dma_start3A_134] : memref<80x128xi32, #tpu.memory_space<vmem>> -> memref<1x128xi32, #tpu.memory_space<vmem>>
      %dma_start3A_136 = tpu.memref_squeeze %dma_start3A_135 : memref<1x128xi32, #tpu.memory_space<vmem>> -> memref<128xi32, #tpu.memory_space<vmem>>
      %dma_start3A_137 = arith.constant 0 : i32
      %dma_start3A_138 = arith.constant 0 : i32
      %dma_start3A_139 = tpu.memref_slice %arg8[%dma_start3A_137, %dma_start3A_138] : memref<10000x32xf32, #tpu.memory_space<vmem_shared>> -> memref<10000x32xf32, #tpu.memory_space<vmem_shared>>
      tpu.enqueue_indirect_dma source(%dma_start3A_133 : memref<128x32xf32, #tpu.memory_space<vmem>>) target(%dma_start3A_139 : memref<10000x32xf32, #tpu.memory_space<vmem_shared>>) offsets(%dma_start3A_136 : memref<128xi32, #tpu.memory_space<vmem>>) semaphore(%arg18 : memref<!tpu.dma_semaphore, #tpu.memory_space<semaphore_mem>>) {add = true}
      %le3A = arith.constant 38 : i32
      %le3A_140 = arith.cmpi sle, %scan3A_100, %le3A : i32
      %convert_element_type3A_141 = arith.extui %le3A_140 : i1 to i32
      %cond3A_142 = arith.constant 0 : i32
      %cond3A_143 = arith.cmpi ne, %convert_element_type3A_141, %cond3A_142 : i32
      scf.if %cond3A_143 {
        %add3A_192 = arith.constant 2 : i32
        %add3A_193 = arith.addi %add3A_105, %add3A_192 : i32
        %dma_start3A_194 = arith.constant 0 : i32
        %dma_start3A_195 = arith.constant 0 : i32
        %dma_start3A_196 = arith.constant 0 : i32
        %dma_start3A_197 = tpu.memref_slice %arg14[%dma_start3A_194, %dma_start3A_195, %dma_start3A_196] : memref<2x128x16xi32, #tpu.memory_space<vmem>> -> memref<1x128x16xi32, #tpu.memory_space<vmem>>
        %dma_start3A_198 = tpu.memref_squeeze %dma_start3A_197 : memref<1x128x16xi32, #tpu.memory_space<vmem>> -> memref<128x16xi32, #tpu.memory_space<vmem>>
        %dma_start3A_199 = arith.constant 0 : i32
        %dma_start3A_200 = tpu.memref_slice %arg11[%add3A_193, %dma_start3A_199] : memref<80x128xi32, #tpu.memory_space<vmem>> -> memref<1x128xi32, #tpu.memory_space<vmem>>
        %dma_start3A_201 = tpu.memref_squeeze %dma_start3A_200 : memref<1x128xi32, #tpu.memory_space<vmem>> -> memref<128xi32, #tpu.memory_space<vmem>>
        %dma_start3A_202 = arith.constant 0 : i32
        %dma_start3A_203 = arith.constant 0 : i32
        %dma_start3A_204 = tpu.memref_slice %arg9[%dma_start3A_202, %dma_start3A_203] : memref<10000x16xi32, #tpu.memory_space<vmem_shared>> -> memref<10000x16xi32, #tpu.memory_space<vmem_shared>>
        tpu.enqueue_indirect_dma source(%dma_start3A_204 : memref<10000x16xi32, #tpu.memory_space<vmem_shared>>) target(%dma_start3A_198 : memref<128x16xi32, #tpu.memory_space<vmem>>) offsets(%dma_start3A_201 : memref<128xi32, #tpu.memory_space<vmem>>) semaphore(%arg16 : memref<!tpu.dma_semaphore, #tpu.memory_space<semaphore_mem>>)
      } else {
      }
      %mul3A_144 = arith.constant 2 : i32
      %mul3A_145 = arith.muli %mul3A_144, %scan3A_100 : i32
      %add3A_146 = arith.constant 1 : i32
      %add3A_147 = arith.addi %mul3A_145, %add3A_146 : i32
      %ge3A_148 = arith.constant 1 : i32
      %ge3A_149 = arith.cmpi sge, %scan3A_100, %ge3A_148 : i32
      %convert_element_type3A_150 = arith.extui %ge3A_149 : i1 to i32
      %cond3A_151 = arith.constant 0 : i32
      %cond3A_152 = arith.cmpi ne, %convert_element_type3A_150, %cond3A_151 : i32
      scf.if %cond3A_152 {
        %sub3A = arith.constant 2 : i32
        %sub3A_192 = arith.subi %add3A_147, %sub3A : i32
        %dma_wait3A_193 = arith.constant 1 : i32
        %dma_wait3A_194 = arith.constant 0 : i32
        %dma_wait3A_195 = arith.constant 0 : i32
        %dma_wait3A_196 = tpu.memref_slice %arg15[%dma_wait3A_193, %dma_wait3A_194, %dma_wait3A_195] : memref<2x128x32xf32, #tpu.memory_space<vmem>> -> memref<1x128x32xf32, #tpu.memory_space<vmem>>
        %dma_wait3A_197 = tpu.memref_squeeze %dma_wait3A_196 : memref<1x128x32xf32, #tpu.memory_space<vmem>> -> memref<128x32xf32, #tpu.memory_space<vmem>>
        %dma_wait3A_198 = arith.constant 0 : i32
        %dma_wait3A_199 = tpu.memref_slice %arg12[%sub3A_192, %dma_wait3A_198] : memref<80x128xi32, #tpu.memory_space<vmem>> -> memref<1x128xi32, #tpu.memory_space<vmem>>
        %dma_wait3A_200 = tpu.memref_squeeze %dma_wait3A_199 : memref<1x128xi32, #tpu.memory_space<vmem>> -> memref<128xi32, #tpu.memory_space<vmem>>
        %dma_wait3A_201 = arith.constant 0 : i32
        %dma_wait3A_202 = arith.constant 0 : i32
        %dma_wait3A_203 = tpu.memref_slice %arg8[%dma_wait3A_201, %dma_wait3A_202] : memref<10000x32xf32, #tpu.memory_space<vmem_shared>> -> memref<10000x32xf32, #tpu.memory_space<vmem_shared>>
        tpu.wait_indirect_dma semaphore(%arg19 : memref<!tpu.dma_semaphore, #tpu.memory_space<semaphore_mem>>) src(%dma_wait3A_197 : memref<128x32xf32, #tpu.memory_space<vmem>>) dst(%dma_wait3A_203 : memref<10000x32xf32, #tpu.memory_space<vmem_shared>>)
      } else {
      }
      %dma_wait3A_153 = arith.constant 1 : i32
      %dma_wait3A_154 = arith.constant 0 : i32
      %dma_wait3A_155 = arith.constant 0 : i32
      %dma_wait3A_156 = tpu.memref_slice %arg14[%dma_wait3A_153, %dma_wait3A_154, %dma_wait3A_155] : memref<2x128x16xi32, #tpu.memory_space<vmem>> -> memref<1x128x16xi32, #tpu.memory_space<vmem>>
      %dma_wait3A_157 = tpu.memref_squeeze %dma_wait3A_156 : memref<1x128x16xi32, #tpu.memory_space<vmem>> -> memref<128x16xi32, #tpu.memory_space<vmem>>
      %dma_wait3A_158 = arith.constant 0 : i32
      %dma_wait3A_159 = tpu.memref_slice %arg11[%add3A_147, %dma_wait3A_158] : memref<80x128xi32, #tpu.memory_space<vmem>> -> memref<1x128xi32, #tpu.memory_space<vmem>>
      %dma_wait3A_160 = tpu.memref_squeeze %dma_wait3A_159 : memref<1x128xi32, #tpu.memory_space<vmem>> -> memref<128xi32, #tpu.memory_space<vmem>>
      %dma_wait3A_161 = arith.constant 0 : i32
      %dma_wait3A_162 = arith.constant 0 : i32
      %dma_wait3A_163 = tpu.memref_slice %arg9[%dma_wait3A_161, %dma_wait3A_162] : memref<10000x16xi32, #tpu.memory_space<vmem_shared>> -> memref<10000x16xi32, #tpu.memory_space<vmem_shared>>
      tpu.wait_indirect_dma semaphore(%arg17 : memref<!tpu.dma_semaphore, #tpu.memory_space<semaphore_mem>>) src(%dma_wait3A_163 : memref<10000x16xi32, #tpu.memory_space<vmem_shared>>) dst(%dma_wait3A_157 : memref<128x16xi32, #tpu.memory_space<vmem>>)
      %broadcast_in_dim3A_164 = arith.constant -65536 : i32
      %broadcast_in_dim3A_165 = vector.broadcast %broadcast_in_dim3A_164 : i32 to vector<16xi32>
      %scan3A_166 = arith.constant 1 : i32
      %scan3A_167 = arith.constant 1 : i32
      %scan3A_168 = arith.constant 0 : i32
      %scan3A_169 = arith.constant 0 : i32
      %scan3A_170 = arith.constant 8 : i32
      %scan3A_171 = arith.addi %scan3A_169, %scan3A_170 : i32
      %scan3A_172 = arith.constant 1 : i32
      %scan3A_173 = scf.for %scan3A_192 = %scan3A_169 to %scan3A_171 step %scan3A_172 iter_args(%scan3A_193 = %scan3A_168) -> (i32)  : i32 {
        %mul3A_194 = arith.constant 16 : i32
        %mul3A_195 = arith.muli %scan3A_192, %mul3A_194 : i32
        %get3A = arith.index_cast %add3A_147 : i32 to index
        %get3A_196 = arith.index_cast %mul3A_195 : i32 to index
        %get3A_197 = tpu.vector_load %arg13[%get3A, %get3A_196] {strides = array<i32>} : memref<80x128xf32, #tpu.memory_space<vmem>>, vector<1x16xf32>,
        %get3A_198 = vector.shape_cast %get3A_197 : vector<1x16xf32> to vector<16xf32>
        %mul3A_199 = arith.constant 16 : i32
        %mul3A_200 = arith.muli %scan3A_192, %mul3A_199 : i32
        %broadcast_in_dim3A_201 = arith.constant 0 : i32
        %broadcast_in_dim3A_202 = vector.broadcast %broadcast_in_dim3A_201 : i32 to vector<16xi32>
        %broadcast_in_dim3A_203 = vector.shape_cast %broadcast_in_dim3A_202 : vector<16xi32> to vector<16x1xi32>
        %gather3A = vector.shape_cast %broadcast_in_dim3A_203 : vector<16x1xi32> to vector<16xi32>
        %gather3A_204 = tpu.dynamic_gather %get3A_198[%gather3A] in [0] : vector<16xf32>, vector<16xi32> -> vector<16xf32>
        %add3A_205 = arith.constant 0 : i32
        %add3A_206 = arith.addi %mul3A_200, %add3A_205 : i32
        %get3A_207 = arith.constant 0 : i32
        %get3A_208 = arith.constant 0 : i32
        %get3A_209 = tpu.memref_slice %arg14[%scan3A_166, %get3A_207, %get3A_208] : memref<2x128x16xi32, #tpu.memory_space<vmem>> -> memref<1x128x16xi32, #tpu.memory_space<vmem>>
        %get3A_210 = tpu.memref_squeeze %get3A_209 : memref<1x128x16xi32, #tpu.memory_space<vmem>> -> memref<128x16xi32, #tpu.memory_space<vmem>>
        %get3A_211 = arith.index_cast %add3A_206 : i32 to index
        %get3A_212 = arith.constant 0 : index
        %get3A_213 = tpu.vector_load %get3A_210[%get3A_211, %get3A_212] {strides = array<i32>} : memref<128x16xi32, #tpu.memory_space<vmem>>, vector<1x16xi32>,
        %get3A_214 = vector.shape_cast %get3A_213 : vector<1x16xi32> to vector<16xi32>
        %shift_left3A = arith.constant 16 : i32
        %shift_left3A_215 = vector.broadcast %shift_left3A : i32 to vector<16xi32>
        %shift_left3A_216 = arith.shli %get3A_214, %shift_left3A_215 : vector<16xi32>
        %bitcast_convert_type3A = tpu.bitcast %shift_left3A_216 : vector<16xi32> -> vector<16xf32>
        %and3A = arith.andi %get3A_214, %broadcast_in_dim3A_165 : vector<16xi32>
        %bitcast_convert_type3A_217 = tpu.bitcast %and3A : vector<16xi32> -> vector<16xf32>
        %mul3A_218 = arith.mulf %bitcast_convert_type3A, %gather3A_204 : vector<16xf32>
        %add3A_219 = arith.constant 0 : i32
        %add3A_220 = arith.addi %mul3A_200, %add3A_219 : i32
        %swap3A = arith.constant 0 : i32
        %swap3A_221 = arith.constant 0 : i32
        %swap3A_222 = tpu.memref_slice %arg15[%scan3A_167, %swap3A, %swap3A_221] : memref<2x128x32xf32, #tpu.memory_space<vmem>> -> memref<1x128x32xf32, #tpu.memory_space<vmem>>
        %swap3A_223 = tpu.memref_squeeze %swap3A_222 : memref<1x128x32xf32, #tpu.memory_space<vmem>> -> memref<128x32xf32, #tpu.memory_space<vmem>>
        %swap3A_224 = arith.index_cast %add3A_220 : i32 to index
        %swap3A_225 = arith.constant 0 : index
        %swap3A_226 = tpu.vector_load %swap3A_223[%swap3A_224, %swap3A_225] {strides = array<i32>} : memref<128x32xf32, #tpu.memory_space<vmem>>, vector<1x16xf32>,
        %swap3A_227 = vector.shape_cast %swap3A_226 : vector<1x16xf32> to vector<16xf32>
        %swap3A_228 = vector.shape_cast %mul3A_218 : vector<16xf32> to vector<1x16xf32>
        tpu.vector_store %swap3A_223[%swap3A_224, %swap3A_225], %swap3A_228 {strides = array<i32>} : memref<128x32xf32, #tpu.memory_space<vmem>>, vector<1x16xf32>,
        %mul3A_229 = arith.mulf %bitcast_convert_type3A_217, %gather3A_204 : vector<16xf32>
        %add3A_230 = arith.constant 0 : i32
        %add3A_231 = arith.addi %mul3A_200, %add3A_230 : i32
        %swap3A_232 = arith.constant 0 : i32
        %swap3A_233 = arith.constant 0 : i32
        %swap3A_234 = tpu.memref_slice %arg15[%scan3A_167, %swap3A_232, %swap3A_233] : memref<2x128x32xf32, #tpu.memory_space<vmem>> -> memref<1x128x32xf32, #tpu.memory_space<vmem>>
        %swap3A_235 = tpu.memref_squeeze %swap3A_234 : memref<1x128x32xf32, #tpu.memory_space<vmem>> -> memref<128x32xf32, #tpu.memory_space<vmem>>
        %swap3A_236 = arith.index_cast %add3A_231 : i32 to index
        %swap3A_237 = arith.constant 16 : index
        %swap3A_238 = tpu.vector_load %swap3A_235[%swap3A_236, %swap3A_237] {strides = array<i32>} : memref<128x32xf32, #tpu.memory_space<vmem>>, vector<1x16xf32>,
        %swap3A_239 = vector.shape_cast %swap3A_238 : vector<1x16xf32> to vector<16xf32>
        %swap3A_240 = vector.shape_cast %mul3A_229 : vector<16xf32> to vector<1x16xf32>
        tpu.vector_store %swap3A_235[%swap3A_236, %swap3A_237], %swap3A_240 {strides = array<i32>} : memref<128x32xf32, #tpu.memory_space<vmem>>, vector<1x16xf32>,
        %broadcast_in_dim3A_241 = arith.constant 1 : i32
        %broadcast_in_dim3A_242 = vector.broadcast %broadcast_in_dim3A_241 : i32 to vector<16xi32>
        %broadcast_in_dim3A_243 = vector.shape_cast %broadcast_in_dim3A_242 : vector<16xi32> to vector<16x1xi32>
        %gather3A_244 = vector.shape_cast %broadcast_in_dim3A_243 : vector<16x1xi32> to vector<16xi32>
        %gather3A_245 = tpu.dynamic_gather %get3A_198[%gather3A_244] in [0] : vector<16xf32>, vector<16xi32> -> vector<16xf32>
        %add3A_246 = arith.constant 1 : i32
        %add3A_247 = arith.addi %mul3A_200, %add3A_246 : i32
        %get3A_248 = arith.constant 0 : i32
        %get3A_249 = arith.constant 0 : i32
        %get3A_250 = tpu.memref_slice %arg14[%scan3A_166, %get3A_248, %get3A_249] : memref<2x128x16xi32, #tpu.memory_space<vmem>> -> memref<1x128x16xi32, #tpu.memory_space<vmem>>
        %get3A_251 = tpu.memref_squeeze %get3A_250 : memref<1x128x16xi32, #tpu.memory_space<vmem>> -> memref<128x16xi32, #tpu.memory_space<vmem>>
        %get3A_252 = arith.index_cast %add3A_247 : i32 to index
        %get3A_253 = arith.constant 0 : index
        %get3A_254 = tpu.vector_load %get3A_251[%get3A_252, %get3A_253] {strides = array<i32>} : memref<128x16xi32, #tpu.memory_space<vmem>>, vector<1x16xi32>,
        %get3A_255 = vector.shape_cast %get3A_254 : vector<1x16xi32> to vector<16xi32>
        %shift_left3A_256 = arith.constant 16 : i32
        %shift_left3A_257 = vector.broadcast %shift_left3A_256 : i32 to vector<16xi32>
        %shift_left3A_258 = arith.shli %get3A_255, %shift_left3A_257 : vector<16xi32>
        %bitcast_convert_type3A_259 = tpu.bitcast %shift_left3A_258 : vector<16xi32> -> vector<16xf32>
        %and3A_260 = arith.andi %get3A_255, %broadcast_in_dim3A_165 : vector<16xi32>
        %bitcast_convert_type3A_261 = tpu.bitcast %and3A_260 : vector<16xi32> -> vector<16xf32>
        %mul3A_262 = arith.mulf %bitcast_convert_type3A_259, %gather3A_245 : vector<16xf32>
        %add3A_263 = arith.constant 1 : i32
        %add3A_264 = arith.addi %mul3A_200, %add3A_263 : i32
        %swap3A_265 = arith.constant 0 : i32
        %swap3A_266 = arith.constant 0 : i32
        %swap3A_267 = tpu.memref_slice %arg15[%scan3A_167, %swap3A_265, %swap3A_266] : memref<2x128x32xf32, #tpu.memory_space<vmem>> -> memref<1x128x32xf32, #tpu.memory_space<vmem>>
        %swap3A_268 = tpu.memref_squeeze %swap3A_267 : memref<1x128x32xf32, #tpu.memory_space<vmem>> -> memref<128x32xf32, #tpu.memory_space<vmem>>
        %swap3A_269 = arith.index_cast %add3A_264 : i32 to index
        %swap3A_270 = arith.constant 0 : index
        %swap3A_271 = tpu.vector_load %swap3A_268[%swap3A_269, %swap3A_270] {strides = array<i32>} : memref<128x32xf32, #tpu.memory_space<vmem>>, vector<1x16xf32>,
        %swap3A_272 = vector.shape_cast %swap3A_271 : vector<1x16xf32> to vector<16xf32>
        %swap3A_273 = vector.shape_cast %mul3A_262 : vector<16xf32> to vector<1x16xf32>
        tpu.vector_store %swap3A_268[%swap3A_269, %swap3A_270], %swap3A_273 {strides = array<i32>} : memref<128x32xf32, #tpu.memory_space<vmem>>, vector<1x16xf32>,
        %mul3A_274 = arith.mulf %bitcast_convert_type3A_261, %gather3A_245 : vector<16xf32>
        %add3A_275 = arith.constant 1 : i32
        %add3A_276 = arith.addi %mul3A_200, %add3A_275 : i32
        %swap3A_277 = arith.constant 0 : i32
        %swap3A_278 = arith.constant 0 : i32
        %swap3A_279 = tpu.memref_slice %arg15[%scan3A_167, %swap3A_277, %swap3A_278] : memref<2x128x32xf32, #tpu.memory_space<vmem>> -> memref<1x128x32xf32, #tpu.memory_space<vmem>>
        %swap3A_280 = tpu.memref_squeeze %swap3A_279 : memref<1x128x32xf32, #tpu.memory_space<vmem>> -> memref<128x32xf32, #tpu.memory_space<vmem>>
        %swap3A_281 = arith.index_cast %add3A_276 : i32 to index
        %swap3A_282 = arith.constant 16 : index
        %swap3A_283 = tpu.vector_load %swap3A_280[%swap3A_281, %swap3A_282] {strides = array<i32>} : memref<128x32xf32, #tpu.memory_space<vmem>>, vector<1x16xf32>,
        %swap3A_284 = vector.shape_cast %swap3A_283 : vector<1x16xf32> to vector<16xf32>
        %swap3A_285 = vector.shape_cast %mul3A_274 : vector<16xf32> to vector<1x16xf32>
        tpu.vector_store %swap3A_280[%swap3A_281, %swap3A_282], %swap3A_285 {strides = array<i32>} : memref<128x32xf32, #tpu.memory_space<vmem>>, vector<1x16xf32>,
        %broadcast_in_dim3A_286 = arith.constant 2 : i32
        %broadcast_in_dim3A_287 = vector.broadcast %broadcast_in_dim3A_286 : i32 to vector<16xi32>
        %broadcast_in_dim3A_288 = vector.shape_cast %broadcast_in_dim3A_287 : vector<16xi32> to vector<16x1xi32>
        %gather3A_289 = vector.shape_cast %broadcast_in_dim3A_288 : vector<16x1xi32> to vector<16xi32>
        %gather3A_290 = tpu.dynamic_gather %get3A_198[%gather3A_289] in [0] : vector<16xf32>, vector<16xi32> -> vector<16xf32>
        %add3A_291 = arith.constant 2 : i32
        %add3A_292 = arith.addi %mul3A_200, %add3A_291 : i32
        %get3A_293 = arith.constant 0 : i32
        %get3A_294 = arith.constant 0 : i32
        %get3A_295 = tpu.memref_slice %arg14[%scan3A_166, %get3A_293, %get3A_294] : memref<2x128x16xi32, #tpu.memory_space<vmem>> -> memref<1x128x16xi32, #tpu.memory_space<vmem>>
        %get3A_296 = tpu.memref_squeeze %get3A_295 : memref<1x128x16xi32, #tpu.memory_space<vmem>> -> memref<128x16xi32, #tpu.memory_space<vmem>>
        %get3A_297 = arith.index_cast %add3A_292 : i32 to index
        %get3A_298 = arith.constant 0 : index
        %get3A_299 = tpu.vector_load %get3A_296[%get3A_297, %get3A_298] {strides = array<i32>} : memref<128x16xi32, #tpu.memory_space<vmem>>, vector<1x16xi32>,
        %get3A_300 = vector.shape_cast %get3A_299 : vector<1x16xi32> to vector<16xi32>
        %shift_left3A_301 = arith.constant 16 : i32
        %shift_left3A_302 = vector.broadcast %shift_left3A_301 : i32 to vector<16xi32>
        %shift_left3A_303 = arith.shli %get3A_300, %shift_left3A_302 : vector<16xi32>
        %bitcast_convert_type3A_304 = tpu.bitcast %shift_left3A_303 : vector<16xi32> -> vector<16xf32>
        %and3A_305 = arith.andi %get3A_300, %broadcast_in_dim3A_165 : vector<16xi32>
        %bitcast_convert_type3A_306 = tpu.bitcast %and3A_305 : vector<16xi32> -> vector<16xf32>
        %mul3A_307 = arith.mulf %bitcast_convert_type3A_304, %gather3A_290 : vector<16xf32>
        %add3A_308 = arith.constant 2 : i32
        %add3A_309 = arith.addi %mul3A_200, %add3A_308 : i32
        %swap3A_310 = arith.constant 0 : i32
        %swap3A_311 = arith.constant 0 : i32
        %swap3A_312 = tpu.memref_slice %arg15[%scan3A_167, %swap3A_310, %swap3A_311] : memref<2x128x32xf32, #tpu.memory_space<vmem>> -> memref<1x128x32xf32, #tpu.memory_space<vmem>>
        %swap3A_313 = tpu.memref_squeeze %swap3A_312 : memref<1x128x32xf32, #tpu.memory_space<vmem>> -> memref<128x32xf32, #tpu.memory_space<vmem>>
        %swap3A_314 = arith.index_cast %add3A_309 : i32 to index
        %swap3A_315 = arith.constant 0 : index
        %swap3A_316 = tpu.vector_load %swap3A_313[%swap3A_314, %swap3A_315] {strides = array<i32>} : memref<128x32xf32, #tpu.memory_space<vmem>>, vector<1x16xf32>,
        %swap3A_317 = vector.shape_cast %swap3A_316 : vector<1x16xf32> to vector<16xf32>
        %swap3A_318 = vector.shape_cast %mul3A_307 : vector<16xf32> to vector<1x16xf32>
        tpu.vector_store %swap3A_313[%swap3A_314, %swap3A_315], %swap3A_318 {strides = array<i32>} : memref<128x32xf32, #tpu.memory_space<vmem>>, vector<1x16xf32>,
        %mul3A_319 = arith.mulf %bitcast_convert_type3A_306, %gather3A_290 : vector<16xf32>
        %add3A_320 = arith.constant 2 : i32
        %add3A_321 = arith.addi %mul3A_200, %add3A_320 : i32
        %swap3A_322 = arith.constant 0 : i32
        %swap3A_323 = arith.constant 0 : i32
        %swap3A_324 = tpu.memref_slice %arg15[%scan3A_167, %swap3A_322, %swap3A_323] : memref<2x128x32xf32, #tpu.memory_space<vmem>> -> memref<1x128x32xf32, #tpu.memory_space<vmem>>
        %swap3A_325 = tpu.memref_squeeze %swap3A_324 : memref<1x128x32xf32, #tpu.memory_space<vmem>> -> memref<128x32xf32, #tpu.memory_space<vmem>>
        %swap3A_326 = arith.index_cast %add3A_321 : i32 to index
        %swap3A_327 = arith.constant 16 : index
        %swap3A_328 = tpu.vector_load %swap3A_325[%swap3A_326, %swap3A_327] {strides = array<i32>} : memref<128x32xf32, #tpu.memory_space<vmem>>, vector<1x16xf32>,
        %swap3A_329 = vector.shape_cast %swap3A_328 : vector<1x16xf32> to vector<16xf32>
        %swap3A_330 = vector.shape_cast %mul3A_319 : vector<16xf32> to vector<1x16xf32>
        tpu.vector_store %swap3A_325[%swap3A_326, %swap3A_327], %swap3A_330 {strides = array<i32>} : memref<128x32xf32, #tpu.memory_space<vmem>>, vector<1x16xf32>,
        %broadcast_in_dim3A_331 = arith.constant 3 : i32
        %broadcast_in_dim3A_332 = vector.broadcast %broadcast_in_dim3A_331 : i32 to vector<16xi32>
        %broadcast_in_dim3A_333 = vector.shape_cast %broadcast_in_dim3A_332 : vector<16xi32> to vector<16x1xi32>
        %gather3A_334 = vector.shape_cast %broadcast_in_dim3A_333 : vector<16x1xi32> to vector<16xi32>
        %gather3A_335 = tpu.dynamic_gather %get3A_198[%gather3A_334] in [0] : vector<16xf32>, vector<16xi32> -> vector<16xf32>
        %add3A_336 = arith.constant 3 : i32
        %add3A_337 = arith.addi %mul3A_200, %add3A_336 : i32
        %get3A_338 = arith.constant 0 : i32
        %get3A_339 = arith.constant 0 : i32
        %get3A_340 = tpu.memref_slice %arg14[%scan3A_166, %get3A_338, %get3A_339] : memref<2x128x16xi32, #tpu.memory_space<vmem>> -> memref<1x128x16xi32, #tpu.memory_space<vmem>>
        %get3A_341 = tpu.memref_squeeze %get3A_340 : memref<1x128x16xi32, #tpu.memory_space<vmem>> -> memref<128x16xi32, #tpu.memory_space<vmem>>
        %get3A_342 = arith.index_cast %add3A_337 : i32 to index
        %get3A_343 = arith.constant 0 : index
        %get3A_344 = tpu.vector_load %get3A_341[%get3A_342, %get3A_343] {strides = array<i32>} : memref<128x16xi32, #tpu.memory_space<vmem>>, vector<1x16xi32>,
        %get3A_345 = vector.shape_cast %get3A_344 : vector<1x16xi32> to vector<16xi32>
        %shift_left3A_346 = arith.constant 16 : i32
        %shift_left3A_347 = vector.broadcast %shift_left3A_346 : i32 to vector<16xi32>
        %shift_left3A_348 = arith.shli %get3A_345, %shift_left3A_347 : vector<16xi32>
        %bitcast_convert_type3A_349 = tpu.bitcast %shift_left3A_348 : vector<16xi32> -> vector<16xf32>
        %and3A_350 = arith.andi %get3A_345, %broadcast_in_dim3A_165 : vector<16xi32>
        %bitcast_convert_type3A_351 = tpu.bitcast %and3A_350 : vector<16xi32> -> vector<16xf32>
        %mul3A_352 = arith.mulf %bitcast_convert_type3A_349, %gather3A_335 : vector<16xf32>
        %add3A_353 = arith.constant 3 : i32
        %add3A_354 = arith.addi %mul3A_200, %add3A_353 : i32
        %swap3A_355 = arith.constant 0 : i32
        %swap3A_356 = arith.constant 0 : i32
        %swap3A_357 = tpu.memref_slice %arg15[%scan3A_167, %swap3A_355, %swap3A_356] : memref<2x128x32xf32, #tpu.memory_space<vmem>> -> memref<1x128x32xf32, #tpu.memory_space<vmem>>
        %swap3A_358 = tpu.memref_squeeze %swap3A_357 : memref<1x128x32xf32, #tpu.memory_space<vmem>> -> memref<128x32xf32, #tpu.memory_space<vmem>>
        %swap3A_359 = arith.index_cast %add3A_354 : i32 to index
        %swap3A_360 = arith.constant 0 : index
        %swap3A_361 = tpu.vector_load %swap3A_358[%swap3A_359, %swap3A_360] {strides = array<i32>} : memref<128x32xf32, #tpu.memory_space<vmem>>, vector<1x16xf32>,
        %swap3A_362 = vector.shape_cast %swap3A_361 : vector<1x16xf32> to vector<16xf32>
        %swap3A_363 = vector.shape_cast %mul3A_352 : vector<16xf32> to vector<1x16xf32>
        tpu.vector_store %swap3A_358[%swap3A_359, %swap3A_360], %swap3A_363 {strides = array<i32>} : memref<128x32xf32, #tpu.memory_space<vmem>>, vector<1x16xf32>,
        %mul3A_364 = arith.mulf %bitcast_convert_type3A_351, %gather3A_335 : vector<16xf32>
        %add3A_365 = arith.constant 3 : i32
        %add3A_366 = arith.addi %mul3A_200, %add3A_365 : i32
        %swap3A_367 = arith.constant 0 : i32
        %swap3A_368 = arith.constant 0 : i32
        %swap3A_369 = tpu.memref_slice %arg15[%scan3A_167, %swap3A_367, %swap3A_368] : memref<2x128x32xf32, #tpu.memory_space<vmem>> -> memref<1x128x32xf32, #tpu.memory_space<vmem>>
        %swap3A_370 = tpu.memref_squeeze %swap3A_369 : memref<1x128x32xf32, #tpu.memory_space<vmem>> -> memref<128x32xf32, #tpu.memory_space<vmem>>
        %swap3A_371 = arith.index_cast %add3A_366 : i32 to index
        %swap3A_372 = arith.constant 16 : index
        %swap3A_373 = tpu.vector_load %swap3A_370[%swap3A_371, %swap3A_372] {strides = array<i32>} : memref<128x32xf32, #tpu.memory_space<vmem>>, vector<1x16xf32>,
        %swap3A_374 = vector.shape_cast %swap3A_373 : vector<1x16xf32> to vector<16xf32>
        %swap3A_375 = vector.shape_cast %mul3A_364 : vector<16xf32> to vector<1x16xf32>
        tpu.vector_store %swap3A_370[%swap3A_371, %swap3A_372], %swap3A_375 {strides = array<i32>} : memref<128x32xf32, #tpu.memory_space<vmem>>, vector<1x16xf32>,
        %broadcast_in_dim3A_376 = arith.constant 4 : i32
        %broadcast_in_dim3A_377 = vector.broadcast %broadcast_in_dim3A_376 : i32 to vector<16xi32>
        %broadcast_in_dim3A_378 = vector.shape_cast %broadcast_in_dim3A_377 : vector<16xi32> to vector<16x1xi32>
        %gather3A_379 = vector.shape_cast %broadcast_in_dim3A_378 : vector<16x1xi32> to vector<16xi32>
        %gather3A_380 = tpu.dynamic_gather %get3A_198[%gather3A_379] in [0] : vector<16xf32>, vector<16xi32> -> vector<16xf32>
        %add3A_381 = arith.constant 4 : i32
        %add3A_382 = arith.addi %mul3A_200, %add3A_381 : i32
        %get3A_383 = arith.constant 0 : i32
        %get3A_384 = arith.constant 0 : i32
        %get3A_385 = tpu.memref_slice %arg14[%scan3A_166, %get3A_383, %get3A_384] : memref<2x128x16xi32, #tpu.memory_space<vmem>> -> memref<1x128x16xi32, #tpu.memory_space<vmem>>
        %get3A_386 = tpu.memref_squeeze %get3A_385 : memref<1x128x16xi32, #tpu.memory_space<vmem>> -> memref<128x16xi32, #tpu.memory_space<vmem>>
        %get3A_387 = arith.index_cast %add3A_382 : i32 to index
        %get3A_388 = arith.constant 0 : index
        %get3A_389 = tpu.vector_load %get3A_386[%get3A_387, %get3A_388] {strides = array<i32>} : memref<128x16xi32, #tpu.memory_space<vmem>>, vector<1x16xi32>,
        %get3A_390 = vector.shape_cast %get3A_389 : vector<1x16xi32> to vector<16xi32>
        %shift_left3A_391 = arith.constant 16 : i32
        %shift_left3A_392 = vector.broadcast %shift_left3A_391 : i32 to vector<16xi32>
        %shift_left3A_393 = arith.shli %get3A_390, %shift_left3A_392 : vector<16xi32>
        %bitcast_convert_type3A_394 = tpu.bitcast %shift_left3A_393 : vector<16xi32> -> vector<16xf32>
        %and3A_395 = arith.andi %get3A_390, %broadcast_in_dim3A_165 : vector<16xi32>
        %bitcast_convert_type3A_396 = tpu.bitcast %and3A_395 : vector<16xi32> -> vector<16xf32>
        %mul3A_397 = arith.mulf %bitcast_convert_type3A_394, %gather3A_380 : vector<16xf32>
        %add3A_398 = arith.constant 4 : i32
        %add3A_399 = arith.addi %mul3A_200, %add3A_398 : i32
        %swap3A_400 = arith.constant 0 : i32
        %swap3A_401 = arith.constant 0 : i32
        %swap3A_402 = tpu.memref_slice %arg15[%scan3A_167, %swap3A_400, %swap3A_401] : memref<2x128x32xf32, #tpu.memory_space<vmem>> -> memref<1x128x32xf32, #tpu.memory_space<vmem>>
        %swap3A_403 = tpu.memref_squeeze %swap3A_402 : memref<1x128x32xf32, #tpu.memory_space<vmem>> -> memref<128x32xf32, #tpu.memory_space<vmem>>
        %swap3A_404 = arith.index_cast %add3A_399 : i32 to index
        %swap3A_405 = arith.constant 0 : index
        %swap3A_406 = tpu.vector_load %swap3A_403[%swap3A_404, %swap3A_405] {strides = array<i32>} : memref<128x32xf32, #tpu.memory_space<vmem>>, vector<1x16xf32>,
        %swap3A_407 = vector.shape_cast %swap3A_406 : vector<1x16xf32> to vector<16xf32>
        %swap3A_408 = vector.shape_cast %mul3A_397 : vector<16xf32> to vector<1x16xf32>
        tpu.vector_store %swap3A_403[%swap3A_404, %swap3A_405], %swap3A_408 {strides = array<i32>} : memref<128x32xf32, #tpu.memory_space<vmem>>, vector<1x16xf32>,
        %mul3A_409 = arith.mulf %bitcast_convert_type3A_396, %gather3A_380 : vector<16xf32>
        %add3A_410 = arith.constant 4 : i32
        %add3A_411 = arith.addi %mul3A_200, %add3A_410 : i32
        %swap3A_412 = arith.constant 0 : i32
        %swap3A_413 = arith.constant 0 : i32
        %swap3A_414 = tpu.memref_slice %arg15[%scan3A_167, %swap3A_412, %swap3A_413] : memref<2x128x32xf32, #tpu.memory_space<vmem>> -> memref<1x128x32xf32, #tpu.memory_space<vmem>>
        %swap3A_415 = tpu.memref_squeeze %swap3A_414 : memref<1x128x32xf32, #tpu.memory_space<vmem>> -> memref<128x32xf32, #tpu.memory_space<vmem>>
        %swap3A_416 = arith.index_cast %add3A_411 : i32 to index
        %swap3A_417 = arith.constant 16 : index
        %swap3A_418 = tpu.vector_load %swap3A_415[%swap3A_416, %swap3A_417] {strides = array<i32>} : memref<128x32xf32, #tpu.memory_space<vmem>>, vector<1x16xf32>,
        %swap3A_419 = vector.shape_cast %swap3A_418 : vector<1x16xf32> to vector<16xf32>
        %swap3A_420 = vector.shape_cast %mul3A_409 : vector<16xf32> to vector<1x16xf32>
        tpu.vector_store %swap3A_415[%swap3A_416, %swap3A_417], %swap3A_420 {strides = array<i32>} : memref<128x32xf32, #tpu.memory_space<vmem>>, vector<1x16xf32>,
        %broadcast_in_dim3A_421 = arith.constant 5 : i32
        %broadcast_in_dim3A_422 = vector.broadcast %broadcast_in_dim3A_421 : i32 to vector<16xi32>
        %broadcast_in_dim3A_423 = vector.shape_cast %broadcast_in_dim3A_422 : vector<16xi32> to vector<16x1xi32>
        %gather3A_424 = vector.shape_cast %broadcast_in_dim3A_423 : vector<16x1xi32> to vector<16xi32>
        %gather3A_425 = tpu.dynamic_gather %get3A_198[%gather3A_424] in [0] : vector<16xf32>, vector<16xi32> -> vector<16xf32>
        %add3A_426 = arith.constant 5 : i32
        %add3A_427 = arith.addi %mul3A_200, %add3A_426 : i32
        %get3A_428 = arith.constant 0 : i32
        %get3A_429 = arith.constant 0 : i32
        %get3A_430 = tpu.memref_slice %arg14[%scan3A_166, %get3A_428, %get3A_429] : memref<2x128x16xi32, #tpu.memory_space<vmem>> -> memref<1x128x16xi32, #tpu.memory_space<vmem>>
        %get3A_431 = tpu.memref_squeeze %get3A_430 : memref<1x128x16xi32, #tpu.memory_space<vmem>> -> memref<128x16xi32, #tpu.memory_space<vmem>>
        %get3A_432 = arith.index_cast %add3A_427 : i32 to index
        %get3A_433 = arith.constant 0 : index
        %get3A_434 = tpu.vector_load %get3A_431[%get3A_432, %get3A_433] {strides = array<i32>} : memref<128x16xi32, #tpu.memory_space<vmem>>, vector<1x16xi32>,
        %get3A_435 = vector.shape_cast %get3A_434 : vector<1x16xi32> to vector<16xi32>
        %shift_left3A_436 = arith.constant 16 : i32
        %shift_left3A_437 = vector.broadcast %shift_left3A_436 : i32 to vector<16xi32>
        %shift_left3A_438 = arith.shli %get3A_435, %shift_left3A_437 : vector<16xi32>
        %bitcast_convert_type3A_439 = tpu.bitcast %shift_left3A_438 : vector<16xi32> -> vector<16xf32>
        %and3A_440 = arith.andi %get3A_435, %broadcast_in_dim3A_165 : vector<16xi32>
        %bitcast_convert_type3A_441 = tpu.bitcast %and3A_440 : vector<16xi32> -> vector<16xf32>
        %mul3A_442 = arith.mulf %bitcast_convert_type3A_439, %gather3A_425 : vector<16xf32>
        %add3A_443 = arith.constant 5 : i32
        %add3A_444 = arith.addi %mul3A_200, %add3A_443 : i32
        %swap3A_445 = arith.constant 0 : i32
        %swap3A_446 = arith.constant 0 : i32
        %swap3A_447 = tpu.memref_slice %arg15[%scan3A_167, %swap3A_445, %swap3A_446] : memref<2x128x32xf32, #tpu.memory_space<vmem>> -> memref<1x128x32xf32, #tpu.memory_space<vmem>>
        %swap3A_448 = tpu.memref_squeeze %swap3A_447 : memref<1x128x32xf32, #tpu.memory_space<vmem>> -> memref<128x32xf32, #tpu.memory_space<vmem>>
        %swap3A_449 = arith.index_cast %add3A_444 : i32 to index
        %swap3A_450 = arith.constant 0 : index
        %swap3A_451 = tpu.vector_load %swap3A_448[%swap3A_449, %swap3A_450] {strides = array<i32>} : memref<128x32xf32, #tpu.memory_space<vmem>>, vector<1x16xf32>,
        %swap3A_452 = vector.shape_cast %swap3A_451 : vector<1x16xf32> to vector<16xf32>
        %swap3A_453 = vector.shape_cast %mul3A_442 : vector<16xf32> to vector<1x16xf32>
        tpu.vector_store %swap3A_448[%swap3A_449, %swap3A_450], %swap3A_453 {strides = array<i32>} : memref<128x32xf32, #tpu.memory_space<vmem>>, vector<1x16xf32>,
        %mul3A_454 = arith.mulf %bitcast_convert_type3A_441, %gather3A_425 : vector<16xf32>
        %add3A_455 = arith.constant 5 : i32
        %add3A_456 = arith.addi %mul3A_200, %add3A_455 : i32
        %swap3A_457 = arith.constant 0 : i32
        %swap3A_458 = arith.constant 0 : i32
        %swap3A_459 = tpu.memref_slice %arg15[%scan3A_167, %swap3A_457, %swap3A_458] : memref<2x128x32xf32, #tpu.memory_space<vmem>> -> memref<1x128x32xf32, #tpu.memory_space<vmem>>
        %swap3A_460 = tpu.memref_squeeze %swap3A_459 : memref<1x128x32xf32, #tpu.memory_space<vmem>> -> memref<128x32xf32, #tpu.memory_space<vmem>>
        %swap3A_461 = arith.index_cast %add3A_456 : i32 to index
        %swap3A_462 = arith.constant 16 : index
        %swap3A_463 = tpu.vector_load %swap3A_460[%swap3A_461, %swap3A_462] {strides = array<i32>} : memref<128x32xf32, #tpu.memory_space<vmem>>, vector<1x16xf32>,
        %swap3A_464 = vector.shape_cast %swap3A_463 : vector<1x16xf32> to vector<16xf32>
        %swap3A_465 = vector.shape_cast %mul3A_454 : vector<16xf32> to vector<1x16xf32>
        tpu.vector_store %swap3A_460[%swap3A_461, %swap3A_462], %swap3A_465 {strides = array<i32>} : memref<128x32xf32, #tpu.memory_space<vmem>>, vector<1x16xf32>,
        %broadcast_in_dim3A_466 = arith.constant 6 : i32
        %broadcast_in_dim3A_467 = vector.broadcast %broadcast_in_dim3A_466 : i32 to vector<16xi32>
        %broadcast_in_dim3A_468 = vector.shape_cast %broadcast_in_dim3A_467 : vector<16xi32> to vector<16x1xi32>
        %gather3A_469 = vector.shape_cast %broadcast_in_dim3A_468 : vector<16x1xi32> to vector<16xi32>
        %gather3A_470 = tpu.dynamic_gather %get3A_198[%gather3A_469] in [0] : vector<16xf32>, vector<16xi32> -> vector<16xf32>
        %add3A_471 = arith.constant 6 : i32
        %add3A_472 = arith.addi %mul3A_200, %add3A_471 : i32
        %get3A_473 = arith.constant 0 : i32
        %get3A_474 = arith.constant 0 : i32
        %get3A_475 = tpu.memref_slice %arg14[%scan3A_166, %get3A_473, %get3A_474] : memref<2x128x16xi32, #tpu.memory_space<vmem>> -> memref<1x128x16xi32, #tpu.memory_space<vmem>>
        %get3A_476 = tpu.memref_squeeze %get3A_475 : memref<1x128x16xi32, #tpu.memory_space<vmem>> -> memref<128x16xi32, #tpu.memory_space<vmem>>
        %get3A_477 = arith.index_cast %add3A_472 : i32 to index
        %get3A_478 = arith.constant 0 : index
        %get3A_479 = tpu.vector_load %get3A_476[%get3A_477, %get3A_478] {strides = array<i32>} : memref<128x16xi32, #tpu.memory_space<vmem>>, vector<1x16xi32>,
        %get3A_480 = vector.shape_cast %get3A_479 : vector<1x16xi32> to vector<16xi32>
        %shift_left3A_481 = arith.constant 16 : i32
        %shift_left3A_482 = vector.broadcast %shift_left3A_481 : i32 to vector<16xi32>
        %shift_left3A_483 = arith.shli %get3A_480, %shift_left3A_482 : vector<16xi32>
        %bitcast_convert_type3A_484 = tpu.bitcast %shift_left3A_483 : vector<16xi32> -> vector<16xf32>
        %and3A_485 = arith.andi %get3A_480, %broadcast_in_dim3A_165 : vector<16xi32>
        %bitcast_convert_type3A_486 = tpu.bitcast %and3A_485 : vector<16xi32> -> vector<16xf32>
        %mul3A_487 = arith.mulf %bitcast_convert_type3A_484, %gather3A_470 : vector<16xf32>
        %add3A_488 = arith.constant 6 : i32
        %add3A_489 = arith.addi %mul3A_200, %add3A_488 : i32
        %swap3A_490 = arith.constant 0 : i32
        %swap3A_491 = arith.constant 0 : i32
        %swap3A_492 = tpu.memref_slice %arg15[%scan3A_167, %swap3A_490, %swap3A_491] : memref<2x128x32xf32, #tpu.memory_space<vmem>> -> memref<1x128x32xf32, #tpu.memory_space<vmem>>
        %swap3A_493 = tpu.memref_squeeze %swap3A_492 : memref<1x128x32xf32, #tpu.memory_space<vmem>> -> memref<128x32xf32, #tpu.memory_space<vmem>>
        %swap3A_494 = arith.index_cast %add3A_489 : i32 to index
        %swap3A_495 = arith.constant 0 : index
        %swap3A_496 = tpu.vector_load %swap3A_493[%swap3A_494, %swap3A_495] {strides = array<i32>} : memref<128x32xf32, #tpu.memory_space<vmem>>, vector<1x16xf32>,
        %swap3A_497 = vector.shape_cast %swap3A_496 : vector<1x16xf32> to vector<16xf32>
        %swap3A_498 = vector.shape_cast %mul3A_487 : vector<16xf32> to vector<1x16xf32>
        tpu.vector_store %swap3A_493[%swap3A_494, %swap3A_495], %swap3A_498 {strides = array<i32>} : memref<128x32xf32, #tpu.memory_space<vmem>>, vector<1x16xf32>,
        %mul3A_499 = arith.mulf %bitcast_convert_type3A_486, %gather3A_470 : vector<16xf32>
        %add3A_500 = arith.constant 6 : i32
        %add3A_501 = arith.addi %mul3A_200, %add3A_500 : i32
        %swap3A_502 = arith.constant 0 : i32
        %swap3A_503 = arith.constant 0 : i32
        %swap3A_504 = tpu.memref_slice %arg15[%scan3A_167, %swap3A_502, %swap3A_503] : memref<2x128x32xf32, #tpu.memory_space<vmem>> -> memref<1x128x32xf32, #tpu.memory_space<vmem>>
        %swap3A_505 = tpu.memref_squeeze %swap3A_504 : memref<1x128x32xf32, #tpu.memory_space<vmem>> -> memref<128x32xf32, #tpu.memory_space<vmem>>
        %swap3A_506 = arith.index_cast %add3A_501 : i32 to index
        %swap3A_507 = arith.constant 16 : index
        %swap3A_508 = tpu.vector_load %swap3A_505[%swap3A_506, %swap3A_507] {strides = array<i32>} : memref<128x32xf32, #tpu.memory_space<vmem>>, vector<1x16xf32>,
        %swap3A_509 = vector.shape_cast %swap3A_508 : vector<1x16xf32> to vector<16xf32>
        %swap3A_510 = vector.shape_cast %mul3A_499 : vector<16xf32> to vector<1x16xf32>
        tpu.vector_store %swap3A_505[%swap3A_506, %swap3A_507], %swap3A_510 {strides = array<i32>} : memref<128x32xf32, #tpu.memory_space<vmem>>, vector<1x16xf32>,
        %broadcast_in_dim3A_511 = arith.constant 7 : i32
        %broadcast_in_dim3A_512 = vector.broadcast %broadcast_in_dim3A_511 : i32 to vector<16xi32>
        %broadcast_in_dim3A_513 = vector.shape_cast %broadcast_in_dim3A_512 : vector<16xi32> to vector<16x1xi32>
        %gather3A_514 = vector.shape_cast %broadcast_in_dim3A_513 : vector<16x1xi32> to vector<16xi32>
        %gather3A_515 = tpu.dynamic_gather %get3A_198[%gather3A_514] in [0] : vector<16xf32>, vector<16xi32> -> vector<16xf32>
        %add3A_516 = arith.constant 7 : i32
        %add3A_517 = arith.addi %mul3A_200, %add3A_516 : i32
        %get3A_518 = arith.constant 0 : i32
        %get3A_519 = arith.constant 0 : i32
        %get3A_520 = tpu.memref_slice %arg14[%scan3A_166, %get3A_518, %get3A_519] : memref<2x128x16xi32, #tpu.memory_space<vmem>> -> memref<1x128x16xi32, #tpu.memory_space<vmem>>
        %get3A_521 = tpu.memref_squeeze %get3A_520 : memref<1x128x16xi32, #tpu.memory_space<vmem>> -> memref<128x16xi32, #tpu.memory_space<vmem>>
        %get3A_522 = arith.index_cast %add3A_517 : i32 to index
        %get3A_523 = arith.constant 0 : index
        %get3A_524 = tpu.vector_load %get3A_521[%get3A_522, %get3A_523] {strides = array<i32>} : memref<128x16xi32, #tpu.memory_space<vmem>>, vector<1x16xi32>,
        %get3A_525 = vector.shape_cast %get3A_524 : vector<1x16xi32> to vector<16xi32>
        %shift_left3A_526 = arith.constant 16 : i32
        %shift_left3A_527 = vector.broadcast %shift_left3A_526 : i32 to vector<16xi32>
        %shift_left3A_528 = arith.shli %get3A_525, %shift_left3A_527 : vector<16xi32>
        %bitcast_convert_type3A_529 = tpu.bitcast %shift_left3A_528 : vector<16xi32> -> vector<16xf32>
        %and3A_530 = arith.andi %get3A_525, %broadcast_in_dim3A_165 : vector<16xi32>
        %bitcast_convert_type3A_531 = tpu.bitcast %and3A_530 : vector<16xi32> -> vector<16xf32>
        %mul3A_532 = arith.mulf %bitcast_convert_type3A_529, %gather3A_515 : vector<16xf32>
        %add3A_533 = arith.constant 7 : i32
        %add3A_534 = arith.addi %mul3A_200, %add3A_533 : i32
        %swap3A_535 = arith.constant 0 : i32
        %swap3A_536 = arith.constant 0 : i32
        %swap3A_537 = tpu.memref_slice %arg15[%scan3A_167, %swap3A_535, %swap3A_536] : memref<2x128x32xf32, #tpu.memory_space<vmem>> -> memref<1x128x32xf32, #tpu.memory_space<vmem>>
        %swap3A_538 = tpu.memref_squeeze %swap3A_537 : memref<1x128x32xf32, #tpu.memory_space<vmem>> -> memref<128x32xf32, #tpu.memory_space<vmem>>
        %swap3A_539 = arith.index_cast %add3A_534 : i32 to index
        %swap3A_540 = arith.constant 0 : index
        %swap3A_541 = tpu.vector_load %swap3A_538[%swap3A_539, %swap3A_540] {strides = array<i32>} : memref<128x32xf32, #tpu.memory_space<vmem>>, vector<1x16xf32>,
        %swap3A_542 = vector.shape_cast %swap3A_541 : vector<1x16xf32> to vector<16xf32>
        %swap3A_543 = vector.shape_cast %mul3A_532 : vector<16xf32> to vector<1x16xf32>
        tpu.vector_store %swap3A_538[%swap3A_539, %swap3A_540], %swap3A_543 {strides = array<i32>} : memref<128x32xf32, #tpu.memory_space<vmem>>, vector<1x16xf32>,
        %mul3A_544 = arith.mulf %bitcast_convert_type3A_531, %gather3A_515 : vector<16xf32>
        %add3A_545 = arith.constant 7 : i32
        %add3A_546 = arith.addi %mul3A_200, %add3A_545 : i32
        %swap3A_547 = arith.constant 0 : i32
        %swap3A_548 = arith.constant 0 : i32
        %swap3A_549 = tpu.memref_slice %arg15[%scan3A_167, %swap3A_547, %swap3A_548] : memref<2x128x32xf32, #tpu.memory_space<vmem>> -> memref<1x128x32xf32, #tpu.memory_space<vmem>>
        %swap3A_550 = tpu.memref_squeeze %swap3A_549 : memref<1x128x32xf32, #tpu.memory_space<vmem>> -> memref<128x32xf32, #tpu.memory_space<vmem>>
        %swap3A_551 = arith.index_cast %add3A_546 : i32 to index
        %swap3A_552 = arith.constant 16 : index
        %swap3A_553 = tpu.vector_load %swap3A_550[%swap3A_551, %swap3A_552] {strides = array<i32>} : memref<128x32xf32, #tpu.memory_space<vmem>>, vector<1x16xf32>,
        %swap3A_554 = vector.shape_cast %swap3A_553 : vector<1x16xf32> to vector<16xf32>
        %swap3A_555 = vector.shape_cast %mul3A_544 : vector<16xf32> to vector<1x16xf32>
        tpu.vector_store %swap3A_550[%swap3A_551, %swap3A_552], %swap3A_555 {strides = array<i32>} : memref<128x32xf32, #tpu.memory_space<vmem>>, vector<1x16xf32>,
        %broadcast_in_dim3A_556 = arith.constant 8 : i32
        %broadcast_in_dim3A_557 = vector.broadcast %broadcast_in_dim3A_556 : i32 to vector<16xi32>
        %broadcast_in_dim3A_558 = vector.shape_cast %broadcast_in_dim3A_557 : vector<16xi32> to vector<16x1xi32>
        %gather3A_559 = vector.shape_cast %broadcast_in_dim3A_558 : vector<16x1xi32> to vector<16xi32>
        %gather3A_560 = tpu.dynamic_gather %get3A_198[%gather3A_559] in [0] : vector<16xf32>, vector<16xi32> -> vector<16xf32>
        %add3A_561 = arith.constant 8 : i32
        %add3A_562 = arith.addi %mul3A_200, %add3A_561 : i32
        %get3A_563 = arith.constant 0 : i32
        %get3A_564 = arith.constant 0 : i32
        %get3A_565 = tpu.memref_slice %arg14[%scan3A_166, %get3A_563, %get3A_564] : memref<2x128x16xi32, #tpu.memory_space<vmem>> -> memref<1x128x16xi32, #tpu.memory_space<vmem>>
        %get3A_566 = tpu.memref_squeeze %get3A_565 : memref<1x128x16xi32, #tpu.memory_space<vmem>> -> memref<128x16xi32, #tpu.memory_space<vmem>>
        %get3A_567 = arith.index_cast %add3A_562 : i32 to index
        %get3A_568 = arith.constant 0 : index
        %get3A_569 = tpu.vector_load %get3A_566[%get3A_567, %get3A_568] {strides = array<i32>} : memref<128x16xi32, #tpu.memory_space<vmem>>, vector<1x16xi32>,
        %get3A_570 = vector.shape_cast %get3A_569 : vector<1x16xi32> to vector<16xi32>
        %shift_left3A_571 = arith.constant 16 : i32
        %shift_left3A_572 = vector.broadcast %shift_left3A_571 : i32 to vector<16xi32>
        %shift_left3A_573 = arith.shli %get3A_570, %shift_left3A_572 : vector<16xi32>
        %bitcast_convert_type3A_574 = tpu.bitcast %shift_left3A_573 : vector<16xi32> -> vector<16xf32>
        %and3A_575 = arith.andi %get3A_570, %broadcast_in_dim3A_165 : vector<16xi32>
        %bitcast_convert_type3A_576 = tpu.bitcast %and3A_575 : vector<16xi32> -> vector<16xf32>
        %mul3A_577 = arith.mulf %bitcast_convert_type3A_574, %gather3A_560 : vector<16xf32>
        %add3A_578 = arith.constant 8 : i32
        %add3A_579 = arith.addi %mul3A_200, %add3A_578 : i32
        %swap3A_580 = arith.constant 0 : i32
        %swap3A_581 = arith.constant 0 : i32
        %swap3A_582 = tpu.memref_slice %arg15[%scan3A_167, %swap3A_580, %swap3A_581] : memref<2x128x32xf32, #tpu.memory_space<vmem>> -> memref<1x128x32xf32, #tpu.memory_space<vmem>>
        %swap3A_583 = tpu.memref_squeeze %swap3A_582 : memref<1x128x32xf32, #tpu.memory_space<vmem>> -> memref<128x32xf32, #tpu.memory_space<vmem>>
        %swap3A_584 = arith.index_cast %add3A_579 : i32 to index
        %swap3A_585 = arith.constant 0 : index
        %swap3A_586 = tpu.vector_load %swap3A_583[%swap3A_584, %swap3A_585] {strides = array<i32>} : memref<128x32xf32, #tpu.memory_space<vmem>>, vector<1x16xf32>,
        %swap3A_587 = vector.shape_cast %swap3A_586 : vector<1x16xf32> to vector<16xf32>
        %swap3A_588 = vector.shape_cast %mul3A_577 : vector<16xf32> to vector<1x16xf32>
        tpu.vector_store %swap3A_583[%swap3A_584, %swap3A_585], %swap3A_588 {strides = array<i32>} : memref<128x32xf32, #tpu.memory_space<vmem>>, vector<1x16xf32>,
        %mul3A_589 = arith.mulf %bitcast_convert_type3A_576, %gather3A_560 : vector<16xf32>
        %add3A_590 = arith.constant 8 : i32
        %add3A_591 = arith.addi %mul3A_200, %add3A_590 : i32
        %swap3A_592 = arith.constant 0 : i32
        %swap3A_593 = arith.constant 0 : i32
        %swap3A_594 = tpu.memref_slice %arg15[%scan3A_167, %swap3A_592, %swap3A_593] : memref<2x128x32xf32, #tpu.memory_space<vmem>> -> memref<1x128x32xf32, #tpu.memory_space<vmem>>
        %swap3A_595 = tpu.memref_squeeze %swap3A_594 : memref<1x128x32xf32, #tpu.memory_space<vmem>> -> memref<128x32xf32, #tpu.memory_space<vmem>>
        %swap3A_596 = arith.index_cast %add3A_591 : i32 to index
        %swap3A_597 = arith.constant 16 : index
        %swap3A_598 = tpu.vector_load %swap3A_595[%swap3A_596, %swap3A_597] {strides = array<i32>} : memref<128x32xf32, #tpu.memory_space<vmem>>, vector<1x16xf32>,
        %swap3A_599 = vector.shape_cast %swap3A_598 : vector<1x16xf32> to vector<16xf32>
        %swap3A_600 = vector.shape_cast %mul3A_589 : vector<16xf32> to vector<1x16xf32>
        tpu.vector_store %swap3A_595[%swap3A_596, %swap3A_597], %swap3A_600 {strides = array<i32>} : memref<128x32xf32, #tpu.memory_space<vmem>>, vector<1x16xf32>,
        %broadcast_in_dim3A_601 = arith.constant 9 : i32
        %broadcast_in_dim3A_602 = vector.broadcast %broadcast_in_dim3A_601 : i32 to vector<16xi32>
        %broadcast_in_dim3A_603 = vector.shape_cast %broadcast_in_dim3A_602 : vector<16xi32> to vector<16x1xi32>
        %gather3A_604 = vector.shape_cast %broadcast_in_dim3A_603 : vector<16x1xi32> to vector<16xi32>
        %gather3A_605 = tpu.dynamic_gather %get3A_198[%gather3A_604] in [0] : vector<16xf32>, vector<16xi32> -> vector<16xf32>
        %add3A_606 = arith.constant 9 : i32
        %add3A_607 = arith.addi %mul3A_200, %add3A_606 : i32
        %get3A_608 = arith.constant 0 : i32
        %get3A_609 = arith.constant 0 : i32
        %get3A_610 = tpu.memref_slice %arg14[%scan3A_166, %get3A_608, %get3A_609] : memref<2x128x16xi32, #tpu.memory_space<vmem>> -> memref<1x128x16xi32, #tpu.memory_space<vmem>>
        %get3A_611 = tpu.memref_squeeze %get3A_610 : memref<1x128x16xi32, #tpu.memory_space<vmem>> -> memref<128x16xi32, #tpu.memory_space<vmem>>
        %get3A_612 = arith.index_cast %add3A_607 : i32 to index
        %get3A_613 = arith.constant 0 : index
        %get3A_614 = tpu.vector_load %get3A_611[%get3A_612, %get3A_613] {strides = array<i32>} : memref<128x16xi32, #tpu.memory_space<vmem>>, vector<1x16xi32>,
        %get3A_615 = vector.shape_cast %get3A_614 : vector<1x16xi32> to vector<16xi32>
        %shift_left3A_616 = arith.constant 16 : i32
        %shift_left3A_617 = vector.broadcast %shift_left3A_616 : i32 to vector<16xi32>
        %shift_left3A_618 = arith.shli %get3A_615, %shift_left3A_617 : vector<16xi32>
        %bitcast_convert_type3A_619 = tpu.bitcast %shift_left3A_618 : vector<16xi32> -> vector<16xf32>
        %and3A_620 = arith.andi %get3A_615, %broadcast_in_dim3A_165 : vector<16xi32>
        %bitcast_convert_type3A_621 = tpu.bitcast %and3A_620 : vector<16xi32> -> vector<16xf32>
        %mul3A_622 = arith.mulf %bitcast_convert_type3A_619, %gather3A_605 : vector<16xf32>
        %add3A_623 = arith.constant 9 : i32
        %add3A_624 = arith.addi %mul3A_200, %add3A_623 : i32
        %swap3A_625 = arith.constant 0 : i32
        %swap3A_626 = arith.constant 0 : i32
        %swap3A_627 = tpu.memref_slice %arg15[%scan3A_167, %swap3A_625, %swap3A_626] : memref<2x128x32xf32, #tpu.memory_space<vmem>> -> memref<1x128x32xf32, #tpu.memory_space<vmem>>
        %swap3A_628 = tpu.memref_squeeze %swap3A_627 : memref<1x128x32xf32, #tpu.memory_space<vmem>> -> memref<128x32xf32, #tpu.memory_space<vmem>>
        %swap3A_629 = arith.index_cast %add3A_624 : i32 to index
        %swap3A_630 = arith.constant 0 : index
        %swap3A_631 = tpu.vector_load %swap3A_628[%swap3A_629, %swap3A_630] {strides = array<i32>} : memref<128x32xf32, #tpu.memory_space<vmem>>, vector<1x16xf32>,
        %swap3A_632 = vector.shape_cast %swap3A_631 : vector<1x16xf32> to vector<16xf32>
        %swap3A_633 = vector.shape_cast %mul3A_622 : vector<16xf32> to vector<1x16xf32>
        tpu.vector_store %swap3A_628[%swap3A_629, %swap3A_630], %swap3A_633 {strides = array<i32>} : memref<128x32xf32, #tpu.memory_space<vmem>>, vector<1x16xf32>,
        %mul3A_634 = arith.mulf %bitcast_convert_type3A_621, %gather3A_605 : vector<16xf32>
        %add3A_635 = arith.constant 9 : i32
        %add3A_636 = arith.addi %mul3A_200, %add3A_635 : i32
        %swap3A_637 = arith.constant 0 : i32
        %swap3A_638 = arith.constant 0 : i32
        %swap3A_639 = tpu.memref_slice %arg15[%scan3A_167, %swap3A_637, %swap3A_638] : memref<2x128x32xf32, #tpu.memory_space<vmem>> -> memref<1x128x32xf32, #tpu.memory_space<vmem>>
        %swap3A_640 = tpu.memref_squeeze %swap3A_639 : memref<1x128x32xf32, #tpu.memory_space<vmem>> -> memref<128x32xf32, #tpu.memory_space<vmem>>
        %swap3A_641 = arith.index_cast %add3A_636 : i32 to index
        %swap3A_642 = arith.constant 16 : index
        %swap3A_643 = tpu.vector_load %swap3A_640[%swap3A_641, %swap3A_642] {strides = array<i32>} : memref<128x32xf32, #tpu.memory_space<vmem>>, vector<1x16xf32>,
        %swap3A_644 = vector.shape_cast %swap3A_643 : vector<1x16xf32> to vector<16xf32>
        %swap3A_645 = vector.shape_cast %mul3A_634 : vector<16xf32> to vector<1x16xf32>
        tpu.vector_store %swap3A_640[%swap3A_641, %swap3A_642], %swap3A_645 {strides = array<i32>} : memref<128x32xf32, #tpu.memory_space<vmem>>, vector<1x16xf32>,
        %broadcast_in_dim3A_646 = arith.constant 10 : i32
        %broadcast_in_dim3A_647 = vector.broadcast %broadcast_in_dim3A_646 : i32 to vector<16xi32>
        %broadcast_in_dim3A_648 = vector.shape_cast %broadcast_in_dim3A_647 : vector<16xi32> to vector<16x1xi32>
        %gather3A_649 = vector.shape_cast %broadcast_in_dim3A_648 : vector<16x1xi32> to vector<16xi32>
        %gather3A_650 = tpu.dynamic_gather %get3A_198[%gather3A_649] in [0] : vector<16xf32>, vector<16xi32> -> vector<16xf32>
        %add3A_651 = arith.constant 10 : i32
        %add3A_652 = arith.addi %mul3A_200, %add3A_651 : i32
        %get3A_653 = arith.constant 0 : i32
        %get3A_654 = arith.constant 0 : i32
        %get3A_655 = tpu.memref_slice %arg14[%scan3A_166, %get3A_653, %get3A_654] : memref<2x128x16xi32, #tpu.memory_space<vmem>> -> memref<1x128x16xi32, #tpu.memory_space<vmem>>
        %get3A_656 = tpu.memref_squeeze %get3A_655 : memref<1x128x16xi32, #tpu.memory_space<vmem>> -> memref<128x16xi32, #tpu.memory_space<vmem>>
        %get3A_657 = arith.index_cast %add3A_652 : i32 to index
        %get3A_658 = arith.constant 0 : index
        %get3A_659 = tpu.vector_load %get3A_656[%get3A_657, %get3A_658] {strides = array<i32>} : memref<128x16xi32, #tpu.memory_space<vmem>>, vector<1x16xi32>,
        %get3A_660 = vector.shape_cast %get3A_659 : vector<1x16xi32> to vector<16xi32>
        %shift_left3A_661 = arith.constant 16 : i32
        %shift_left3A_662 = vector.broadcast %shift_left3A_661 : i32 to vector<16xi32>
        %shift_left3A_663 = arith.shli %get3A_660, %shift_left3A_662 : vector<16xi32>
        %bitcast_convert_type3A_664 = tpu.bitcast %shift_left3A_663 : vector<16xi32> -> vector<16xf32>
        %and3A_665 = arith.andi %get3A_660, %broadcast_in_dim3A_165 : vector<16xi32>
        %bitcast_convert_type3A_666 = tpu.bitcast %and3A_665 : vector<16xi32> -> vector<16xf32>
        %mul3A_667 = arith.mulf %bitcast_convert_type3A_664, %gather3A_650 : vector<16xf32>
        %add3A_668 = arith.constant 10 : i32
        %add3A_669 = arith.addi %mul3A_200, %add3A_668 : i32
        %swap3A_670 = arith.constant 0 : i32
        %swap3A_671 = arith.constant 0 : i32
        %swap3A_672 = tpu.memref_slice %arg15[%scan3A_167, %swap3A_670, %swap3A_671] : memref<2x128x32xf32, #tpu.memory_space<vmem>> -> memref<1x128x32xf32, #tpu.memory_space<vmem>>
        %swap3A_673 = tpu.memref_squeeze %swap3A_672 : memref<1x128x32xf32, #tpu.memory_space<vmem>> -> memref<128x32xf32, #tpu.memory_space<vmem>>
        %swap3A_674 = arith.index_cast %add3A_669 : i32 to index
        %swap3A_675 = arith.constant 0 : index
        %swap3A_676 = tpu.vector_load %swap3A_673[%swap3A_674, %swap3A_675] {strides = array<i32>} : memref<128x32xf32, #tpu.memory_space<vmem>>, vector<1x16xf32>,
        %swap3A_677 = vector.shape_cast %swap3A_676 : vector<1x16xf32> to vector<16xf32>
        %swap3A_678 = vector.shape_cast %mul3A_667 : vector<16xf32> to vector<1x16xf32>
        tpu.vector_store %swap3A_673[%swap3A_674, %swap3A_675], %swap3A_678 {strides = array<i32>} : memref<128x32xf32, #tpu.memory_space<vmem>>, vector<1x16xf32>,
        %mul3A_679 = arith.mulf %bitcast_convert_type3A_666, %gather3A_650 : vector<16xf32>
        %add3A_680 = arith.constant 10 : i32
        %add3A_681 = arith.addi %mul3A_200, %add3A_680 : i32
        %swap3A_682 = arith.constant 0 : i32
        %swap3A_683 = arith.constant 0 : i32
        %swap3A_684 = tpu.memref_slice %arg15[%scan3A_167, %swap3A_682, %swap3A_683] : memref<2x128x32xf32, #tpu.memory_space<vmem>> -> memref<1x128x32xf32, #tpu.memory_space<vmem>>
        %swap3A_685 = tpu.memref_squeeze %swap3A_684 : memref<1x128x32xf32, #tpu.memory_space<vmem>> -> memref<128x32xf32, #tpu.memory_space<vmem>>
        %swap3A_686 = arith.index_cast %add3A_681 : i32 to index
        %swap3A_687 = arith.constant 16 : index
        %swap3A_688 = tpu.vector_load %swap3A_685[%swap3A_686, %swap3A_687] {strides = array<i32>} : memref<128x32xf32, #tpu.memory_space<vmem>>, vector<1x16xf32>,
        %swap3A_689 = vector.shape_cast %swap3A_688 : vector<1x16xf32> to vector<16xf32>
        %swap3A_690 = vector.shape_cast %mul3A_679 : vector<16xf32> to vector<1x16xf32>
        tpu.vector_store %swap3A_685[%swap3A_686, %swap3A_687], %swap3A_690 {strides = array<i32>} : memref<128x32xf32, #tpu.memory_space<vmem>>, vector<1x16xf32>,
        %broadcast_in_dim3A_691 = arith.constant 11 : i32
        %broadcast_in_dim3A_692 = vector.broadcast %broadcast_in_dim3A_691 : i32 to vector<16xi32>
        %broadcast_in_dim3A_693 = vector.shape_cast %broadcast_in_dim3A_692 : vector<16xi32> to vector<16x1xi32>
        %gather3A_694 = vector.shape_cast %broadcast_in_dim3A_693 : vector<16x1xi32> to vector<16xi32>
        %gather3A_695 = tpu.dynamic_gather %get3A_198[%gather3A_694] in [0] : vector<16xf32>, vector<16xi32> -> vector<16xf32>
        %add3A_696 = arith.constant 11 : i32
        %add3A_697 = arith.addi %mul3A_200, %add3A_696 : i32
        %get3A_698 = arith.constant 0 : i32
        %get3A_699 = arith.constant 0 : i32
        %get3A_700 = tpu.memref_slice %arg14[%scan3A_166, %get3A_698, %get3A_699] : memref<2x128x16xi32, #tpu.memory_space<vmem>> -> memref<1x128x16xi32, #tpu.memory_space<vmem>>
        %get3A_701 = tpu.memref_squeeze %get3A_700 : memref<1x128x16xi32, #tpu.memory_space<vmem>> -> memref<128x16xi32, #tpu.memory_space<vmem>>
        %get3A_702 = arith.index_cast %add3A_697 : i32 to index
        %get3A_703 = arith.constant 0 : index
        %get3A_704 = tpu.vector_load %get3A_701[%get3A_702, %get3A_703] {strides = array<i32>} : memref<128x16xi32, #tpu.memory_space<vmem>>, vector<1x16xi32>,
        %get3A_705 = vector.shape_cast %get3A_704 : vector<1x16xi32> to vector<16xi32>
        %shift_left3A_706 = arith.constant 16 : i32
        %shift_left3A_707 = vector.broadcast %shift_left3A_706 : i32 to vector<16xi32>
        %shift_left3A_708 = arith.shli %get3A_705, %shift_left3A_707 : vector<16xi32>
        %bitcast_convert_type3A_709 = tpu.bitcast %shift_left3A_708 : vector<16xi32> -> vector<16xf32>
        %and3A_710 = arith.andi %get3A_705, %broadcast_in_dim3A_165 : vector<16xi32>
        %bitcast_convert_type3A_711 = tpu.bitcast %and3A_710 : vector<16xi32> -> vector<16xf32>
        %mul3A_712 = arith.mulf %bitcast_convert_type3A_709, %gather3A_695 : vector<16xf32>
        %add3A_713 = arith.constant 11 : i32
        %add3A_714 = arith.addi %mul3A_200, %add3A_713 : i32
        %swap3A_715 = arith.constant 0 : i32
        %swap3A_716 = arith.constant 0 : i32
        %swap3A_717 = tpu.memref_slice %arg15[%scan3A_167, %swap3A_715, %swap3A_716] : memref<2x128x32xf32, #tpu.memory_space<vmem>> -> memref<1x128x32xf32, #tpu.memory_space<vmem>>
        %swap3A_718 = tpu.memref_squeeze %swap3A_717 : memref<1x128x32xf32, #tpu.memory_space<vmem>> -> memref<128x32xf32, #tpu.memory_space<vmem>>
        %swap3A_719 = arith.index_cast %add3A_714 : i32 to index
        %swap3A_720 = arith.constant 0 : index
        %swap3A_721 = tpu.vector_load %swap3A_718[%swap3A_719, %swap3A_720] {strides = array<i32>} : memref<128x32xf32, #tpu.memory_space<vmem>>, vector<1x16xf32>,
        %swap3A_722 = vector.shape_cast %swap3A_721 : vector<1x16xf32> to vector<16xf32>
        %swap3A_723 = vector.shape_cast %mul3A_712 : vector<16xf32> to vector<1x16xf32>
        tpu.vector_store %swap3A_718[%swap3A_719, %swap3A_720], %swap3A_723 {strides = array<i32>} : memref<128x32xf32, #tpu.memory_space<vmem>>, vector<1x16xf32>,
        %mul3A_724 = arith.mulf %bitcast_convert_type3A_711, %gather3A_695 : vector<16xf32>
        %add3A_725 = arith.constant 11 : i32
        %add3A_726 = arith.addi %mul3A_200, %add3A_725 : i32
        %swap3A_727 = arith.constant 0 : i32
        %swap3A_728 = arith.constant 0 : i32
        %swap3A_729 = tpu.memref_slice %arg15[%scan3A_167, %swap3A_727, %swap3A_728] : memref<2x128x32xf32, #tpu.memory_space<vmem>> -> memref<1x128x32xf32, #tpu.memory_space<vmem>>
        %swap3A_730 = tpu.memref_squeeze %swap3A_729 : memref<1x128x32xf32, #tpu.memory_space<vmem>> -> memref<128x32xf32, #tpu.memory_space<vmem>>
        %swap3A_731 = arith.index_cast %add3A_726 : i32 to index
        %swap3A_732 = arith.constant 16 : index
        %swap3A_733 = tpu.vector_load %swap3A_730[%swap3A_731, %swap3A_732] {strides = array<i32>} : memref<128x32xf32, #tpu.memory_space<vmem>>, vector<1x16xf32>,
        %swap3A_734 = vector.shape_cast %swap3A_733 : vector<1x16xf32> to vector<16xf32>
        %swap3A_735 = vector.shape_cast %mul3A_724 : vector<16xf32> to vector<1x16xf32>
        tpu.vector_store %swap3A_730[%swap3A_731, %swap3A_732], %swap3A_735 {strides = array<i32>} : memref<128x32xf32, #tpu.memory_space<vmem>>, vector<1x16xf32>,
        %broadcast_in_dim3A_736 = arith.constant 12 : i32
        %broadcast_in_dim3A_737 = vector.broadcast %broadcast_in_dim3A_736 : i32 to vector<16xi32>
        %broadcast_in_dim3A_738 = vector.shape_cast %broadcast_in_dim3A_737 : vector<16xi32> to vector<16x1xi32>
        %gather3A_739 = vector.shape_cast %broadcast_in_dim3A_738 : vector<16x1xi32> to vector<16xi32>
        %gather3A_740 = tpu.dynamic_gather %get3A_198[%gather3A_739] in [0] : vector<16xf32>, vector<16xi32> -> vector<16xf32>
        %add3A_741 = arith.constant 12 : i32
        %add3A_742 = arith.addi %mul3A_200, %add3A_741 : i32
        %get3A_743 = arith.constant 0 : i32
        %get3A_744 = arith.constant 0 : i32
        %get3A_745 = tpu.memref_slice %arg14[%scan3A_166, %get3A_743, %get3A_744] : memref<2x128x16xi32, #tpu.memory_space<vmem>> -> memref<1x128x16xi32, #tpu.memory_space<vmem>>
        %get3A_746 = tpu.memref_squeeze %get3A_745 : memref<1x128x16xi32, #tpu.memory_space<vmem>> -> memref<128x16xi32, #tpu.memory_space<vmem>>
        %get3A_747 = arith.index_cast %add3A_742 : i32 to index
        %get3A_748 = arith.constant 0 : index
        %get3A_749 = tpu.vector_load %get3A_746[%get3A_747, %get3A_748] {strides = array<i32>} : memref<128x16xi32, #tpu.memory_space<vmem>>, vector<1x16xi32>,
        %get3A_750 = vector.shape_cast %get3A_749 : vector<1x16xi32> to vector<16xi32>
        %shift_left3A_751 = arith.constant 16 : i32
        %shift_left3A_752 = vector.broadcast %shift_left3A_751 : i32 to vector<16xi32>
        %shift_left3A_753 = arith.shli %get3A_750, %shift_left3A_752 : vector<16xi32>
        %bitcast_convert_type3A_754 = tpu.bitcast %shift_left3A_753 : vector<16xi32> -> vector<16xf32>
        %and3A_755 = arith.andi %get3A_750, %broadcast_in_dim3A_165 : vector<16xi32>
        %bitcast_convert_type3A_756 = tpu.bitcast %and3A_755 : vector<16xi32> -> vector<16xf32>
        %mul3A_757 = arith.mulf %bitcast_convert_type3A_754, %gather3A_740 : vector<16xf32>
        %add3A_758 = arith.constant 12 : i32
        %add3A_759 = arith.addi %mul3A_200, %add3A_758 : i32
        %swap3A_760 = arith.constant 0 : i32
        %swap3A_761 = arith.constant 0 : i32
        %swap3A_762 = tpu.memref_slice %arg15[%scan3A_167, %swap3A_760, %swap3A_761] : memref<2x128x32xf32, #tpu.memory_space<vmem>> -> memref<1x128x32xf32, #tpu.memory_space<vmem>>
        %swap3A_763 = tpu.memref_squeeze %swap3A_762 : memref<1x128x32xf32, #tpu.memory_space<vmem>> -> memref<128x32xf32, #tpu.memory_space<vmem>>
        %swap3A_764 = arith.index_cast %add3A_759 : i32 to index
        %swap3A_765 = arith.constant 0 : index
        %swap3A_766 = tpu.vector_load %swap3A_763[%swap3A_764, %swap3A_765] {strides = array<i32>} : memref<128x32xf32, #tpu.memory_space<vmem>>, vector<1x16xf32>,
        %swap3A_767 = vector.shape_cast %swap3A_766 : vector<1x16xf32> to vector<16xf32>
        %swap3A_768 = vector.shape_cast %mul3A_757 : vector<16xf32> to vector<1x16xf32>
        tpu.vector_store %swap3A_763[%swap3A_764, %swap3A_765], %swap3A_768 {strides = array<i32>} : memref<128x32xf32, #tpu.memory_space<vmem>>, vector<1x16xf32>,
        %mul3A_769 = arith.mulf %bitcast_convert_type3A_756, %gather3A_740 : vector<16xf32>
        %add3A_770 = arith.constant 12 : i32
        %add3A_771 = arith.addi %mul3A_200, %add3A_770 : i32
        %swap3A_772 = arith.constant 0 : i32
        %swap3A_773 = arith.constant 0 : i32
        %swap3A_774 = tpu.memref_slice %arg15[%scan3A_167, %swap3A_772, %swap3A_773] : memref<2x128x32xf32, #tpu.memory_space<vmem>> -> memref<1x128x32xf32, #tpu.memory_space<vmem>>
        %swap3A_775 = tpu.memref_squeeze %swap3A_774 : memref<1x128x32xf32, #tpu.memory_space<vmem>> -> memref<128x32xf32, #tpu.memory_space<vmem>>
        %swap3A_776 = arith.index_cast %add3A_771 : i32 to index
        %swap3A_777 = arith.constant 16 : index
        %swap3A_778 = tpu.vector_load %swap3A_775[%swap3A_776, %swap3A_777] {strides = array<i32>} : memref<128x32xf32, #tpu.memory_space<vmem>>, vector<1x16xf32>,
        %swap3A_779 = vector.shape_cast %swap3A_778 : vector<1x16xf32> to vector<16xf32>
        %swap3A_780 = vector.shape_cast %mul3A_769 : vector<16xf32> to vector<1x16xf32>
        tpu.vector_store %swap3A_775[%swap3A_776, %swap3A_777], %swap3A_780 {strides = array<i32>} : memref<128x32xf32, #tpu.memory_space<vmem>>, vector<1x16xf32>,
        %broadcast_in_dim3A_781 = arith.constant 13 : i32
        %broadcast_in_dim3A_782 = vector.broadcast %broadcast_in_dim3A_781 : i32 to vector<16xi32>
        %broadcast_in_dim3A_783 = vector.shape_cast %broadcast_in_dim3A_782 : vector<16xi32> to vector<16x1xi32>
        %gather3A_784 = vector.shape_cast %broadcast_in_dim3A_783 : vector<16x1xi32> to vector<16xi32>
        %gather3A_785 = tpu.dynamic_gather %get3A_198[%gather3A_784] in [0] : vector<16xf32>, vector<16xi32> -> vector<16xf32>
        %add3A_786 = arith.constant 13 : i32
        %add3A_787 = arith.addi %mul3A_200, %add3A_786 : i32
        %get3A_788 = arith.constant 0 : i32
        %get3A_789 = arith.constant 0 : i32
        %get3A_790 = tpu.memref_slice %arg14[%scan3A_166, %get3A_788, %get3A_789] : memref<2x128x16xi32, #tpu.memory_space<vmem>> -> memref<1x128x16xi32, #tpu.memory_space<vmem>>
        %get3A_791 = tpu.memref_squeeze %get3A_790 : memref<1x128x16xi32, #tpu.memory_space<vmem>> -> memref<128x16xi32, #tpu.memory_space<vmem>>
        %get3A_792 = arith.index_cast %add3A_787 : i32 to index
        %get3A_793 = arith.constant 0 : index
        %get3A_794 = tpu.vector_load %get3A_791[%get3A_792, %get3A_793] {strides = array<i32>} : memref<128x16xi32, #tpu.memory_space<vmem>>, vector<1x16xi32>,
        %get3A_795 = vector.shape_cast %get3A_794 : vector<1x16xi32> to vector<16xi32>
        %shift_left3A_796 = arith.constant 16 : i32
        %shift_left3A_797 = vector.broadcast %shift_left3A_796 : i32 to vector<16xi32>
        %shift_left3A_798 = arith.shli %get3A_795, %shift_left3A_797 : vector<16xi32>
        %bitcast_convert_type3A_799 = tpu.bitcast %shift_left3A_798 : vector<16xi32> -> vector<16xf32>
        %and3A_800 = arith.andi %get3A_795, %broadcast_in_dim3A_165 : vector<16xi32>
        %bitcast_convert_type3A_801 = tpu.bitcast %and3A_800 : vector<16xi32> -> vector<16xf32>
        %mul3A_802 = arith.mulf %bitcast_convert_type3A_799, %gather3A_785 : vector<16xf32>
        %add3A_803 = arith.constant 13 : i32
        %add3A_804 = arith.addi %mul3A_200, %add3A_803 : i32
        %swap3A_805 = arith.constant 0 : i32
        %swap3A_806 = arith.constant 0 : i32
        %swap3A_807 = tpu.memref_slice %arg15[%scan3A_167, %swap3A_805, %swap3A_806] : memref<2x128x32xf32, #tpu.memory_space<vmem>> -> memref<1x128x32xf32, #tpu.memory_space<vmem>>
        %swap3A_808 = tpu.memref_squeeze %swap3A_807 : memref<1x128x32xf32, #tpu.memory_space<vmem>> -> memref<128x32xf32, #tpu.memory_space<vmem>>
        %swap3A_809 = arith.index_cast %add3A_804 : i32 to index
        %swap3A_810 = arith.constant 0 : index
        %swap3A_811 = tpu.vector_load %swap3A_808[%swap3A_809, %swap3A_810] {strides = array<i32>} : memref<128x32xf32, #tpu.memory_space<vmem>>, vector<1x16xf32>,
        %swap3A_812 = vector.shape_cast %swap3A_811 : vector<1x16xf32> to vector<16xf32>
        %swap3A_813 = vector.shape_cast %mul3A_802 : vector<16xf32> to vector<1x16xf32>
        tpu.vector_store %swap3A_808[%swap3A_809, %swap3A_810], %swap3A_813 {strides = array<i32>} : memref<128x32xf32, #tpu.memory_space<vmem>>, vector<1x16xf32>,
        %mul3A_814 = arith.mulf %bitcast_convert_type3A_801, %gather3A_785 : vector<16xf32>
        %add3A_815 = arith.constant 13 : i32
        %add3A_816 = arith.addi %mul3A_200, %add3A_815 : i32
        %swap3A_817 = arith.constant 0 : i32
        %swap3A_818 = arith.constant 0 : i32
        %swap3A_819 = tpu.memref_slice %arg15[%scan3A_167, %swap3A_817, %swap3A_818] : memref<2x128x32xf32, #tpu.memory_space<vmem>> -> memref<1x128x32xf32, #tpu.memory_space<vmem>>
        %swap3A_820 = tpu.memref_squeeze %swap3A_819 : memref<1x128x32xf32, #tpu.memory_space<vmem>> -> memref<128x32xf32, #tpu.memory_space<vmem>>
        %swap3A_821 = arith.index_cast %add3A_816 : i32 to index
        %swap3A_822 = arith.constant 16 : index
        %swap3A_823 = tpu.vector_load %swap3A_820[%swap3A_821, %swap3A_822] {strides = array<i32>} : memref<128x32xf32, #tpu.memory_space<vmem>>, vector<1x16xf32>,
        %swap3A_824 = vector.shape_cast %swap3A_823 : vector<1x16xf32> to vector<16xf32>
        %swap3A_825 = vector.shape_cast %mul3A_814 : vector<16xf32> to vector<1x16xf32>
        tpu.vector_store %swap3A_820[%swap3A_821, %swap3A_822], %swap3A_825 {strides = array<i32>} : memref<128x32xf32, #tpu.memory_space<vmem>>, vector<1x16xf32>,
        %broadcast_in_dim3A_826 = arith.constant 14 : i32
        %broadcast_in_dim3A_827 = vector.broadcast %broadcast_in_dim3A_826 : i32 to vector<16xi32>
        %broadcast_in_dim3A_828 = vector.shape_cast %broadcast_in_dim3A_827 : vector<16xi32> to vector<16x1xi32>
        %gather3A_829 = vector.shape_cast %broadcast_in_dim3A_828 : vector<16x1xi32> to vector<16xi32>
        %gather3A_830 = tpu.dynamic_gather %get3A_198[%gather3A_829] in [0] : vector<16xf32>, vector<16xi32> -> vector<16xf32>
        %add3A_831 = arith.constant 14 : i32
        %add3A_832 = arith.addi %mul3A_200, %add3A_831 : i32
        %get3A_833 = arith.constant 0 : i32
        %get3A_834 = arith.constant 0 : i32
        %get3A_835 = tpu.memref_slice %arg14[%scan3A_166, %get3A_833, %get3A_834] : memref<2x128x16xi32, #tpu.memory_space<vmem>> -> memref<1x128x16xi32, #tpu.memory_space<vmem>>
        %get3A_836 = tpu.memref_squeeze %get3A_835 : memref<1x128x16xi32, #tpu.memory_space<vmem>> -> memref<128x16xi32, #tpu.memory_space<vmem>>
        %get3A_837 = arith.index_cast %add3A_832 : i32 to index
        %get3A_838 = arith.constant 0 : index
        %get3A_839 = tpu.vector_load %get3A_836[%get3A_837, %get3A_838] {strides = array<i32>} : memref<128x16xi32, #tpu.memory_space<vmem>>, vector<1x16xi32>,
        %get3A_840 = vector.shape_cast %get3A_839 : vector<1x16xi32> to vector<16xi32>
        %shift_left3A_841 = arith.constant 16 : i32
        %shift_left3A_842 = vector.broadcast %shift_left3A_841 : i32 to vector<16xi32>
        %shift_left3A_843 = arith.shli %get3A_840, %shift_left3A_842 : vector<16xi32>
        %bitcast_convert_type3A_844 = tpu.bitcast %shift_left3A_843 : vector<16xi32> -> vector<16xf32>
        %and3A_845 = arith.andi %get3A_840, %broadcast_in_dim3A_165 : vector<16xi32>
        %bitcast_convert_type3A_846 = tpu.bitcast %and3A_845 : vector<16xi32> -> vector<16xf32>
        %mul3A_847 = arith.mulf %bitcast_convert_type3A_844, %gather3A_830 : vector<16xf32>
        %add3A_848 = arith.constant 14 : i32
        %add3A_849 = arith.addi %mul3A_200, %add3A_848 : i32
        %swap3A_850 = arith.constant 0 : i32
        %swap3A_851 = arith.constant 0 : i32
        %swap3A_852 = tpu.memref_slice %arg15[%scan3A_167, %swap3A_850, %swap3A_851] : memref<2x128x32xf32, #tpu.memory_space<vmem>> -> memref<1x128x32xf32, #tpu.memory_space<vmem>>
        %swap3A_853 = tpu.memref_squeeze %swap3A_852 : memref<1x128x32xf32, #tpu.memory_space<vmem>> -> memref<128x32xf32, #tpu.memory_space<vmem>>
        %swap3A_854 = arith.index_cast %add3A_849 : i32 to index
        %swap3A_855 = arith.constant 0 : index
        %swap3A_856 = tpu.vector_load %swap3A_853[%swap3A_854, %swap3A_855] {strides = array<i32>} : memref<128x32xf32, #tpu.memory_space<vmem>>, vector<1x16xf32>,
        %swap3A_857 = vector.shape_cast %swap3A_856 : vector<1x16xf32> to vector<16xf32>
        %swap3A_858 = vector.shape_cast %mul3A_847 : vector<16xf32> to vector<1x16xf32>
        tpu.vector_store %swap3A_853[%swap3A_854, %swap3A_855], %swap3A_858 {strides = array<i32>} : memref<128x32xf32, #tpu.memory_space<vmem>>, vector<1x16xf32>,
        %mul3A_859 = arith.mulf %bitcast_convert_type3A_846, %gather3A_830 : vector<16xf32>
        %add3A_860 = arith.constant 14 : i32
        %add3A_861 = arith.addi %mul3A_200, %add3A_860 : i32
        %swap3A_862 = arith.constant 0 : i32
        %swap3A_863 = arith.constant 0 : i32
        %swap3A_864 = tpu.memref_slice %arg15[%scan3A_167, %swap3A_862, %swap3A_863] : memref<2x128x32xf32, #tpu.memory_space<vmem>> -> memref<1x128x32xf32, #tpu.memory_space<vmem>>
        %swap3A_865 = tpu.memref_squeeze %swap3A_864 : memref<1x128x32xf32, #tpu.memory_space<vmem>> -> memref<128x32xf32, #tpu.memory_space<vmem>>
        %swap3A_866 = arith.index_cast %add3A_861 : i32 to index
        %swap3A_867 = arith.constant 16 : index
        %swap3A_868 = tpu.vector_load %swap3A_865[%swap3A_866, %swap3A_867] {strides = array<i32>} : memref<128x32xf32, #tpu.memory_space<vmem>>, vector<1x16xf32>,
        %swap3A_869 = vector.shape_cast %swap3A_868 : vector<1x16xf32> to vector<16xf32>
        %swap3A_870 = vector.shape_cast %mul3A_859 : vector<16xf32> to vector<1x16xf32>
        tpu.vector_store %swap3A_865[%swap3A_866, %swap3A_867], %swap3A_870 {strides = array<i32>} : memref<128x32xf32, #tpu.memory_space<vmem>>, vector<1x16xf32>,
        %broadcast_in_dim3A_871 = arith.constant 15 : i32
        %broadcast_in_dim3A_872 = vector.broadcast %broadcast_in_dim3A_871 : i32 to vector<16xi32>
        %broadcast_in_dim3A_873 = vector.shape_cast %broadcast_in_dim3A_872 : vector<16xi32> to vector<16x1xi32>
        %gather3A_874 = vector.shape_cast %broadcast_in_dim3A_873 : vector<16x1xi32> to vector<16xi32>
        %gather3A_875 = tpu.dynamic_gather %get3A_198[%gather3A_874] in [0] : vector<16xf32>, vector<16xi32> -> vector<16xf32>
        %add3A_876 = arith.constant 15 : i32
        %add3A_877 = arith.addi %mul3A_200, %add3A_876 : i32
        %get3A_878 = arith.constant 0 : i32
        %get3A_879 = arith.constant 0 : i32
        %get3A_880 = tpu.memref_slice %arg14[%scan3A_166, %get3A_878, %get3A_879] : memref<2x128x16xi32, #tpu.memory_space<vmem>> -> memref<1x128x16xi32, #tpu.memory_space<vmem>>
        %get3A_881 = tpu.memref_squeeze %get3A_880 : memref<1x128x16xi32, #tpu.memory_space<vmem>> -> memref<128x16xi32, #tpu.memory_space<vmem>>
        %get3A_882 = arith.index_cast %add3A_877 : i32 to index
        %get3A_883 = arith.constant 0 : index
        %get3A_884 = tpu.vector_load %get3A_881[%get3A_882, %get3A_883] {strides = array<i32>} : memref<128x16xi32, #tpu.memory_space<vmem>>, vector<1x16xi32>,
        %get3A_885 = vector.shape_cast %get3A_884 : vector<1x16xi32> to vector<16xi32>
        %shift_left3A_886 = arith.constant 16 : i32
        %shift_left3A_887 = vector.broadcast %shift_left3A_886 : i32 to vector<16xi32>
        %shift_left3A_888 = arith.shli %get3A_885, %shift_left3A_887 : vector<16xi32>
        %bitcast_convert_type3A_889 = tpu.bitcast %shift_left3A_888 : vector<16xi32> -> vector<16xf32>
        %and3A_890 = arith.andi %get3A_885, %broadcast_in_dim3A_165 : vector<16xi32>
        %bitcast_convert_type3A_891 = tpu.bitcast %and3A_890 : vector<16xi32> -> vector<16xf32>
        %mul3A_892 = arith.mulf %bitcast_convert_type3A_889, %gather3A_875 : vector<16xf32>
        %add3A_893 = arith.constant 15 : i32
        %add3A_894 = arith.addi %mul3A_200, %add3A_893 : i32
        %swap3A_895 = arith.constant 0 : i32
        %swap3A_896 = arith.constant 0 : i32
        %swap3A_897 = tpu.memref_slice %arg15[%scan3A_167, %swap3A_895, %swap3A_896] : memref<2x128x32xf32, #tpu.memory_space<vmem>> -> memref<1x128x32xf32, #tpu.memory_space<vmem>>
        %swap3A_898 = tpu.memref_squeeze %swap3A_897 : memref<1x128x32xf32, #tpu.memory_space<vmem>> -> memref<128x32xf32, #tpu.memory_space<vmem>>
        %swap3A_899 = arith.index_cast %add3A_894 : i32 to index
        %swap3A_900 = arith.constant 0 : index
        %swap3A_901 = tpu.vector_load %swap3A_898[%swap3A_899, %swap3A_900] {strides = array<i32>} : memref<128x32xf32, #tpu.memory_space<vmem>>, vector<1x16xf32>,
        %swap3A_902 = vector.shape_cast %swap3A_901 : vector<1x16xf32> to vector<16xf32>
        %swap3A_903 = vector.shape_cast %mul3A_892 : vector<16xf32> to vector<1x16xf32>
        tpu.vector_store %swap3A_898[%swap3A_899, %swap3A_900], %swap3A_903 {strides = array<i32>} : memref<128x32xf32, #tpu.memory_space<vmem>>, vector<1x16xf32>,
        %mul3A_904 = arith.mulf %bitcast_convert_type3A_891, %gather3A_875 : vector<16xf32>
        %add3A_905 = arith.constant 15 : i32
        %add3A_906 = arith.addi %mul3A_200, %add3A_905 : i32
        %swap3A_907 = arith.constant 0 : i32
        %swap3A_908 = arith.constant 0 : i32
        %swap3A_909 = tpu.memref_slice %arg15[%scan3A_167, %swap3A_907, %swap3A_908] : memref<2x128x32xf32, #tpu.memory_space<vmem>> -> memref<1x128x32xf32, #tpu.memory_space<vmem>>
        %swap3A_910 = tpu.memref_squeeze %swap3A_909 : memref<1x128x32xf32, #tpu.memory_space<vmem>> -> memref<128x32xf32, #tpu.memory_space<vmem>>
        %swap3A_911 = arith.index_cast %add3A_906 : i32 to index
        %swap3A_912 = arith.constant 16 : index
        %swap3A_913 = tpu.vector_load %swap3A_910[%swap3A_911, %swap3A_912] {strides = array<i32>} : memref<128x32xf32, #tpu.memory_space<vmem>>, vector<1x16xf32>,
        %swap3A_914 = vector.shape_cast %swap3A_913 : vector<1x16xf32> to vector<16xf32>
        %swap3A_915 = vector.shape_cast %mul3A_904 : vector<16xf32> to vector<1x16xf32>
        tpu.vector_store %swap3A_910[%swap3A_911, %swap3A_912], %swap3A_915 {strides = array<i32>} : memref<128x32xf32, #tpu.memory_space<vmem>>, vector<1x16xf32>,
        %scan3A_916 = arith.constant 0 : i32
        scf.yield %scan3A_916 : i32
      }
      %scan3A_174 = arith.constant 8 : i32
      %dma_start3A_175 = arith.constant 1 : i32
      %dma_start3A_176 = arith.constant 0 : i32
      %dma_start3A_177 = arith.constant 0 : i32
      %dma_start3A_178 = tpu.memref_slice %arg15[%dma_start3A_175, %dma_start3A_176, %dma_start3A_177] : memref<2x128x32xf32, #tpu.memory_space<vmem>> -> memref<1x128x32xf32, #tpu.memory_space<vmem>>
      %dma_start3A_179 = tpu.memref_squeeze %dma_start3A_178 : memref<1x128x32xf32, #tpu.memory_space<vmem>> -> memref<128x32xf32, #tpu.memory_space<vmem>>
      %dma_start3A_180 = arith.constant 0 : i32
      %dma_start3A_181 = tpu.memref_slice %arg12[%add3A_147, %dma_start3A_180] : memref<80x128xi32, #tpu.memory_space<vmem>> -> memref<1x128xi32, #tpu.memory_space<vmem>>
      %dma_start3A_182 = tpu.memref_squeeze %dma_start3A_181 : memref<1x128xi32, #tpu.memory_space<vmem>> -> memref<128xi32, #tpu.memory_space<vmem>>
      %dma_start3A_183 = arith.constant 0 : i32
      %dma_start3A_184 = arith.constant 0 : i32
      %dma_start3A_185 = tpu.memref_slice %arg8[%dma_start3A_183, %dma_start3A_184] : memref<10000x32xf32, #tpu.memory_space<vmem_shared>> -> memref<10000x32xf32, #tpu.memory_space<vmem_shared>>
      tpu.enqueue_indirect_dma source(%dma_start3A_179 : memref<128x32xf32, #tpu.memory_space<vmem>>) target(%dma_start3A_185 : memref<10000x32xf32, #tpu.memory_space<vmem_shared>>) offsets(%dma_start3A_182 : memref<128xi32, #tpu.memory_space<vmem>>) semaphore(%arg19 : memref<!tpu.dma_semaphore, #tpu.memory_space<semaphore_mem>>) {add = true}
      %le3A_186 = arith.constant 38 : i32
      %le3A_187 = arith.cmpi sle, %scan3A_100, %le3A_186 : i32
      %convert_element_type3A_188 = arith.extui %le3A_187 : i1 to i32
      %cond3A_189 = arith.constant 0 : i32
      %cond3A_190 = arith.cmpi ne, %convert_element_type3A_188, %cond3A_189 : i32
      scf.if %cond3A_190 {
        %add3A_192 = arith.constant 2 : i32
        %add3A_193 = arith.addi %add3A_147, %add3A_192 : i32
        %dma_start3A_194 = arith.constant 1 : i32
        %dma_start3A_195 = arith.constant 0 : i32
        %dma_start3A_196 = arith.constant 0 : i32
        %dma_start3A_197 = tpu.memref_slice %arg14[%dma_start3A_194, %dma_start3A_195, %dma_start3A_196] : memref<2x128x16xi32, #tpu.memory_space<vmem>> -> memref<1x128x16xi32, #tpu.memory_space<vmem>>
        %dma_start3A_198 = tpu.memref_squeeze %dma_start3A_197 : memref<1x128x16xi32, #tpu.memory_space<vmem>> -> memref<128x16xi32, #tpu.memory_space<vmem>>
        %dma_start3A_199 = arith.constant 0 : i32
        %dma_start3A_200 = tpu.memref_slice %arg11[%add3A_193, %dma_start3A_199] : memref<80x128xi32, #tpu.memory_space<vmem>> -> memref<1x128xi32, #tpu.memory_space<vmem>>
        %dma_start3A_201 = tpu.memref_squeeze %dma_start3A_200 : memref<1x128xi32, #tpu.memory_space<vmem>> -> memref<128xi32, #tpu.memory_space<vmem>>
        %dma_start3A_202 = arith.constant 0 : i32
        %dma_start3A_203 = arith.constant 0 : i32
        %dma_start3A_204 = tpu.memref_slice %arg9[%dma_start3A_202, %dma_start3A_203] : memref<10000x16xi32, #tpu.memory_space<vmem_shared>> -> memref<10000x16xi32, #tpu.memory_space<vmem_shared>>
        tpu.enqueue_indirect_dma source(%dma_start3A_204 : memref<10000x16xi32, #tpu.memory_space<vmem_shared>>) target(%dma_start3A_198 : memref<128x16xi32, #tpu.memory_space<vmem>>) offsets(%dma_start3A_201 : memref<128xi32, #tpu.memory_space<vmem>>) semaphore(%arg17 : memref<!tpu.dma_semaphore, #tpu.memory_space<semaphore_mem>>)
      } else {
      }
      %scan3A_191 = arith.constant 0 : i32
      scf.yield %scan3A_191 : i32
    }
    %scan3A_74 = arith.constant 40 : i32
    %dma_wait3A_75 = arith.constant 0 : i32
    %dma_wait3A_76 = arith.constant 78 : i32
    %dma_wait3A_77 = arith.constant 0 : i32
    %dma_wait3A_78 = arith.constant 0 : i32
    %dma_wait3A_79 = tpu.memref_slice %arg15[%dma_wait3A_75, %dma_wait3A_77, %dma_wait3A_78] : memref<2x128x32xf32, #tpu.memory_space<vmem>> -> memref<1x128x32xf32, #tpu.memory_space<vmem>>
    %dma_wait3A_80 = tpu.memref_squeeze %dma_wait3A_79 : memref<1x128x32xf32, #tpu.memory_space<vmem>> -> memref<128x32xf32, #tpu.memory_space<vmem>>
    %dma_wait3A_81 = arith.constant 0 : i32
    %dma_wait3A_82 = tpu.memref_slice %arg12[%dma_wait3A_76, %dma_wait3A_81] : memref<80x128xi32, #tpu.memory_space<vmem>> -> memref<1x128xi32, #tpu.memory_space<vmem>>
    %dma_wait3A_83 = tpu.memref_squeeze %dma_wait3A_82 : memref<1x128xi32, #tpu.memory_space<vmem>> -> memref<128xi32, #tpu.memory_space<vmem>>
    %dma_wait3A_84 = arith.constant 0 : i32
    %dma_wait3A_85 = arith.constant 0 : i32
    %dma_wait3A_86 = tpu.memref_slice %arg8[%dma_wait3A_84, %dma_wait3A_85] : memref<10000x32xf32, #tpu.memory_space<vmem_shared>> -> memref<10000x32xf32, #tpu.memory_space<vmem_shared>>
    tpu.wait_indirect_dma semaphore(%arg18 : memref<!tpu.dma_semaphore, #tpu.memory_space<semaphore_mem>>) src(%dma_wait3A_80 : memref<128x32xf32, #tpu.memory_space<vmem>>) dst(%dma_wait3A_86 : memref<10000x32xf32, #tpu.memory_space<vmem_shared>>)
    %dma_wait3A_87 = arith.constant 1 : i32
    %dma_wait3A_88 = arith.constant 79 : i32
    %dma_wait3A_89 = arith.constant 0 : i32
    %dma_wait3A_90 = arith.constant 0 : i32
    %dma_wait3A_91 = tpu.memref_slice %arg15[%dma_wait3A_87, %dma_wait3A_89, %dma_wait3A_90] : memref<2x128x32xf32, #tpu.memory_space<vmem>> -> memref<1x128x32xf32, #tpu.memory_space<vmem>>
    %dma_wait3A_92 = tpu.memref_squeeze %dma_wait3A_91 : memref<1x128x32xf32, #tpu.memory_space<vmem>> -> memref<128x32xf32, #tpu.memory_space<vmem>>
    %dma_wait3A_93 = arith.constant 0 : i32
    %dma_wait3A_94 = tpu.memref_slice %arg12[%dma_wait3A_88, %dma_wait3A_93] : memref<80x128xi32, #tpu.memory_space<vmem>> -> memref<1x128xi32, #tpu.memory_space<vmem>>
    %dma_wait3A_95 = tpu.memref_squeeze %dma_wait3A_94 : memref<1x128xi32, #tpu.memory_space<vmem>> -> memref<128xi32, #tpu.memory_space<vmem>>
    %dma_wait3A_96 = arith.constant 0 : i32
    %dma_wait3A_97 = arith.constant 0 : i32
    %dma_wait3A_98 = tpu.memref_slice %arg8[%dma_wait3A_96, %dma_wait3A_97] : memref<10000x32xf32, #tpu.memory_space<vmem_shared>> -> memref<10000x32xf32, #tpu.memory_space<vmem_shared>>
    tpu.wait_indirect_dma semaphore(%arg19 : memref<!tpu.dma_semaphore, #tpu.memory_space<semaphore_mem>>) src(%dma_wait3A_92 : memref<128x32xf32, #tpu.memory_space<vmem>>) dst(%dma_wait3A_98 : memref<10000x32xf32, #tpu.memory_space<vmem_shared>>)
    %barrier3A_99 = arith.constant 0 : index
    tpu.barrier barrier_id(%barrier3A_99)
    "tpu.region"() ({
      %run_scoped3A = tpu.sem_alloc : memref<!tpu.dma_semaphore, #tpu.memory_space<semaphore_mem>>
      %dma_start3A_100 = arith.constant 0 : i32
      %dma_start3A_101 = tpu.memref_slice %arg8[%multiple_of3A, %dma_start3A_100] : memref<10000x32xf32, #tpu.memory_space<vmem_shared>> -> memref<640x32xf32, #tpu.memory_space<vmem_shared>>
      %dma_start3A_102 = arith.constant 0 : i32
      %dma_start3A_103 = tpu.memref_slice %arg8[%multiple_of3A, %dma_start3A_102] : memref<10000x32xf32, #tpu.memory_space<vmem_shared>> -> memref<640x32xf32, #tpu.memory_space<vmem_shared>>
      tpu.enqueue_dma source(%dma_start3A_103 : memref<640x32xf32, #tpu.memory_space<vmem_shared>>) target(%arg10 : memref<640x32xf32, #tpu.memory_space<vmem>>) target_semaphore(%run_scoped3A : memref<!tpu.dma_semaphore, #tpu.memory_space<semaphore_mem>>)
      %dma_wait3A_104 = arith.constant 0 : i32
      %dma_wait3A_105 = tpu.memref_slice %arg8[%multiple_of3A, %dma_wait3A_104] : memref<10000x32xf32, #tpu.memory_space<vmem_shared>> -> memref<640x32xf32, #tpu.memory_space<vmem_shared>>
      %dma_wait3A_106 = arith.constant 0 : i32
      %dma_wait3A_107 = tpu.memref_slice %arg8[%multiple_of3A, %dma_wait3A_106] : memref<10000x32xf32, #tpu.memory_space<vmem_shared>> -> memref<640x32xf32, #tpu.memory_space<vmem_shared>>
      tpu.wait_dma2 semaphore(%run_scoped3A : memref<!tpu.dma_semaphore, #tpu.memory_space<semaphore_mem>>) src(%dma_wait3A_107 : memref<640x32xf32, #tpu.memory_space<vmem_shared>>) dst(%arg10 : memref<640x32xf32, #tpu.memory_space<vmem>>)
      tpu.yield
    }) : () -> ()
    "tpu.region"() ({
      %run_scoped3A = tpu.sem_alloc : memref<!tpu.dma_semaphore, #tpu.memory_space<semaphore_mem>>
      %dma_start3A_100 = arith.constant 0 : i32
      %dma_start3A_101 = tpu.memref_slice %arg7[%arg0, %multiple_of3A, %dma_start3A_100] : memref<2x10000x32xf32, #tpu.memory_space<hbm>> -> memref<1x640x32xf32, #tpu.memory_space<hbm>>
      %dma_start3A_102 = tpu.memref_squeeze %dma_start3A_101 : memref<1x640x32xf32, #tpu.memory_space<hbm>> -> memref<640x32xf32, #tpu.memory_space<hbm>>
      %dma_start3A_103 = arith.constant 0 : i32
      %dma_start3A_104 = tpu.memref_slice %arg7[%arg0, %multiple_of3A, %dma_start3A_103] : memref<2x10000x32xf32, #tpu.memory_space<hbm>> -> memref<1x640x32xf32, #tpu.memory_space<hbm>>
      %dma_start3A_105 = tpu.memref_squeeze %dma_start3A_104 : memref<1x640x32xf32, #tpu.memory_space<hbm>> -> memref<640x32xf32, #tpu.memory_space<hbm>>
      tpu.enqueue_dma source(%arg10 : memref<640x32xf32, #tpu.memory_space<vmem>>) target(%dma_start3A_105 : memref<640x32xf32, #tpu.memory_space<hbm>>) target_semaphore(%run_scoped3A : memref<!tpu.dma_semaphore, #tpu.memory_space<semaphore_mem>>)
      %dma_wait3A_106 = arith.constant 0 : i32
      %dma_wait3A_107 = tpu.memref_slice %arg7[%arg0, %multiple_of3A, %dma_wait3A_106] : memref<2x10000x32xf32, #tpu.memory_space<hbm>> -> memref<1x640x32xf32, #tpu.memory_space<hbm>>
      %dma_wait3A_108 = tpu.memref_squeeze %dma_wait3A_107 : memref<1x640x32xf32, #tpu.memory_space<hbm>> -> memref<640x32xf32, #tpu.memory_space<hbm>>
      %dma_wait3A_109 = arith.constant 0 : i32
      %dma_wait3A_110 = tpu.memref_slice %arg7[%arg0, %multiple_of3A, %dma_wait3A_109] : memref<2x10000x32xf32, #tpu.memory_space<hbm>> -> memref<1x640x32xf32, #tpu.memory_space<hbm>>
      %dma_wait3A_111 = tpu.memref_squeeze %dma_wait3A_110 : memref<1x640x32xf32, #tpu.memory_space<hbm>> -> memref<640x32xf32, #tpu.memory_space<hbm>>
      tpu.wait_dma2 semaphore(%run_scoped3A : memref<!tpu.dma_semaphore, #tpu.memory_space<semaphore_mem>>) src(%arg10 : memref<640x32xf32, #tpu.memory_space<vmem>>) dst(%dma_wait3A_111 : memref<640x32xf32, #tpu.memory_space<hbm>>)
      tpu.yield
    }) : () -> ()
    return
  }
}

</mosaic_0001>

<sc_bundles>
// kernel: _spmm.3.cloned.1.call-start
scs
__scs_entry_jumppad:
0x0: {  	(pc) =	sbr.rel $0x88, $3  }
0x1: {  	(tag) =	ssettag $0x0;
	lr =	simm.s32 $0x1  }
0x2: {  	[smem:$0x3F9C] =	sst lr;
	_ =	strace $0xD0000000  }
0x3: {  	_ = 	snop  }
0x4: {  	_ = 	snop  }
0x5: {  	_ = 	snop  }
0x6: {  	_ = 	snop  }
0x7: {  	_ = 	snop  }
__scs_overlays_trampoline_lowered:
0x8: {  	[smem:$0x3FAB] =	sst s0  }
0x9: {  	[smem:$0x3FAC] =	sst s1  }
0xa: {  	[smem:$0x3FAD] =	sst s2  }
0xb: {  	[smem:$0x3FAE] =	sst s3  }
0xc: {  	[smem:$0x3FAF] =	sst s4  }
0xd: {  	[smem:$0x3FB0] =	sst s5  }
0xe: {  	[smem:$0x3FB1] =	sst s6  }
0xf: {  	[smem:$0x3FB2] =	sst s7  }
0x10: {  	[smem:$0x3FB3] =	sst s8  }
0x11: {  	[smem:$0x3FB4] =	sst s9;
	s0 =	simm.s32 @!p0 $0x0  }
0x12: {  	s1 =	sld [smem:$0x3F9A];
	s0 =	simm.s32 @p0 $0x1  }
0x13: {  	[smem:$0x3FB5] =	sst s0;
	s0 =	simm.s32 @!p1 $0x0  }
0x14: {  	s2 =	sld [smem:$0x3F99];
	s0 =	simm.s32 @p1 $0x1  }
0x15: {  	[smem:$0x3FB6] =	sst s0;
	s0 =	simm.s32 @!p2 $0x0  }
0x16: {  	s3 =	sld [smem:$0x3FDB];
	s0 =	simm.s32 @p2 $0x1  }
0x17: {  	s4 =	simm.s32 $0x1BF5;
	[smem:$0x3FB8] =	sst s0  }
0x18: {  	s0 =	sld [smem:$0x3F9B];
	_ =	swait.ge [sflag:s4], $0x0  }
0x19: {  	s7 =	sld [smem:$0x3F9C]  }
0x1a: {  	s8 =	sadd.s32 $0xFFFFE003, lr  }
0x1b: {  	s9 =	sadd.s32 $0xFFFFFEF7, lr;
	s5 =	simm.s32 $0xFFFFFFFF;
	p2 =	slt.u32 s8, $0xFFFFF086  }
0x1c: {  	p1 =	slt.u32 s9, $0xF7A;
	s5 =	simm.s32 @!p2 $0x0  }
0x1d: {  	s5 =	simm.s32 @p1 $0x1;
	p0 =	seq.s32 s7, s2  }
0x1e: {  	s7 =	smul.u32 @!p0 $0xF7A, s2;
	p2 =	seq.s32 @!p0 s5, $0x0  }
0x1f: {  	s9 =	smul.u32 $0xF7A, s1;
	s8 =	simm.s32 @!p0 $0x1BF5;
	p2 =	por !p2, p0  }
0x20: {  	[sflag:s8] =	ssyncset.s32 @!p0 $0xFFFFF086;
	s6 =	sadd.s32 @!p0 s3, s7;
	s7 =	simm.s32 @!p0 $0x108  }
0x21: {  	s3 =	sadd.s32 s3, s9;
	s6 =	sadd.s32 @!p0 $0x88, s6;
	s7 =	simm.s32 @p2 $0x1082  }
0x22: {  	[simem:s7], [sflag:s8] =	dma.local @!p0 [hbm:s6], $0xF7A  }
0x23: {  	s9 =	sor.u32 $0xD0000000, s2;
	s6 =	simm.s32 $0x108;
	_ =	swait.ge @!p0 [sflag:s8], $0x0  }
0x24: {  	s3 =	sadd.s32 $0x88, s3;
	s6 =	simm.s32 @!p1 $0x1082;
	[sflag:s4] =	ssyncset.s32 $0xFFFFF086  }
0x25: {  	[simem:s6], [sflag:s4] =	dma.local [hbm:s3], $0xF7A  }
0x26: {  	[smem:$0x3F9C] =	sst s1;
	(tag) =	ssettag s2;
	_ =	strace s9  }
0x27: {  	s1 =	sld [smem:$0x3FAC]  }
0x28: {  	s2 =	sld [smem:$0x3FAD]  }
0x29: {  	s4 =	sld [smem:$0x3FAF]  }
0x2a: {  	p0 =	seq.s32 s5, $0x0;
	s5 =	sld [smem:$0x3FB0]  }
0x2b: {  	s6 =	sld [smem:$0x3FB1]  }
0x2c: {  	s7 =	sld [smem:$0x3FB2]  }
0x2d: {  	s3 =	simm.s32 $0x108;
	s8 =	sld [smem:$0x3FB3]  }
0x2e: {  	s3 =	simm.s32 @!p0 $0x1082;
	s9 =	sld [smem:$0x3FB4]  }
0x2f: {  	lr =	sadd.s32 s0, s3;
	s0 =	sld [smem:$0x3FAB]  }
0x30: {  	s3 =	sld [smem:$0x3FAE]  }
0x31: {  	[smem:$0x3FB7] =	sst s10  }
0x32: {  	s10 =	sld [smem:$0x3FB5];
	_ =	sdelay $0x3  }
0x33: {  	p0 =	seq.s32 s10, $0x1;
	s10 =	sld [smem:$0x3FB7];
	_ =	sdelay $0x3  }
0x34: {  	[smem:$0x3FB7] =	sst s10  }
0x35: {  	s10 =	sld [smem:$0x3FB6];
	_ =	sdelay $0x3  }
0x36: {  	p1 =	seq.s32 s10, $0x1;
	s10 =	sld [smem:$0x3FB7];
	_ =	sdelay $0x3  }
0x37: {  	[smem:$0x3FB7] =	sst s10  }
0x38: {  	s10 =	sld [smem:$0x3FB8]  }
0x39: {  	_ = 	snop;
	(pc) =	sbr.ind lr, $3  }
0x3a: {  	_ = 	snop  }
0x3b: {  	_ = 	snop  }
0x3c: {  	p2 =	seq.s32 s10, $0x1;
	s10 =	sld [smem:$0x3FB7]  }
0x3d: {  	_ =	shalt  }
0x3e: {  	_ =	shalt  }
0x3f: {  	_ =	shalt  }
0x40: {  	_ =	shalt  }
0x41: {  	_ =	shalt  }
0x42: {  	_ =	shalt  }
0x43: {  	_ =	shalt  }
0x44: {  	_ =	shalt  }
0x45: {  	_ =	shalt  }
0x46: {  	_ =	shalt  }
0x47: {  	_ =	shalt  }
0x48: {  	_ =	shalt  }
0x49: {  	_ =	shalt  }
0x4a: {  	_ =	shalt  }
0x4b: {  	_ =	shalt  }
0x4c: {  	_ =	shalt  }
0x4d: {  	_ =	shalt  }
0x4e: {  	_ =	shalt  }
0x4f: {  	_ =	shalt  }
0x50: {  	_ =	shalt  }
0x51: {  	_ =	shalt  }
0x52: {  	_ =	shalt  }
0x53: {  	_ =	shalt  }
0x54: {  	_ =	shalt  }
0x55: {  	_ =	shalt  }
0x56: {  	_ =	shalt  }
0x57: {  	_ =	shalt  }
0x58: {  	_ =	shalt  }
0x59: {  	_ =	shalt  }
0x5a: {  	_ =	shalt  }
0x5b: {  	_ =	shalt  }
0x5c: {  	_ =	shalt  }
0x5d: {  	_ =	shalt  }
0x5e: {  	_ =	shalt  }
0x5f: {  	_ =	shalt  }
0x60: {  	_ =	shalt  }
0x61: {  	_ =	shalt  }
0x62: {  	_ =	shalt  }
0x63: {  	_ =	shalt  }
0x64: {  	_ =	shalt  }
0x65: {  	_ =	shalt  }
0x66: {  	_ =	shalt  }
0x67: {  	_ =	shalt  }
0x68: {  	_ =	shalt  }
0x69: {  	_ =	shalt  }
0x6a: {  	_ =	shalt  }
0x6b: {  	_ =	shalt  }
0x6c: {  	_ =	shalt  }
0x6d: {  	_ =	shalt  }
0x6e: {  	_ =	shalt  }
0x6f: {  	_ =	shalt  }
0x70: {  	_ =	shalt  }
0x71: {  	_ =	shalt  }
0x72: {  	_ =	shalt  }
0x73: {  	_ =	shalt  }
0x74: {  	_ =	shalt  }
0x75: {  	_ =	shalt  }
0x76: {  	_ =	shalt  }
0x77: {  	_ =	shalt  }
0x78: {  	_ =	shalt  }
0x79: {  	_ =	shalt  }
0x7a: {  	_ =	shalt  }
0x7b: {  	_ =	shalt  }
0x7c: {  	_ =	shalt  }
0x7d: {  	_ =	shalt  }
0x7e: {  	_ =	shalt  }
0x7f: {  	_ =	shalt  }
0x80: {  	_ =	shalt  }
0x81: {  	_ =	shalt  }
0x82: {  	_ =	shalt  }
0x83: {  	_ =	shalt  }
0x84: {  	_ =	shalt  }
0x85: {  	_ =	shalt  }
0x86: {  	_ =	shalt  }
0x87: {  	_ =	shalt  }
.Lfunc_end0:
.L_simem_size_0:
called_computation_lowered:
.L_overlay_start_0:
0x88: {  	s2 =	sld [smem:$0x3FD9]  }
0x89: {  	s3 =	sld [smem:$0x3FFE];
	_ =	sdelay $0x1  }
0x8a: {  	s1 =	srdreg.scid  }
0x8b: {  	s0 =	sand.u32 $0x1, s1  }
0x8c: {  	s17 =	sshll.u32 s0, $0xA;
	s2 =	sadd.s32 s3, s2  }
0x8d: {  	s2 =	sadd.s32 s2, s17  }
0x8e: {  	[smem:$0x3FC3] =	sst s2  }
0x8f: {  	_ = 	snop  }
0x90: {  	s2 =	sld [smem:$0x3FC8]  }
0x91: {  	s18 =	sld [smem:$0x3FC7]  }
0x92: {  	s4 =	sld [smem:$0x3FC6]  }
0x93: {  	s5 =	sld [smem:$0x3FD0];
	(tm) =	ssettm $0x1  }
0x94: {  	s6 =	sld [smem:$0x3FFB];
	_ =	sdelay $0x3  }
0x95: {  	_ =	strace s6  }
0x96: {  	s6 =	sld [smem:$0x3FFC];
	_ =	sdelay $0x3  }
0x97: {  	_ =	strace s6  }
0x98: {  	s6 =	sld [smem:$0x3FFD];
	_ =	sdelay $0x3  }
0x99: {  	_ =	strace s6  }
0x9a: {  	_ =	strace $0x8FFFFFFF  }
0x9b: {  	s19 =	sld [smem:$0x3FDB];
	_ =	sdelay $0x1  }
0x9c: {  	s7 =	simm.s32 $_scs_section_size  }
0x9d: {  	s8 =	simm.s32 $_size__tile_overlayer_lowered;
	s9 =	simm.s32 $_tile_overlayer_lowered  }
0x9e: {  	s22 =	simm.s32 $0x1BFF;
	s21 =	sshll.u32 s9, $0x1;
	s6 =	sadd.s32 s7, s19  }
0x9f: {  	s10 =	simm.s32 $0x0;
	s20 =	sshll.u32 s8, $0x1;
	s8 =	sadd.s32 s21, s6  }
0xa0: {  	[timem:s10], [sflag:s22] =	dma.local [hbm:s8], s20  }
0xa1: {  	_ =	swait.ge [sflag:s22], s20  }
0xa2: {  	s7 =	ssub.s32 $0x0, s20;
	[sflag:s22] =	ssyncset.done $0x0  }
0xa3: {  	[sflag:s22] =	ssyncadd.s32 s7;
	_ =	sdelay $0x1  }
0xa4: {  	s23 =	simm.s32 $0x1B8B  }
0xa5: {  	_ =	swait.ge [sflag:s23], $0x1  }
0xa6: {  	[sflag:s23] =	ssyncset.done $0x0  }
0xa7: {  	s25 =	simm.s32 $0x1B8E;
	s24 =	sld [smem:$0x3FFE];
	[sflag:s23] =	ssyncadd.s32 $0xFFFFFFFF  }
0xa8: {  	s26 =	simm.s32 $execute0_lowered;
	[smem:$0x3FD2] =	sst s25  }
0xa9: {  	s8 =	sshll.u32 s26, $0x1;
	_ =	strace $0x80000046;
	[dreg:$0x1] =	wrdreg $0xFFFFFFFF  }
0xaa: {  	s28 =	simm.s32 $_size_execute0_lowered;
	s6 =	sadd.s32 s6, s8;
	[dreg:$0x0] =	wrdreg $0x0  }
0xab: {  	s8 =	sshll.u32 s28, $0x1;
	[dreg:$0x2] =	wrdreg s6  }
0xac: {  	[dreg:$0x3] =	wrdreg s8  }
0xad: {  	[dreg:$0x4] =	wrdreg $0xC0  }
0xae: {  	_ =	task [dreg:s10], $0x5FFFF  }
0xaf: {  	[dreg:$0x1] =	wrdreg $0xFFFFFFFF  }
0xb0: {  	[dreg:$0x0] =	wrdreg $0x60  }
0xb1: {  	[dreg:$0x2] =	wrdreg s24  }
0xb2: {  	[dreg:$0x3] =	wrdreg s2  }
0xb3: {  	[dreg:$0x4] =	wrdreg s18  }
0xb4: {  	[dreg:$0x5] =	wrdreg s4  }
0xb5: {  	[dreg:$0x6] =	wrdreg s5  }
0xb6: {  	[dreg:$0x7] =	wrdreg $0x0  }
0xb7: {  	[dreg:$0x8] =	wrdreg $0x4E200  }
0xb8: {  	[dreg:$0x9] =	wrdreg $0x9  }
0xb9: {  	_ =	task.clear_ibuf [dreg:s10], $0xAFFFF;
	_ =	strace $0x90000046  }
0xba: {  	s29 =	simm.s32 $0x9;
	_ =	strace $0x80000048  }
0xbb: {  	_ =	swait.ge [sflag:s29], $0x1  }
0xbc: {  	[sflag:s29] =	ssyncadd.s32 $0xFFFFFFFF  }
0xbd: {  	_ =	strace $0x90000048  }
0xbe: {  	_ =	sfence  }
0xbf: {  	s30 =	sld [smem:$0x0];
	_ =	sdelay $0x2  }
0xc0: {  	s31 =	sshll.u32 s1, $0xD;
	s1 =	sshrl.u32 s1, $0x2  }
0xc1: {  	s3 =	sand.u32 $0x4000, s31;
	s1 =	sadd.s32 s1, s30  }
0xc2: {  	s0 =	sor.u32 s3, s0;
	s1 =	sshll.u32 s1, $0x11  }
0xc3: {  	s0 =	sor.u32 s1, s0  }
0xc4: {  	s0 =	sadd.s32 $0x8F2B, s0  }
0xc5: {  	[sflag:s0] =	ssyncadd.remote.s32 $0x1  }
0xc6: {  	_ =	sfence.sel $0xFFFF  }
0xc7: {  	[dreg:$0x0] =	wrdreg $0xFFFFFFFF;
	(pc) =	sbr.abs _section_cstart, $3  }
0xc8: {  	[dreg:$0x1] =	wrdreg $0xFFFFFFFF  }
0xc9: {  	_ =	task.clear_ibuf [dreg:s10], $0x2FFFF;
	_ =	strace $0x9FFFFFFF  }
0xca: {  	(tm) =	ssettm $0x7FFFFFFF  }
0xcb: {  	_ =	shalt  }
tec
execute0_lowered:
.L_overlay_start_1:
0x0: {  	(tag) =	ssettag $0x1  }
0x1: {  	s0 =	rddreg [dreg:$0x0]  }
0x2: {  	s1 =	rddreg [dreg:$0x1]  }
0x3: {  	s5 =	rddreg [dreg:$0x2]  }
0x4: {  	s7 =	rddreg [dreg:$0x3]  }
0x5: {  	s8 =	rddreg [dreg:$0x4]  }
0x6: {  	s2 =	rddreg [dreg:$0x5]  }
0x7: {  	s3 =	rddreg [dreg:$0x6];
	s13 =	stileid.u32;
	s4 =	simm.s32 $0x0  }
0x8: {  	s6 =	srdreg.scid;
	s19 =	simm.s32 $0x5;
	s20 =	simm.s32 $0x1  }
0x9: {  	s21 =	simm.s32 $0x2;
	s28 =	simm.s32 $0x14530;
	s29 =	simm.s32 $0x14D30  }
0xa: {  	s30 =	simm.s32 $0x15D30;
	s31 =	simm.s32 $0x7530;
	s9 =	smul.u32 $0x2700, s13  }
0xb: {  	[smem:$0x7FF] =	sst s4;
	s6 =	sand.u32 $0x1, s6;
	s23 =	smul.u32 $0x4E00, s13  }
0xc: {  	s15 =	sshll.u32 s13, $0x6;
	_ =	strace $0x80000047;
	s11 =	ssub.s32 $0x2, s6  }
0xd: {  	s12 =	sshll.u32 s6, $0x4;
	s24 =	smul.u32 $0x4E200, s6;
	s14 =	sor.u32 $0x1C01, s15  }
0xe: {  	s15 =	sor.u32 $0x1C02, s15;
	s10 =	sshrl.u32 s9, $0x3;
	s22 =	sshrl.u32 s11, $0x1  }
0xf: {  	s12 =	sor.u32 s13, s12;
	s6 =	sadd.s32 s23, s2;
	[dreg:$0x9] =	wrdreg s14  }
0x10: {  	s9 =	sadd.s32 s9, s3;
	s10 =	sadd.s32 s10, s0;
	s0 =	sadd.s32 $0x400, s0  }
0x11: {  	s12 =	smul.u32 $0x500, s12;
	s14 =	sshrl.u32 s6, $0x3;
	s16 =	sshrl.u32 s9, $0x3  }
0x12: {  	v0 =	vimm.s32 $0x0;
	[dreg:$0x8] =	wrdreg s0;
	s0 =	ssub.s32 s11, s22;
	s10 =	sadd.s32 $0xE00, s10  }
.Ltmp0:
0x13: {  	v1 =	vimm.s32 $0x1;
	v2 =	vimm.s32 $0x2;
	v3 =	vimm.s32 $0x3;
	s11 =	sadd.s32 s23, s24;
	s22 =	simm.s32 $0x3;
	(pc) =	sbr.rel .LBB2_1-.Ltmp0, $4  }
0x14: {  	v4 =	vimm.s32 $0x4;
	v5 =	vimm.s32 $0x5;
	v6 =	vimm.s32 $0x6;
	s23 =	simm.s32 $0x4;
	s24 =	simm.s32 $0x80;
	[dreg:$0xa] =	wrdreg s10  }
0x15: {  	v7 =	vimm.s32 $0x7;
	v8 =	vimm.s32 $0x8;
	v9 =	vimm.s32 $0x9;
	s1 =	sadd.s32 s1, s12;
	s25 =	sadd.s32 s5, s12;
	s26 =	sshrl.u32 s11, $0x3  }
0x16: {  	v10 =	vimm.s32 $0xA;
	v11 =	vimm.s32 $0xB;
	v12 =	vimm.s32 $0xC;
	s11 =	sadd.s32 s7, s12;
	s13 =	smax.u32 s0, $0x1;
	[dreg:$0xb] =	wrdreg s1  }
0x17: {  	v13 =	vimm.s32 $0xD;
	v14 =	vimm.s32 $0xE;
	v15 =	vimm.s32 $0xF;
	s0 =	simm.s32 $0x0;
	[dreg:$0xc] =	wrdreg s25;
	s12 =	sadd.s32 s8, s26  }
.LBB2_10:
0x18: {  	_ =	swait.ge [sflag:s22], $0x1000  }
0x19: {  	[sflag:s22] =	ssyncset.done $0x0  }
0x1a: {  	[sflag:s22] =	ssyncadd.s32 $0xFFFFF000  }
0x1b: {  	_ =	swait.ge [sflag:s23], $0x1000  }
0x1c: {  	[sflag:s23] =	ssyncset.done $0x0  }
0x1d: {  	[sflag:s23] =	ssyncadd.s32 $0xFFFFF000  }
0x1e: {  	[bflag:$0x0] =	sbarrier.arrive $0xFFFF  }
0x1f: {  	[tilespmem:s31], [sflag:$0x5] =	stream.linear.gather [spmem:s6], $0x5000, $0x38;
	[tilespmem:$0x16D30] =	vst v63  }
0x20: {  	s0 =	sadd.s32 $0x1, s0;
	_ =	swait.ge [sflag:s19], $0x5000  }
0x21: {  	p0 =	sne.s32 s0, s13;
	[sflag:s19] =	ssyncset.done $0x0  }
.Ltmp1:
0x22: {  	[sflag:s19] =	ssyncadd.s32 $0xFFFFB000;
	(pc) =	sbr.rel @!p0 .LBB2_11-.Ltmp1, $4  }
0x23: {  	[hbm4b:s12+s4] =	stream.linear.scatter [tilespmem:s31], [sflag:$0x5], $0x5000, $0x38;
	[tilespmem:$0x16D30] =	vst v63  }
0x24: {  	_ =	swait.ge [sflag:s19], $0x5000  }
0x25: {  	[sflag:s19] =	ssyncset.done $0x0  }
0x26: {  	[sflag:s19] =	ssyncadd.s32 $0xFFFFB000  }
.LBB2_1:
0x27: {  	s1 =	rddreg [dreg:$0x8]  }
0x28: {  	s5 =	rddreg [dreg:$0x9]  }
0x29: {  	[spmem:s14], [sflag:s5] =	dma.local [hbm:s1], $0xA00  }
0x2a: {  	s1 =	rddreg [dreg:$0xa]  }
0x2b: {  	[spmem:s16], [sflag:s15] =	dma.local [hbm:s1], $0x500  }
0x2c: {  	s17 =	simm.s32 $0xC530;
	s1 =	rddreg [dreg:$0xb]  }
0x2d: {  	[tilespmem:s17], [sflag:$0x3] =	stream.linear.gather [hbm4b:s1+s4], $0x2800, $0x38;
	[tilespmem:$0x16D30] =	vst v63  }
0x2e: {  	s7 =	simm.s32 $0xED30;
	s18 =	rddreg [dreg:$0xc]  }
0x2f: {  	[tilespmem:s7], [sflag:$0x4] =	stream.linear.gather [hbm4b:s18+s4], $0x2800, $0x38;
	[tilespmem:$0x16D30] =	vst v63  }
0x30: {  	s1 =	simm.s32 $0x11530  }
0x31: {  	[tilespmem:s1], [sflag:$0x5] =	stream.linear.gather [hbm4b:s11+s4], $0x2800, $0x38;
	[tilespmem:$0x16D30] =	vst v63  }
0x32: {  	_ =	swait.ge [sflag:s19], $0x2800  }
0x33: {  	[sflag:s19] =	ssyncset.done $0x0  }
0x34: {  	[sflag:s19] =	ssyncadd.s32 $0xFFFFD800  }
0x35: {  	_ =	swait.ge [sflag:s20], $0xA00  }
0x36: {  	[sflag:s20] =	ssyncset.done $0x0  }
0x37: {  	[sflag:s20] =	ssyncadd.s32 $0xFFFFF600  }
0x38: {  	_ =	swait.ge [sflag:s21], $0x500  }
0x39: {  	[sflag:s21] =	ssyncset.done $0x0  }
0x3a: {  	[sflag:s21] =	ssyncadd.s32 $0xFFFFFB00  }
0x3b: {  	_ =	swait.ge [sflag:s22], $0x2800  }
0x3c: {  	[sflag:s22] =	ssyncset.done $0x0  }
0x3d: {  	[sflag:s22] =	ssyncadd.s32 $0xFFFFD800  }
0x3e: {  	_ =	swait.ge [sflag:s23], $0x2800  }
0x3f: {  	[sflag:s23] =	ssyncset.done $0x0  }
0x40: {  	[sflag:s23] =	ssyncadd.s32 $0xFFFFD800  }
0x41: {  	s25 =	simm.s32 $0x13D30;
	[bflag:$0x0] =	sbarrier.arrive $0xFFFF  }
0x42: {  	[tilespmem:s25], [sflag:$0x1] =	stream.indirect.gather [spmem:s3], $0x10, s17, s24, $0xb8;
	[tilespmem:$0x16D30] =	vst v63  }
0x43: {  	s26 =	simm.s32 $0xC5B0;
	s18 =	simm.s32 $0x0  }
0x44: {  	[tilespmem:s28], [sflag:$0x2] =	stream.indirect.gather [spmem:s3], $0x10, s26, s24, $0xb8;
	[tilespmem:$0x16D30] =	vst v63  }
.LBB2_2:
0x45: {  	p0 =	seq.s32 s18, $0x0  }
0x46: {  	s5 =	simm.s32 @!p0 $0x3  }
0x47: {  	_ =	swait.ge @!p0 [sflag:s5], $0x1000  }
0x48: {  	v16 =	vmov s1;
	[sflag:s5] =	ssyncset.done @!p0 $0x0  }
0x49: {  	[sflag:s5] =	ssyncadd.s32 @!p0 $0xFFFFF000  }
0x4a: {  	_ =	swait.ge [sflag:s20], $0x800  }
0x4b: {  	[sflag:s20] =	ssyncset.done $0x0  }
0x4c: {  	s26 =	simm.s32 $0x0;
	[sflag:s20] =	ssyncadd.s32 $0xFFFFF800  }
0x4d: {  	s25 =	simm.s32 $0x13DB0;
	v17 =	vld.idx.msk [tilespmem:v16+s26+$0x0 ss:$0x1], $0xffff  }
0x4e: {  	v18 =	vld [tilespmem:s25+$0xFFFFFF80];
	_ =	sdelay $0x3  }
0x4f: {  	v19 =	vperm.xlane v17, v0  }
0x50: {  	v20 =	vshll.u32 v18, $0x10  }
0x51: {  	v18 =	vand.u32 $0xFFFF0000, v18;
	v20 =	vmul.f32 v20, v19  }
0x52: {  	s5 =	simm.s32 $0x14E30;
	v18 =	vmul.f32 v18, v19  }
0x53: {  	[tilespmem:s5+$0xFFFFFF00] =	vst v20  }
0x54: {  	[tilespmem:s5+$0xFFFFFF10] =	vst v18  }
0x55: {  	v18 =	vld [tilespmem:s25+$0xFFFFFF90];
	_ =	sdelay $0x3  }
0x56: {  	v19 =	vperm.xlane v17, v1  }
0x57: {  	v20 =	vshll.u32 v18, $0x10  }
0x58: {  	v18 =	vand.u32 $0xFFFF0000, v18;
	v20 =	vmul.f32 v20, v19  }
0x59: {  	v18 =	vmul.f32 v18, v19  }
0x5a: {  	[tilespmem:s5+$0xFFFFFF20] =	vst v20  }
0x5b: {  	[tilespmem:s5+$0xFFFFFF30] =	vst v18  }
0x5c: {  	v18 =	vld [tilespmem:s25+$0xFFFFFFA0];
	_ =	sdelay $0x3  }
0x5d: {  	v19 =	vperm.xlane v17, v2  }
0x5e: {  	v20 =	vshll.u32 v18, $0x10  }
0x5f: {  	v18 =	vand.u32 $0xFFFF0000, v18;
	v20 =	vmul.f32 v20, v19  }
0x60: {  	v18 =	vmul.f32 v18, v19  }
0x61: {  	[tilespmem:s5+$0xFFFFFF40] =	vst v20  }
0x62: {  	[tilespmem:s5+$0xFFFFFF50] =	vst v18  }
0x63: {  	v18 =	vld [tilespmem:s25+$0xFFFFFFB0];
	_ =	sdelay $0x3  }
0x64: {  	v19 =	vperm.xlane v17, v3  }
0x65: {  	v20 =	vshll.u32 v18, $0x10  }
0x66: {  	v18 =	vand.u32 $0xFFFF0000, v18;
	v20 =	vmul.f32 v20, v19  }
0x67: {  	v18 =	vmul.f32 v18, v19  }
0x68: {  	[tilespmem:s5+$0xFFFFFF60] =	vst v20  }
0x69: {  	[tilespmem:s5+$0xFFFFFF70] =	vst v18  }
0x6a: {  	v18 =	vld [tilespmem:s25+$0xFFFFFFC0];
	_ =	sdelay $0x3  }
0x6b: {  	v19 =	vperm.xlane v17, v4  }
0x6c: {  	v20 =	vshll.u32 v18, $0x10  }
0x6d: {  	v18 =	vand.u32 $0xFFFF0000, v18;
	v20 =	vmul.f32 v20, v19  }
0x6e: {  	v18 =	vmul.f32 v18, v19  }
0x6f: {  	[tilespmem:s5+$0xFFFFFF80] =	vst v20  }
0x70: {  	[tilespmem:s5+$0xFFFFFF90] =	vst v18  }
0x71: {  	v18 =	vld [tilespmem:s25+$0xFFFFFFD0];
	_ =	sdelay $0x3  }
0x72: {  	v19 =	vperm.xlane v17, v5  }
0x73: {  	v20 =	vshll.u32 v18, $0x10  }
0x74: {  	v18 =	vand.u32 $0xFFFF0000, v18;
	v20 =	vmul.f32 v20, v19  }
0x75: {  	v18 =	vmul.f32 v18, v19  }
0x76: {  	[tilespmem:s5+$0xFFFFFFA0] =	vst v20  }
0x77: {  	[tilespmem:s5+$0xFFFFFFB0] =	vst v18  }
0x78: {  	v18 =	vld [tilespmem:s25+$0xFFFFFFE0];
	_ =	sdelay $0x3  }
0x79: {  	v19 =	vperm.xlane v17, v6  }
0x7a: {  	v20 =	vshll.u32 v18, $0x10  }
0x7b: {  	v18 =	vand.u32 $0xFFFF0000, v18;
	v20 =	vmul.f32 v20, v19  }
0x7c: {  	v18 =	vmul.f32 v18, v19  }
0x7d: {  	[tilespmem:s5+$0xFFFFFFC0] =	vst v20  }
0x7e: {  	[tilespmem:s5+$0xFFFFFFD0] =	vst v18  }
0x7f: {  	v18 =	vld [tilespmem:s25+$0xFFFFFFF0];
	_ =	sdelay $0x3  }
0x80: {  	v19 =	vperm.xlane v17, v7  }
0x81: {  	v20 =	vshll.u32 v18, $0x10  }
0x82: {  	v18 =	vand.u32 $0xFFFF0000, v18;
	v20 =	vmul.f32 v20, v19  }
0x83: {  	v18 =	vmul.f32 v18, v19  }
0x84: {  	[tilespmem:s5+$0xFFFFFFE0] =	vst v20  }
0x85: {  	[tilespmem:s5+$0xFFFFFFF0] =	vst v18  }
0x86: {  	v18 =	vld [tilespmem:s25+$0x0];
	_ =	sdelay $0x3  }
0x87: {  	v19 =	vperm.xlane v17, v8  }
0x88: {  	v20 =	vshll.u32 v18, $0x10  }
0x89: {  	v18 =	vand.u32 $0xFFFF0000, v18;
	v20 =	vmul.f32 v20, v19  }
0x8a: {  	v18 =	vmul.f32 v18, v19  }
0x8b: {  	[tilespmem:s5+$0x0] =	vst v20  }
0x8c: {  	[tilespmem:s5+$0x10] =	vst v18  }
0x8d: {  	v18 =	vld [tilespmem:s25+$0x10];
	_ =	sdelay $0x3  }
0x8e: {  	v19 =	vperm.xlane v17, v9  }
0x8f: {  	v20 =	vshll.u32 v18, $0x10  }
0x90: {  	v18 =	vand.u32 $0xFFFF0000, v18;
	v20 =	vmul.f32 v20, v19  }
0x91: {  	v18 =	vmul.f32 v18, v19  }
0x92: {  	[tilespmem:s5+$0x20] =	vst v20  }
0x93: {  	[tilespmem:s5+$0x30] =	vst v18  }
0x94: {  	v18 =	vld [tilespmem:s25+$0x20];
	_ =	sdelay $0x3  }
0x95: {  	v19 =	vperm.xlane v17, v10  }
0x96: {  	v20 =	vshll.u32 v18, $0x10  }
0x97: {  	v18 =	vand.u32 $0xFFFF0000, v18;
	v20 =	vmul.f32 v20, v19  }
0x98: {  	v18 =	vmul.f32 v18, v19  }
0x99: {  	[tilespmem:s5+$0x40] =	vst v20  }
0x9a: {  	[tilespmem:s5+$0x50] =	vst v18  }
0x9b: {  	v18 =	vld [tilespmem:s25+$0x30];
	_ =	sdelay $0x3  }
0x9c: {  	v19 =	vperm.xlane v17, v11  }
0x9d: {  	v20 =	vshll.u32 v18, $0x10  }
0x9e: {  	v18 =	vand.u32 $0xFFFF0000, v18;
	v20 =	vmul.f32 v20, v19  }
0x9f: {  	v18 =	vmul.f32 v18, v19  }
0xa0: {  	[tilespmem:s5+$0x60] =	vst v20  }
0xa1: {  	[tilespmem:s5+$0x70] =	vst v18  }
0xa2: {  	v18 =	vld [tilespmem:s25+$0x40];
	_ =	sdelay $0x3  }
0xa3: {  	v19 =	vperm.xlane v17, v12  }
0xa4: {  	v20 =	vshll.u32 v18, $0x10  }
0xa5: {  	v18 =	vand.u32 $0xFFFF0000, v18;
	v20 =	vmul.f32 v20, v19  }
0xa6: {  	v18 =	vmul.f32 v18, v19  }
0xa7: {  	[tilespmem:s5+$0x80] =	vst v20  }
0xa8: {  	[tilespmem:s5+$0x90] =	vst v18  }
0xa9: {  	v18 =	vld [tilespmem:s25+$0x50];
	_ =	sdelay $0x3  }
0xaa: {  	v19 =	vperm.xlane v17, v13  }
0xab: {  	v20 =	vshll.u32 v18, $0x10  }
0xac: {  	v18 =	vand.u32 $0xFFFF0000, v18;
	v20 =	vmul.f32 v20, v19  }
0xad: {  	v18 =	vmul.f32 v18, v19  }
0xae: {  	[tilespmem:s5+$0xA0] =	vst v20  }
0xaf: {  	s17 =	sshll.u32 s18, $0x1;
	s9 =	simm.s32 $0x40;
	[tilespmem:s5+$0xB0] =	vst v18  }
0xb0: {  	s7 =	simm.s32 $0x14E30;
	s8 =	simm.s32 $0x13DB0;
	s26 =	sshll.u32 s18, $0xA;
	v18 =	vperm.xlane v17, v14;
	v17 =	vperm.xlane v17, v15;
	v19 =	vld [tilespmem:s25+$0x60]  }
.LBB2_3:
0xb1: {  	_ =	sdelay $0x1  }
0xb2: {  	p0 =	sne.s32 s9, $0x1C0;
	s25 =	sadd.s32 $0x100, s25;
	s5 =	sadd.s32 $0x200, s5  }
0xb3: {  	s10 =	smov.u32 s9;
	s9 =	sadd.s32 $0x40, s9  }
0xb4: {  	v20 =	vshll.u32 v19, $0x10;
	v19 =	vand.u32 $0xFFFF0000, v19  }
0xb5: {  	v20 =	vmul.f32 v20, v18;
	v18 =	vmul.f32 v19, v18;
	_ =	sdelay $0x1  }
0xb6: {  	[tilespmem:s7+$0xC0] =	vst v20  }
0xb7: {  	[tilespmem:s7+$0xD0] =	vst v18  }
0xb8: {  	v18 =	vld [tilespmem:s8+$0x70];
	s8 =	smov.u32 s25;
	_ =	sdelay $0x4  }
0xb9: {  	v19 =	vshll.u32 v18, $0x10;
	v18 =	vand.u32 $0xFFFF0000, v18  }
0xba: {  	v19 =	vmul.f32 v19, v17;
	v17 =	vmul.f32 v18, v17;
	_ =	sdelay $0x1  }
0xbb: {  	[tilespmem:s7+$0xE0] =	vst v19  }
0xbc: {  	s10 =	sshra.s32 s10, $0x2;
	[tilespmem:s7+$0xF0] =	vst v17;
	s7 =	smov.u32 s5  }
0xbd: {  	v17 =	vld.idx.msk [tilespmem:v16+s10+$0x0 ss:$0x1], $0xffff;
	_ =	sdelay $0x1  }
0xbe: {  	v18 =	vld [tilespmem:s25+$0xFFFFFF80];
	_ =	sdelay $0x3  }
0xbf: {  	v19 =	vperm.xlane v17, v0  }
0xc0: {  	v20 =	vshll.u32 v18, $0x10;
	v18 =	vand.u32 $0xFFFF0000, v18  }
0xc1: {  	v20 =	vmul.f32 v20, v19;
	v18 =	vmul.f32 v18, v19;
	_ =	sdelay $0x1  }
0xc2: {  	[tilespmem:s5+$0xFFFFFF00] =	vst v20  }
0xc3: {  	[tilespmem:s5+$0xFFFFFF10] =	vst v18  }
0xc4: {  	v18 =	vld [tilespmem:s25+$0xFFFFFF90];
	_ =	sdelay $0x2  }
0xc5: {  	v19 =	vperm.xlane v17, v1;
	_ =	sdelay $0x1  }
0xc6: {  	v20 =	vshll.u32 v18, $0x10;
	v18 =	vand.u32 $0xFFFF0000, v18  }
0xc7: {  	v20 =	vmul.f32 v20, v19;
	v18 =	vmul.f32 v18, v19;
	_ =	sdelay $0x1  }
0xc8: {  	[tilespmem:s5+$0xFFFFFF20] =	vst v20  }
0xc9: {  	[tilespmem:s5+$0xFFFFFF30] =	vst v18  }
0xca: {  	v18 =	vld [tilespmem:s25+$0xFFFFFFA0];
	_ =	sdelay $0x1  }
0xcb: {  	v19 =	vperm.xlane v17, v2;
	_ =	sdelay $0x2  }
0xcc: {  	v20 =	vshll.u32 v18, $0x10;
	v18 =	vand.u32 $0xFFFF0000, v18  }
0xcd: {  	v20 =	vmul.f32 v20, v19;
	v18 =	vmul.f32 v18, v19;
	_ =	sdelay $0x1  }
0xce: {  	[tilespmem:s5+$0xFFFFFF40] =	vst v20  }
0xcf: {  	[tilespmem:s5+$0xFFFFFF50] =	vst v18  }
0xd0: {  	v18 =	vld [tilespmem:s25+$0xFFFFFFB0]  }
0xd1: {  	v19 =	vperm.xlane v17, v3;
	_ =	sdelay $0x3  }
0xd2: {  	v20 =	vshll.u32 v18, $0x10;
	v18 =	vand.u32 $0xFFFF0000, v18  }
0xd3: {  	v20 =	vmul.f32 v20, v19;
	v18 =	vmul.f32 v18, v19;
	_ =	sdelay $0x1  }
0xd4: {  	[tilespmem:s5+$0xFFFFFF60] =	vst v20  }
0xd5: {  	[tilespmem:s5+$0xFFFFFF70] =	vst v18  }
0xd6: {  	v18 =	vperm.xlane v17, v4;
	v19 =	vld [tilespmem:s25+$0xFFFFFFC0];
	_ =	sdelay $0x4  }
0xd7: {  	v20 =	vshll.u32 v19, $0x10;
	v19 =	vand.u32 $0xFFFF0000, v19  }
0xd8: {  	v20 =	vmul.f32 v20, v18;
	v18 =	vmul.f32 v19, v18;
	_ =	sdelay $0x1  }
0xd9: {  	[tilespmem:s5+$0xFFFFFF80] =	vst v20  }
0xda: {  	[tilespmem:s5+$0xFFFFFF90] =	vst v18;
	v18 =	vperm.xlane v17, v5  }
0xdb: {  	v19 =	vld [tilespmem:s25+$0xFFFFFFD0];
	_ =	sdelay $0x4  }
0xdc: {  	v20 =	vshll.u32 v19, $0x10;
	v19 =	vand.u32 $0xFFFF0000, v19  }
0xdd: {  	v20 =	vmul.f32 v20, v18;
	v18 =	vmul.f32 v19, v18;
	_ =	sdelay $0x1  }
0xde: {  	v19 =	vperm.xlane v17, v6;
	[tilespmem:s5+$0xFFFFFFA0] =	vst v20  }
0xdf: {  	[tilespmem:s5+$0xFFFFFFB0] =	vst v18  }
0xe0: {  	v18 =	vld [tilespmem:s25+$0xFFFFFFE0];
	_ =	sdelay $0x4  }
0xe1: {  	v20 =	vshll.u32 v18, $0x10;
	v18 =	vand.u32 $0xFFFF0000, v18  }
0xe2: {  	v20 =	vmul.f32 v20, v19;
	v18 =	vmul.f32 v18, v19  }
0xe3: {  	v19 =	vperm.xlane v17, v7  }
0xe4: {  	[tilespmem:s5+$0xFFFFFFC0] =	vst v20  }
0xe5: {  	[tilespmem:s5+$0xFFFFFFD0] =	vst v18  }
0xe6: {  	v18 =	vld [tilespmem:s25+$0xFFFFFFF0];
	_ =	sdelay $0x4  }
0xe7: {  	v21 =	vperm.xlane v17, v8;
	v20 =	vshll.u32 v18, $0x10;
	v18 =	vand.u32 $0xFFFF0000, v18  }
0xe8: {  	v20 =	vmul.f32 v20, v19;
	v18 =	vmul.f32 v18, v19;
	_ =	sdelay $0x1  }
0xe9: {  	[tilespmem:s5+$0xFFFFFFE0] =	vst v20  }
0xea: {  	[tilespmem:s5+$0xFFFFFFF0] =	vst v18  }
0xeb: {  	v18 =	vld [tilespmem:s25+$0x0];
	_ =	sdelay $0x4  }
0xec: {  	v20 =	vperm.xlane v17, v9;
	v19 =	vshll.u32 v18, $0x10;
	v18 =	vand.u32 $0xFFFF0000, v18  }
0xed: {  	v19 =	vmul.f32 v19, v21;
	v18 =	vmul.f32 v18, v21;
	_ =	sdelay $0x1  }
0xee: {  	[tilespmem:s5+$0x0] =	vst v19  }
0xef: {  	[tilespmem:s5+$0x10] =	vst v18  }
0xf0: {  	v18 =	vld [tilespmem:s25+$0x10];
	_ =	sdelay $0x3  }
0xf1: {  	v19 =	vperm.xlane v17, v10  }
0xf2: {  	v21 =	vshll.u32 v18, $0x10;
	v18 =	vand.u32 $0xFFFF0000, v18  }
0xf3: {  	v21 =	vmul.f32 v21, v20;
	v18 =	vmul.f32 v18, v20;
	_ =	sdelay $0x1  }
0xf4: {  	[tilespmem:s5+$0x20] =	vst v21  }
0xf5: {  	[tilespmem:s5+$0x30] =	vst v18  }
0xf6: {  	v18 =	vld [tilespmem:s25+$0x20];
	_ =	sdelay $0x2  }
0xf7: {  	v20 =	vperm.xlane v17, v11;
	_ =	sdelay $0x1  }
0xf8: {  	v21 =	vshll.u32 v18, $0x10;
	v18 =	vand.u32 $0xFFFF0000, v18  }
0xf9: {  	v21 =	vmul.f32 v21, v19;
	v18 =	vmul.f32 v18, v19;
	_ =	sdelay $0x1  }
0xfa: {  	[tilespmem:s5+$0x40] =	vst v21  }
0xfb: {  	[tilespmem:s5+$0x50] =	vst v18  }
0xfc: {  	v18 =	vld [tilespmem:s25+$0x30];
	_ =	sdelay $0x1  }
0xfd: {  	v19 =	vperm.xlane v17, v12;
	_ =	sdelay $0x2  }
0xfe: {  	v21 =	vshll.u32 v18, $0x10;
	v18 =	vand.u32 $0xFFFF0000, v18  }
0xff: {  	v21 =	vmul.f32 v21, v20;
	v18 =	vmul.f32 v18, v20;
	_ =	sdelay $0x1  }
0x100: {  	[tilespmem:s5+$0x60] =	vst v21  }
0x101: {  	[tilespmem:s5+$0x70] =	vst v18  }
0x102: {  	v18 =	vld [tilespmem:s25+$0x40]  }
0x103: {  	v20 =	vperm.xlane v17, v13;
	_ =	sdelay $0x3  }
0x104: {  	v21 =	vshll.u32 v18, $0x10;
	v18 =	vand.u32 $0xFFFF0000, v18  }
0x105: {  	v21 =	vmul.f32 v21, v19;
	v18 =	vmul.f32 v18, v19;
	_ =	sdelay $0x1  }
0x106: {  	[tilespmem:s5+$0x80] =	vst v21  }
0x107: {  	[tilespmem:s5+$0x90] =	vst v18  }
0x108: {  	v18 =	vperm.xlane v17, v14;
	v19 =	vld [tilespmem:s25+$0x50];
	_ =	sdelay $0x4  }
0x109: {  	v21 =	vshll.u32 v19, $0x10;
	v19 =	vand.u32 $0xFFFF0000, v19  }
.Ltmp2:
0x10a: {  	v21 =	vmul.f32 v21, v20;
	v19 =	vmul.f32 v19, v20;
	(pc) =	sbr.rel @p0 .LBB2_3-.Ltmp2, $4  }
0x10b: {  	_ = 	snop  }
0x10c: {  	[tilespmem:s5+$0xA0] =	vst v21  }
0x10d: {  	v17 =	vperm.xlane v17, v15;
	[tilespmem:s5+$0xB0] =	vst v19  }
0x10e: {  	v19 =	vld [tilespmem:s25+$0x60]  }
0x10f: {  	_ =	sdelay $0x3  }
0x110: {  	v16 =	vshll.u32 v19, $0x10  }
0x111: {  	v61 =	vand.u32 $0xFFFF0000, v19;
	v16 =	vmul.f32 v16, v18  }
0x112: {  	v62 =	vmul.f32 v61, v18  }
0x113: {  	[tilespmem:s7+$0xC0] =	vst v16  }
0x114: {  	[tilespmem:s7+$0xD0] =	vst v62  }
0x115: {  	v16 =	vld [tilespmem:s8+$0x70];
	_ =	sdelay $0x4  }
0x116: {  	v63 =	vshll.u32 v16, $0x10  }
0x117: {  	v16 =	vand.u32 $0xFFFF0000, v16;
	v18 =	vmul.f32 v63, v17  }
0x118: {  	p0 =	seq.s32 s18, $0x27;
	v16 =	vmul.f32 v16, v17  }
0x119: {  	s25 =	sshrl.u32 s26, $0x2;
	p1 =	seq.s32 @!p0 s18, $0x0;
	[tilespmem:s7+$0xE0] =	vst v18  }
0x11a: {  	s5 =	sadd.s32 $0xED30, s25;
	p1 =	por p0, !p1;
	[tilespmem:s7+$0xF0] =	vst v16  }
0x11b: {  	[spmem:s2] =	stream.indirect.scatter.add.f32 [tilespmem:s29], [sflag:$0x3], $0x20, s5, s24, $0xb8;
	[tilespmem:$0x16D30] =	vst v63  }
.Ltmp3:
0x11c: {  	_ = 	snop;
	(pc) =	sbr.rel @!p1 .LBB2_6-.Ltmp3, $4  }
0x11d: {  	s5 =	sshrl.u32 @!p0 s26, $0x2  }
0x11e: {  	s8 =	simm.s32 @!p0 $0x13D30;
	s7 =	simm.s32 @!p0 $0x80;
	s5 =	sadd.s32 @!p0 $0xC630, s5  }
0x11f: {  	[tilespmem:s8], [sflag:$0x1] =	stream.indirect.gather @!p0 [spmem:s3], $0x10, s5, s7, $0xb8;
	[tilespmem:$0x16D30] =	vst v63  }
0x120: {  	s5 =	sor.u32 @!p0 $0x1, s17  }
0x121: {  	_ =	swait.ge [sflag:s23], $0x1000  }
0x122: {  	[sflag:s23] =	ssyncset.done $0x0  }
0x123: {  	s5 =	simm.s32 @p0 $0x4F;
	[sflag:s23] =	ssyncadd.s32 $0xFFFFF000  }
.LBB2_6:
0x124: {  	s5 =	sshll.u32 s5, $0x9  }
0x125: {  	s26 =	sshrl.u32 s5, $0x2  }
0x126: {  	s5 =	sadd.s32 $0x11530, s26  }
0x127: {  	v16 =	vmov s5;
	_ =	sdelay $0x1  }
0x128: {  	_ =	swait.ge [sflag:s21], $0x800  }
0x129: {  	[sflag:s21] =	ssyncset.done $0x0  }
0x12a: {  	s7 =	simm.s32 $0x0;
	[sflag:s21] =	ssyncadd.s32 $0xFFFFF800  }
0x12b: {  	s5 =	simm.s32 $0x14620;
	v17 =	vld.idx.msk [tilespmem:v16+s7+$0x0 ss:$0x1], $0xffff  }
0x12c: {  	v18 =	vld [tilespmem:s5+$0xFFFFFF10];
	_ =	sdelay $0x3  }
0x12d: {  	v19 =	vperm.xlane v17, v0  }
0x12e: {  	v20 =	vshll.u32 v18, $0x10  }
0x12f: {  	v18 =	vand.u32 $0xFFFF0000, v18;
	v20 =	vmul.f32 v20, v19  }
0x130: {  	s17 =	simm.s32 $0x15F20;
	v18 =	vmul.f32 v18, v19  }
0x131: {  	[tilespmem:s17+$0xFFFFFE10] =	vst v20  }
0x132: {  	[tilespmem:s17+$0xFFFFFE20] =	vst v18  }
0x133: {  	v18 =	vld [tilespmem:s5+$0xFFFFFF20];
	_ =	sdelay $0x3  }
0x134: {  	v19 =	vperm.xlane v17, v1  }
0x135: {  	v20 =	vshll.u32 v18, $0x10  }
0x136: {  	v18 =	vand.u32 $0xFFFF0000, v18;
	v20 =	vmul.f32 v20, v19  }
0x137: {  	v18 =	vmul.f32 v18, v19  }
0x138: {  	[tilespmem:s17+$0xFFFFFE30] =	vst v20  }
0x139: {  	[tilespmem:s17+$0xFFFFFE40] =	vst v18  }
0x13a: {  	v18 =	vld [tilespmem:s5+$0xFFFFFF30];
	_ =	sdelay $0x3  }
0x13b: {  	v19 =	vperm.xlane v17, v2  }
0x13c: {  	v20 =	vshll.u32 v18, $0x10  }
0x13d: {  	v18 =	vand.u32 $0xFFFF0000, v18;
	v20 =	vmul.f32 v20, v19  }
0x13e: {  	v18 =	vmul.f32 v18, v19  }
0x13f: {  	[tilespmem:s17+$0xFFFFFE50] =	vst v20  }
0x140: {  	[tilespmem:s17+$0xFFFFFE60] =	vst v18  }
0x141: {  	v18 =	vld [tilespmem:s5+$0xFFFFFF40];
	_ =	sdelay $0x3  }
0x142: {  	v19 =	vperm.xlane v17, v3  }
0x143: {  	v20 =	vshll.u32 v18, $0x10  }
0x144: {  	v18 =	vand.u32 $0xFFFF0000, v18;
	v20 =	vmul.f32 v20, v19  }
0x145: {  	v18 =	vmul.f32 v18, v19  }
0x146: {  	[tilespmem:s17+$0xFFFFFE70] =	vst v20  }
0x147: {  	[tilespmem:s17+$0xFFFFFE80] =	vst v18  }
0x148: {  	v18 =	vld [tilespmem:s5+$0xFFFFFF50];
	_ =	sdelay $0x3  }
0x149: {  	v19 =	vperm.xlane v17, v4  }
0x14a: {  	v20 =	vshll.u32 v18, $0x10  }
0x14b: {  	v18 =	vand.u32 $0xFFFF0000, v18;
	v20 =	vmul.f32 v20, v19  }
0x14c: {  	v18 =	vmul.f32 v18, v19  }
0x14d: {  	[tilespmem:s17+$0xFFFFFE90] =	vst v20  }
0x14e: {  	[tilespmem:s17+$0xFFFFFEA0] =	vst v18  }
0x14f: {  	v18 =	vld [tilespmem:s5+$0xFFFFFF60];
	_ =	sdelay $0x3  }
0x150: {  	v19 =	vperm.xlane v17, v5  }
0x151: {  	v20 =	vshll.u32 v18, $0x10  }
0x152: {  	v18 =	vand.u32 $0xFFFF0000, v18;
	v20 =	vmul.f32 v20, v19  }
0x153: {  	v18 =	vmul.f32 v18, v19  }
0x154: {  	[tilespmem:s17+$0xFFFFFEB0] =	vst v20  }
0x155: {  	[tilespmem:s17+$0xFFFFFEC0] =	vst v18  }
0x156: {  	v18 =	vld [tilespmem:s5+$0xFFFFFF70];
	_ =	sdelay $0x3  }
0x157: {  	v19 =	vperm.xlane v17, v6  }
0x158: {  	v20 =	vshll.u32 v18, $0x10  }
0x159: {  	v18 =	vand.u32 $0xFFFF0000, v18;
	v20 =	vmul.f32 v20, v19  }
0x15a: {  	v18 =	vmul.f32 v18, v19  }
0x15b: {  	[tilespmem:s17+$0xFFFFFED0] =	vst v20  }
0x15c: {  	[tilespmem:s17+$0xFFFFFEE0] =	vst v18  }
0x15d: {  	v18 =	vld [tilespmem:s5+$0xFFFFFF80];
	_ =	sdelay $0x3  }
0x15e: {  	v19 =	vperm.xlane v17, v7  }
0x15f: {  	v20 =	vshll.u32 v18, $0x10  }
0x160: {  	v18 =	vand.u32 $0xFFFF0000, v18;
	v20 =	vmul.f32 v20, v19  }
0x161: {  	v18 =	vmul.f32 v18, v19  }
0x162: {  	[tilespmem:s17+$0xFFFFFEF0] =	vst v20  }
0x163: {  	[tilespmem:s17+$0xFFFFFF00] =	vst v18  }
0x164: {  	v18 =	vld [tilespmem:s5+$0xFFFFFF90];
	_ =	sdelay $0x3  }
0x165: {  	v19 =	vperm.xlane v17, v8  }
0x166: {  	v20 =	vshll.u32 v18, $0x10  }
0x167: {  	v18 =	vand.u32 $0xFFFF0000, v18;
	v20 =	vmul.f32 v20, v19  }
0x168: {  	v18 =	vmul.f32 v18, v19  }
0x169: {  	[tilespmem:s17+$0xFFFFFF10] =	vst v20  }
0x16a: {  	[tilespmem:s17+$0xFFFFFF20] =	vst v18  }
0x16b: {  	v18 =	vld [tilespmem:s5+$0xFFFFFFA0];
	_ =	sdelay $0x3  }
0x16c: {  	v19 =	vperm.xlane v17, v9  }
0x16d: {  	v20 =	vshll.u32 v18, $0x10  }
0x16e: {  	v18 =	vand.u32 $0xFFFF0000, v18;
	v20 =	vmul.f32 v20, v19  }
0x16f: {  	v18 =	vmul.f32 v18, v19  }
0x170: {  	[tilespmem:s17+$0xFFFFFF30] =	vst v20  }
0x171: {  	[tilespmem:s17+$0xFFFFFF40] =	vst v18  }
0x172: {  	v18 =	vld [tilespmem:s5+$0xFFFFFFB0];
	_ =	sdelay $0x3  }
0x173: {  	v19 =	vperm.xlane v17, v10  }
0x174: {  	v20 =	vshll.u32 v18, $0x10  }
0x175: {  	v18 =	vand.u32 $0xFFFF0000, v18;
	v20 =	vmul.f32 v20, v19  }
0x176: {  	v18 =	vmul.f32 v18, v19  }
0x177: {  	[tilespmem:s17+$0xFFFFFF50] =	vst v20  }
0x178: {  	[tilespmem:s17+$0xFFFFFF60] =	vst v18  }
0x179: {  	v18 =	vld [tilespmem:s5+$0xFFFFFFC0];
	_ =	sdelay $0x3  }
0x17a: {  	v19 =	vperm.xlane v17, v11  }
0x17b: {  	v20 =	vshll.u32 v18, $0x10  }
0x17c: {  	v18 =	vand.u32 $0xFFFF0000, v18;
	v20 =	vmul.f32 v20, v19  }
0x17d: {  	v18 =	vmul.f32 v18, v19  }
0x17e: {  	[tilespmem:s17+$0xFFFFFF70] =	vst v20  }
0x17f: {  	[tilespmem:s17+$0xFFFFFF80] =	vst v18  }
0x180: {  	v18 =	vld [tilespmem:s5+$0xFFFFFFD0];
	_ =	sdelay $0x3  }
0x181: {  	v19 =	vperm.xlane v17, v12  }
0x182: {  	v20 =	vshll.u32 v18, $0x10  }
0x183: {  	v18 =	vand.u32 $0xFFFF0000, v18;
	v20 =	vmul.f32 v20, v19  }
0x184: {  	v18 =	vmul.f32 v18, v19  }
0x185: {  	[tilespmem:s17+$0xFFFFFF90] =	vst v20  }
0x186: {  	[tilespmem:s17+$0xFFFFFFA0] =	vst v18  }
0x187: {  	v18 =	vld [tilespmem:s5+$0xFFFFFFE0];
	_ =	sdelay $0x3  }
0x188: {  	v19 =	vperm.xlane v17, v13  }
0x189: {  	v20 =	vshll.u32 v18, $0x10  }
0x18a: {  	v18 =	vand.u32 $0xFFFF0000, v18;
	v20 =	vmul.f32 v20, v19  }
0x18b: {  	v18 =	vmul.f32 v18, v19  }
0x18c: {  	[tilespmem:s17+$0xFFFFFFB0] =	vst v20  }
0x18d: {  	[tilespmem:s17+$0xFFFFFFC0] =	vst v18  }
0x18e: {  	s9 =	simm.s32 $0x40;
	s8 =	simm.s32 $0x14620;
	s7 =	simm.s32 $0x15F20;
	v18 =	vperm.xlane v17, v14;
	v17 =	vperm.xlane v17, v15;
	v19 =	vld [tilespmem:s5+$0xFFFFFFF0]  }
.LBB2_7:
0x18f: {  	_ =	sdelay $0x1  }
0x190: {  	p1 =	sne.s32 s9, $0x1C0;
	s5 =	sadd.s32 $0x100, s5;
	s17 =	sadd.s32 $0x200, s17  }
0x191: {  	s10 =	smov.u32 s9;
	s9 =	sadd.s32 $0x40, s9  }
0x192: {  	v20 =	vshll.u32 v19, $0x10;
	v19 =	vand.u32 $0xFFFF0000, v19  }
0x193: {  	v20 =	vmul.f32 v20, v18;
	v18 =	vmul.f32 v19, v18;
	_ =	sdelay $0x1  }
0x194: {  	[tilespmem:s7+$0xFFFFFFD0] =	vst v20  }
0x195: {  	[tilespmem:s7+$0xFFFFFFE0] =	vst v18  }
0x196: {  	v18 =	vld [tilespmem:s8+$0x0];
	s8 =	smov.u32 s5;
	_ =	sdelay $0x4  }
0x197: {  	v19 =	vshll.u32 v18, $0x10;
	v18 =	vand.u32 $0xFFFF0000, v18  }
0x198: {  	v19 =	vmul.f32 v19, v17;
	v17 =	vmul.f32 v18, v17;
	_ =	sdelay $0x1  }
0x199: {  	[tilespmem:s7+$0xFFFFFFF0] =	vst v19  }
0x19a: {  	s10 =	sshra.s32 s10, $0x2;
	[tilespmem:s7+$0x0] =	vst v17;
	s7 =	smov.u32 s17  }
0x19b: {  	v17 =	vld.idx.msk [tilespmem:v16+s10+$0x0 ss:$0x1], $0xffff;
	_ =	sdelay $0x1  }
0x19c: {  	v18 =	vld [tilespmem:s5+$0xFFFFFF10];
	_ =	sdelay $0x3  }
0x19d: {  	v19 =	vperm.xlane v17, v0  }
0x19e: {  	v20 =	vshll.u32 v18, $0x10;
	v18 =	vand.u32 $0xFFFF0000, v18  }
0x19f: {  	v20 =	vmul.f32 v20, v19;
	v18 =	vmul.f32 v18, v19;
	_ =	sdelay $0x1  }
0x1a0: {  	[tilespmem:s17+$0xFFFFFE10] =	vst v20  }
0x1a1: {  	[tilespmem:s17+$0xFFFFFE20] =	vst v18  }
0x1a2: {  	v18 =	vld [tilespmem:s5+$0xFFFFFF20];
	_ =	sdelay $0x2  }
0x1a3: {  	v19 =	vperm.xlane v17, v1;
	_ =	sdelay $0x1  }
0x1a4: {  	v20 =	vshll.u32 v18, $0x10;
	v18 =	vand.u32 $0xFFFF0000, v18  }
0x1a5: {  	v20 =	vmul.f32 v20, v19;
	v18 =	vmul.f32 v18, v19;
	_ =	sdelay $0x1  }
0x1a6: {  	[tilespmem:s17+$0xFFFFFE30] =	vst v20  }
0x1a7: {  	[tilespmem:s17+$0xFFFFFE40] =	vst v18  }
0x1a8: {  	v18 =	vld [tilespmem:s5+$0xFFFFFF30];
	_ =	sdelay $0x1  }
0x1a9: {  	v19 =	vperm.xlane v17, v2;
	_ =	sdelay $0x2  }
0x1aa: {  	v20 =	vshll.u32 v18, $0x10;
	v18 =	vand.u32 $0xFFFF0000, v18  }
0x1ab: {  	v20 =	vmul.f32 v20, v19;
	v18 =	vmul.f32 v18, v19;
	_ =	sdelay $0x1  }
0x1ac: {  	[tilespmem:s17+$0xFFFFFE50] =	vst v20  }
0x1ad: {  	[tilespmem:s17+$0xFFFFFE60] =	vst v18  }
0x1ae: {  	v18 =	vld [tilespmem:s5+$0xFFFFFF40]  }
0x1af: {  	v19 =	vperm.xlane v17, v3;
	_ =	sdelay $0x3  }
0x1b0: {  	v20 =	vshll.u32 v18, $0x10;
	v18 =	vand.u32 $0xFFFF0000, v18  }
0x1b1: {  	v20 =	vmul.f32 v20, v19;
	v18 =	vmul.f32 v18, v19;
	_ =	sdelay $0x1  }
0x1b2: {  	[tilespmem:s17+$0xFFFFFE70] =	vst v20  }
0x1b3: {  	[tilespmem:s17+$0xFFFFFE80] =	vst v18  }
0x1b4: {  	v18 =	vperm.xlane v17, v4;
	v19 =	vld [tilespmem:s5+$0xFFFFFF50];
	_ =	sdelay $0x4  }
0x1b5: {  	v20 =	vshll.u32 v19, $0x10;
	v19 =	vand.u32 $0xFFFF0000, v19  }
0x1b6: {  	v20 =	vmul.f32 v20, v18;
	v18 =	vmul.f32 v19, v18;
	_ =	sdelay $0x1  }
0x1b7: {  	[tilespmem:s17+$0xFFFFFE90] =	vst v20  }
0x1b8: {  	[tilespmem:s17+$0xFFFFFEA0] =	vst v18;
	v18 =	vperm.xlane v17, v5  }
0x1b9: {  	v19 =	vld [tilespmem:s5+$0xFFFFFF60];
	_ =	sdelay $0x4  }
0x1ba: {  	v20 =	vshll.u32 v19, $0x10;
	v19 =	vand.u32 $0xFFFF0000, v19  }
0x1bb: {  	v20 =	vmul.f32 v20, v18;
	v18 =	vmul.f32 v19, v18;
	_ =	sdelay $0x1  }
0x1bc: {  	v19 =	vperm.xlane v17, v6;
	[tilespmem:s17+$0xFFFFFEB0] =	vst v20  }
0x1bd: {  	[tilespmem:s17+$0xFFFFFEC0] =	vst v18  }
0x1be: {  	v18 =	vld [tilespmem:s5+$0xFFFFFF70];
	_ =	sdelay $0x4  }
0x1bf: {  	v20 =	vshll.u32 v18, $0x10;
	v18 =	vand.u32 $0xFFFF0000, v18  }
0x1c0: {  	v20 =	vmul.f32 v20, v19;
	v18 =	vmul.f32 v18, v19  }
0x1c1: {  	v19 =	vperm.xlane v17, v7  }
0x1c2: {  	[tilespmem:s17+$0xFFFFFED0] =	vst v20  }
0x1c3: {  	[tilespmem:s17+$0xFFFFFEE0] =	vst v18  }
0x1c4: {  	v18 =	vld [tilespmem:s5+$0xFFFFFF80];
	_ =	sdelay $0x4  }
0x1c5: {  	v21 =	vperm.xlane v17, v8;
	v20 =	vshll.u32 v18, $0x10;
	v18 =	vand.u32 $0xFFFF0000, v18  }
0x1c6: {  	v20 =	vmul.f32 v20, v19;
	v18 =	vmul.f32 v18, v19;
	_ =	sdelay $0x1  }
0x1c7: {  	[tilespmem:s17+$0xFFFFFEF0] =	vst v20  }
0x1c8: {  	[tilespmem:s17+$0xFFFFFF00] =	vst v18  }
0x1c9: {  	v18 =	vld [tilespmem:s5+$0xFFFFFF90];
	_ =	sdelay $0x4  }
0x1ca: {  	v20 =	vperm.xlane v17, v9;
	v19 =	vshll.u32 v18, $0x10;
	v18 =	vand.u32 $0xFFFF0000, v18  }
0x1cb: {  	v19 =	vmul.f32 v19, v21;
	v18 =	vmul.f32 v18, v21;
	_ =	sdelay $0x1  }
0x1cc: {  	[tilespmem:s17+$0xFFFFFF10] =	vst v19  }
0x1cd: {  	[tilespmem:s17+$0xFFFFFF20] =	vst v18  }
0x1ce: {  	v18 =	vld [tilespmem:s5+$0xFFFFFFA0];
	_ =	sdelay $0x3  }
0x1cf: {  	v19 =	vperm.xlane v17, v10  }
0x1d0: {  	v21 =	vshll.u32 v18, $0x10;
	v18 =	vand.u32 $0xFFFF0000, v18  }
0x1d1: {  	v21 =	vmul.f32 v21, v20;
	v18 =	vmul.f32 v18, v20;
	_ =	sdelay $0x1  }
0x1d2: {  	[tilespmem:s17+$0xFFFFFF30] =	vst v21  }
0x1d3: {  	[tilespmem:s17+$0xFFFFFF40] =	vst v18  }
0x1d4: {  	v18 =	vld [tilespmem:s5+$0xFFFFFFB0];
	_ =	sdelay $0x2  }
0x1d5: {  	v20 =	vperm.xlane v17, v11;
	_ =	sdelay $0x1  }
0x1d6: {  	v21 =	vshll.u32 v18, $0x10;
	v18 =	vand.u32 $0xFFFF0000, v18  }
0x1d7: {  	v21 =	vmul.f32 v21, v19;
	v18 =	vmul.f32 v18, v19;
	_ =	sdelay $0x1  }
0x1d8: {  	[tilespmem:s17+$0xFFFFFF50] =	vst v21  }
0x1d9: {  	[tilespmem:s17+$0xFFFFFF60] =	vst v18  }
0x1da: {  	v18 =	vld [tilespmem:s5+$0xFFFFFFC0];
	_ =	sdelay $0x1  }
0x1db: {  	v19 =	vperm.xlane v17, v12;
	_ =	sdelay $0x2  }
0x1dc: {  	v21 =	vshll.u32 v18, $0x10;
	v18 =	vand.u32 $0xFFFF0000, v18  }
0x1dd: {  	v21 =	vmul.f32 v21, v20;
	v18 =	vmul.f32 v18, v20;
	_ =	sdelay $0x1  }
0x1de: {  	[tilespmem:s17+$0xFFFFFF70] =	vst v21  }
0x1df: {  	[tilespmem:s17+$0xFFFFFF80] =	vst v18  }
0x1e0: {  	v18 =	vld [tilespmem:s5+$0xFFFFFFD0]  }
0x1e1: {  	v20 =	vperm.xlane v17, v13;
	_ =	sdelay $0x3  }
0x1e2: {  	v21 =	vshll.u32 v18, $0x10;
	v18 =	vand.u32 $0xFFFF0000, v18  }
0x1e3: {  	v21 =	vmul.f32 v21, v19;
	v18 =	vmul.f32 v18, v19;
	_ =	sdelay $0x1  }
0x1e4: {  	[tilespmem:s17+$0xFFFFFF90] =	vst v21  }
0x1e5: {  	[tilespmem:s17+$0xFFFFFFA0] =	vst v18  }
0x1e6: {  	v18 =	vperm.xlane v17, v14;
	v19 =	vld [tilespmem:s5+$0xFFFFFFE0];
	_ =	sdelay $0x4  }
0x1e7: {  	v21 =	vshll.u32 v19, $0x10;
	v19 =	vand.u32 $0xFFFF0000, v19  }
.Ltmp4:
0x1e8: {  	v21 =	vmul.f32 v21, v20;
	v19 =	vmul.f32 v19, v20;
	(pc) =	sbr.rel @p1 .LBB2_7-.Ltmp4, $4  }
0x1e9: {  	_ = 	snop  }
0x1ea: {  	[tilespmem:s17+$0xFFFFFFB0] =	vst v21  }
0x1eb: {  	v17 =	vperm.xlane v17, v15;
	[tilespmem:s17+$0xFFFFFFC0] =	vst v19  }
0x1ec: {  	v19 =	vld [tilespmem:s5+$0xFFFFFFF0]  }
0x1ed: {  	_ =	sdelay $0x3  }
0x1ee: {  	v16 =	vshll.u32 v19, $0x10  }
0x1ef: {  	v61 =	vand.u32 $0xFFFF0000, v19;
	v16 =	vmul.f32 v16, v18  }
0x1f0: {  	v62 =	vmul.f32 v61, v18  }
0x1f1: {  	[tilespmem:s7+$0xFFFFFFD0] =	vst v16  }
0x1f2: {  	[tilespmem:s7+$0xFFFFFFE0] =	vst v62  }
0x1f3: {  	v16 =	vld [tilespmem:s8+$0x0];
	_ =	sdelay $0x4  }
0x1f4: {  	v63 =	vshll.u32 v16, $0x10  }
.Ltmp5:
0x1f5: {  	v16 =	vand.u32 $0xFFFF0000, v16;
	v18 =	vmul.f32 v63, v17;
	(pc) =	sbr.rel @p0 .LBB2_10-.Ltmp5, $4  }
0x1f6: {  	v16 =	vmul.f32 v16, v17  }
0x1f7: {  	[tilespmem:s7+$0xFFFFFFF0] =	vst v18  }
0x1f8: {  	s5 =	sadd.s32 $0xED30, s26;
	[tilespmem:s7+$0x0] =	vst v16  }
0x1f9: {  	[spmem:s2] =	stream.indirect.scatter.add.f32 [tilespmem:s30], [sflag:$0x4], $0x20, s5, s24, $0xb8;
	[tilespmem:$0x16D30] =	vst v63  }
.Ltmp6:
0x1fa: {  	(pc) =	sbr.rel .LBB2_2-.Ltmp6, $3  }
0x1fb: {  	_ =	sdelay $0x1  }
0x1fc: {  	s5 =	sadd.s32 $0xC6B0, s25;
	s18 =	sadd.s32 $0x1, s18;
	s1 =	sadd.s32 $0x100, s1  }
0x1fd: {  	[tilespmem:s28], [sflag:$0x2] =	stream.indirect.gather [spmem:s3], $0x10, s5, s24, $0xb8;
	[tilespmem:$0x16D30] =	vst v63  }
.LBB2_11:
0x1fe: {  	_ =	sfence.sel $0x180000  }
0x1ff: {  	[bflag:$0x0] =	sbarrier.arrive $0xFFFF  }
0x200: {  	_ =	strace $0x90000047  }
0x201: {  	s0 =	stileid.u32;
	[bflag:$0x2] =	sbarrier.arrive $0xFFFF  }
0x202: {  	p0 =	sne.s32 s0, $0x0;
	s0 =	rddreg [dreg:$0x7]  }
0x203: {  	s0 =	sadd.s32 @!p0 $0x100000, s0  }
0x204: {  	[sflag:s0] =	ssyncadd.tile.s32 @!p0 $0x1;
	_ =	shalt  }
.Lfunc_end2:
_tile_overlayer_lowered:
.L_overlay_start_2:
0x205: {  	(tag) =	ssettag $0x2  }
0x206: {  	s0 =	rddreg [dreg:$0x0];
	s2 =	stileid.u32  }
0x207: {  	s1 =	rddreg [dreg:$0x1];
	p0 =	sne.s32 s2, $0x0  }
0x208: {  	s3 =	rddreg [dreg:$0x2];
	[bflag:$0x3] =	sbarrier.arrive $0xFFFF;
	s2 =	simm.s32 @!p0 $0x1C05  }
0x209: {  	[timem:s3], [sflag:s2] =	dma.local @!p0 [hbm:s0], s1  }
0x20a: {  	s0 =	simm.s32 @!p0 $0x5  }
0x20b: {  	_ =	swait.ge @!p0 [sflag:s0], s1  }
0x20c: {  	s1 =	ssub.s32 @!p0 $0x0, s1;
	[sflag:s0] =	ssyncset.done @!p0 $0x0  }
0x20d: {  	[sflag:s0] =	ssyncadd.s32 @!p0 s1  }
0x20e: {  	[bflag:$0x3] =	sbarrier.arrive $0xFFFF  }
0x20f: {  	_ =	shalt  }

</sc_bundles>
